<compile_context>
chip_gen: v7x
topology: tpu7x:2x2x1
jax: 0.10.2.dev20260603
libtpu: 0.0.44.dev20260713+nightly
codegen_flags: <defaults>
</compile_context>

<pallas_src>
import jax
import jax.numpy as jnp
from jax import lax
from jax.experimental import pallas as pl
from jax.experimental.pallas import tpu as pltpu
from jax.experimental.pallas import tpu_sc as plsc

BATCH = 16384
NC = 2
NS = 16
NW = NC * NS
B_PER_W = BATCH // NW
CHUNK = 128
NCHUNK = B_PER_W // CHUNK
LANES = 16
WAVES = [(0, 0, 64), (0, 64, 64), (1, 0, 128), (2, 0, 128), (3, 0, 128)]


def _irt_body(stu_idx_hbm, exer_idx_hbm, ws_hbm, wk_hbm, we_hbm, out_hbm,
              sidx_v, eidx_v, s_v, k_v, e_v, out_v, osem, *sems):
    isems = sems[:NCHUNK]
    gsems = sems[NCHUNK:]
    wid = lax.axis_index("s") * NC + lax.axis_index("c")
    base = wid * B_PER_W

    idx_copies = [
        (
            pltpu.async_copy(stu_idx_hbm.at[wid, j], sidx_v.at[j], isems[j]),
            pltpu.async_copy(exer_idx_hbm.at[wid, j], eidx_v.at[j], isems[j]),
        )
        for j in range(NCHUNK)
    ]

    gathers = []
    waited_rows = set()
    for w, (j, off, ln) in enumerate(WAVES):
        if j not in waited_rows:
            for c in idx_copies[j]:
                c.wait()
            waited_rows.add(j)
        sl = pl.ds(off, ln)
        gathers.append((
            pltpu.async_copy(ws_hbm.at[sidx_v.at[j, sl]], s_v.at[j, sl], gsems[w]),
            pltpu.async_copy(wk_hbm.at[eidx_v.at[j, sl]], k_v.at[j, sl], gsems[w]),
            pltpu.async_copy(we_hbm.at[eidx_v.at[j, sl]], e_v.at[j, sl], gsems[w]),
        ))

    one = jnp.full((LANES,), 1.0, dtype=jnp.float32)
    out_copies = []
    for w, (j, off, ln) in enumerate(WAVES):
        for c in gathers[w]:
            c.wait()
        for i in range(ln // LANES):
            sl = pl.ds(off + i * LANES, LANES)
            es = jnp.exp(-s_v[j, sl])
            ek = jnp.exp(-k_v[j, sl])
            ee = jnp.exp(-e_v[j, sl])
            z = (1.7 * (ek - es)) / ((one + ee) * (one + es) * (one + ek))
            out_v[pl.ds(j * CHUNK + off + i * LANES, LANES)] = one / (one + jnp.exp(-z))
        out_copies.append(pltpu.async_copy(
            out_v.at[pl.ds(j * CHUNK + off, ln)],
            out_hbm.at[pl.ds(base + j * CHUNK + off, ln)], osem))
    for c in out_copies:
        c.wait()


@jax.jit
def _irt_sc(stu_idx, exer_idx, ws, wk, we):
    mesh = plsc.VectorSubcoreMesh(core_axis_name="c", subcore_axis_name="s")
    return pl.kernel(
        _irt_body,
        mesh=mesh,
        out_type=jax.ShapeDtypeStruct((BATCH,), jnp.float32),
        scratch_types=[
            pltpu.VMEM((NCHUNK, CHUNK), jnp.int32),
            pltpu.VMEM((NCHUNK, CHUNK), jnp.int32),
            pltpu.VMEM((NCHUNK, CHUNK), jnp.float32),
            pltpu.VMEM((NCHUNK, CHUNK), jnp.float32),
            pltpu.VMEM((NCHUNK, CHUNK), jnp.float32),
            pltpu.VMEM((B_PER_W,), jnp.float32),
            pltpu.SemaphoreType.DMA,
        ] + [pltpu.SemaphoreType.DMA] * (NCHUNK + len(WAVES)),
    )(stu_idx, exer_idx, ws, wk, we)


def kernel(stu_id, exer_id, W_student, W_k_difficulty, W_e_discrimination):
    stu_idx = stu_id.astype(jnp.int32).reshape(NW, NCHUNK, CHUNK)
    exer_idx = exer_id.astype(jnp.int32).reshape(NW, NCHUNK, CHUNK)
    ws = W_student.reshape(-1)
    wk = W_k_difficulty.reshape(-1)
    we = W_e_discrimination.reshape(-1)
    return _irt_sc(stu_idx, exer_idx, ws, wk, we)

# --- scband reference (transcript-rebuilt; emitter-appended) ---
"""Pipeline reference for scband-irt-2491081032065 (READ-ONLY COPY).

The authoritative reference and input builder live on the scoring server;
editing this copy changes nothing except your own understanding.
"""

import jax, jax.numpy as jnp
import numpy as np

STUDENT_N = 1000000
EXER_N = 100000
BATCH = 16384

def _xavier_normal(key, shape):
    fan_in, fan_out = shape[0], shape[1]
    std = np.sqrt(2.0 / (fan_in + fan_out))
    return jax.random.normal(key, shape, dtype=jnp.float32) * std

def setup_inputs(seed: int = 0) -> dict:
    key = jax.random.key(seed)
    k1, k2, k3, k4, k5 = jax.random.split(key, 5)
    stu_id = jax.random.randint(k1, (BATCH,), 0, STUDENT_N, dtype=jnp.int64 if jax.config.jax_enable_x64 else jnp.int32)
    exer_id = jax.random.randint(k2, (BATCH,), 0, EXER_N, dtype=jnp.int64 if jax.config.jax_enable_x64 else jnp.int32)
    W_student = _xavier_normal(k3, (STUDENT_N, 1))
    W_k_difficulty = _xavier_normal(k4, (EXER_N, 1))
    W_e_discrimination = _xavier_normal(k5, (EXER_N, 1))
    return {
        "stu_id": stu_id,
        "exer_id": exer_id,
        "W_student": W_student,
        "W_k_difficulty": W_k_difficulty,
        "W_e_discrimination": W_e_discrimination,
    }

def reference(stu_id, exer_id, W_student, W_k_difficulty, W_e_discrimination):
    stu_emb = jax.nn.sigmoid(jnp.take(W_student, stu_id, axis=0))            # [B, 1]
    k_difficulty = jax.nn.sigmoid(jnp.take(W_k_difficulty, exer_id, axis=0)) # [B, 1]
    e_discrimination = jax.nn.sigmoid(jnp.take(W_e_discrimination, exer_id, axis=0))  # [B, 1]
    output = 1.0 / (1.0 + jnp.exp(-e_discrimination * 1.7 * (stu_emb - k_difficulty)))
    output = jnp.squeeze(output, axis=1)  # [B]
    return output

if __name__ == "__main__":
    import jax
    _d = setup_inputs()
    print(jax.jit(kernel)(*tuple(_d.values())))

</pallas_src>

<mosaic_0001>
#map = affine_map<(d0, d1) -> (0, 0, 0)>
#map1 = affine_map<(d0, d1) -> (0)>
module attributes {stable_mosaic.version = 14 : i64} {
  func.func @_irt_body(%arg0: i32, %arg1: i32, %arg2: memref<32x4x128xi32, #tpu.memory_space<hbm>>, %arg3: memref<32x4x128xi32, #tpu.memory_space<hbm>>, %arg4: memref<1000000xf32, #tpu.memory_space<hbm>>, %arg5: memref<100000xf32, #tpu.memory_space<hbm>>, %arg6: memref<100000xf32, #tpu.memory_space<hbm>>, %arg7: memref<16384xf32, #tpu.memory_space<hbm>>, %arg8: memref<4x128xi32, #tpu.memory_space<vmem>>, %arg9: memref<4x128xi32, #tpu.memory_space<vmem>>, %arg10: memref<4x128xf32, #tpu.memory_space<vmem>>, %arg11: memref<4x128xf32, #tpu.memory_space<vmem>>, %arg12: memref<4x128xf32, #tpu.memory_space<vmem>>, %arg13: memref<512xf32, #tpu.memory_space<vmem>>, %arg14: memref<!tpu.dma_semaphore, #tpu.memory_space<semaphore_mem>>, %arg15: memref<!tpu.dma_semaphore, #tpu.memory_space<semaphore_mem>>, %arg16: memref<!tpu.dma_semaphore, #tpu.memory_space<semaphore_mem>>, %arg17: memref<!tpu.dma_semaphore, #tpu.memory_space<semaphore_mem>>, %arg18: memref<!tpu.dma_semaphore, #tpu.memory_space<semaphore_mem>>, %arg19: memref<!tpu.dma_semaphore, #tpu.memory_space<semaphore_mem>>, %arg20: memref<!tpu.dma_semaphore, #tpu.memory_space<semaphore_mem>>, %arg21: memref<!tpu.dma_semaphore, #tpu.memory_space<semaphore_mem>>, %arg22: memref<!tpu.dma_semaphore, #tpu.memory_space<semaphore_mem>>, %arg23: memref<!tpu.dma_semaphore, #tpu.memory_space<semaphore_mem>>) attributes {dimension_semantics = [#tpu.dimension_semantics<core_parallel>, #tpu.dimension_semantics<subcore_parallel>], iteration_bounds = array<i64: 2, 16>, scalar_prefetch = 0 : i64, scratch_operands = 16 : i64, tpu.core_type = #tpu.core_type<sc_vector_subcore>, window_params = [{transform_indices = #map}, {transform_indices = #map}, {transform_indices = #map1}, {transform_indices = #map1}, {transform_indices = #map1}, {transform_indices = #map1}]} {
    %mul3A = arith.constant 2 : i32
    %mul3A_0 = arith.muli %arg1, %mul3A : i32
    %add3A = arith.addi %mul3A_0, %arg0 : i32
    %mul3A_1 = arith.constant 512 : i32
    %mul3A_2 = arith.muli %add3A, %mul3A_1 : i32
    %dma_start3A = arith.constant 0 : i32
    %dma_start3A_3 = arith.constant 0 : i32
    %dma_start3A_4 = arith.constant 0 : i32
    %dma_start3A_5 = tpu.memref_slice %arg8[%dma_start3A_3, %dma_start3A_4] : memref<4x128xi32, #tpu.memory_space<vmem>> -> memref<1x128xi32, #tpu.memory_space<vmem>>
    %dma_start3A_6 = tpu.memref_squeeze %dma_start3A_5 : memref<1x128xi32, #tpu.memory_space<vmem>> -> memref<128xi32, #tpu.memory_space<vmem>>
    %dma_start3A_7 = arith.constant 0 : i32
    %dma_start3A_8 = tpu.memref_slice %arg2[%add3A, %dma_start3A, %dma_start3A_7] : memref<32x4x128xi32, #tpu.memory_space<hbm>> -> memref<1x1x128xi32, #tpu.memory_space<hbm>>
    %dma_start3A_9 = tpu.memref_squeeze %dma_start3A_8 : memref<1x1x128xi32, #tpu.memory_space<hbm>> -> memref<128xi32, #tpu.memory_space<hbm>>
    %dma_start3A_10 = arith.constant 0 : i32
    %dma_start3A_11 = tpu.memref_slice %arg8[%dma_start3A_3, %dma_start3A_10] : memref<4x128xi32, #tpu.memory_space<vmem>> -> memref<1x128xi32, #tpu.memory_space<vmem>>
    %dma_start3A_12 = tpu.memref_squeeze %dma_start3A_11 : memref<1x128xi32, #tpu.memory_space<vmem>> -> memref<128xi32, #tpu.memory_space<vmem>>
    %dma_start3A_13 = arith.constant 0 : i32
    %dma_start3A_14 = tpu.memref_slice %arg2[%add3A, %dma_start3A, %dma_start3A_13] : memref<32x4x128xi32, #tpu.memory_space<hbm>> -> memref<1x1x128xi32, #tpu.memory_space<hbm>>
    %dma_start3A_15 = tpu.memref_squeeze %dma_start3A_14 : memref<1x1x128xi32, #tpu.memory_space<hbm>> -> memref<128xi32, #tpu.memory_space<hbm>>
    tpu.enqueue_dma source(%dma_start3A_15 : memref<128xi32, #tpu.memory_space<hbm>>) target(%dma_start3A_12 : memref<128xi32, #tpu.memory_space<vmem>>) target_semaphore(%arg15 : memref<!tpu.dma_semaphore, #tpu.memory_space<semaphore_mem>>)
    %dma_start3A_16 = arith.constant 0 : i32
    %dma_start3A_17 = arith.constant 0 : i32
    %dma_start3A_18 = arith.constant 0 : i32
    %dma_start3A_19 = tpu.memref_slice %arg9[%dma_start3A_17, %dma_start3A_18] : memref<4x128xi32, #tpu.memory_space<vmem>> -> memref<1x128xi32, #tpu.memory_space<vmem>>
    %dma_start3A_20 = tpu.memref_squeeze %dma_start3A_19 : memref<1x128xi32, #tpu.memory_space<vmem>> -> memref<128xi32, #tpu.memory_space<vmem>>
    %dma_start3A_21 = arith.constant 0 : i32
    %dma_start3A_22 = tpu.memref_slice %arg3[%add3A, %dma_start3A_16, %dma_start3A_21] : memref<32x4x128xi32, #tpu.memory_space<hbm>> -> memref<1x1x128xi32, #tpu.memory_space<hbm>>
    %dma_start3A_23 = tpu.memref_squeeze %dma_start3A_22 : memref<1x1x128xi32, #tpu.memory_space<hbm>> -> memref<128xi32, #tpu.memory_space<hbm>>
    %dma_start3A_24 = arith.constant 0 : i32
    %dma_start3A_25 = tpu.memref_slice %arg9[%dma_start3A_17, %dma_start3A_24] : memref<4x128xi32, #tpu.memory_space<vmem>> -> memref<1x128xi32, #tpu.memory_space<vmem>>
    %dma_start3A_26 = tpu.memref_squeeze %dma_start3A_25 : memref<1x128xi32, #tpu.memory_space<vmem>> -> memref<128xi32, #tpu.memory_space<vmem>>
    %dma_start3A_27 = arith.constant 0 : i32
    %dma_start3A_28 = tpu.memref_slice %arg3[%add3A, %dma_start3A_16, %dma_start3A_27] : memref<32x4x128xi32, #tpu.memory_space<hbm>> -> memref<1x1x128xi32, #tpu.memory_space<hbm>>
    %dma_start3A_29 = tpu.memref_squeeze %dma_start3A_28 : memref<1x1x128xi32, #tpu.memory_space<hbm>> -> memref<128xi32, #tpu.memory_space<hbm>>
    tpu.enqueue_dma source(%dma_start3A_29 : memref<128xi32, #tpu.memory_space<hbm>>) target(%dma_start3A_26 : memref<128xi32, #tpu.memory_space<vmem>>) target_semaphore(%arg15 : memref<!tpu.dma_semaphore, #tpu.memory_space<semaphore_mem>>)
    %dma_start3A_30 = arith.constant 1 : i32
    %dma_start3A_31 = arith.constant 1 : i32
    %dma_start3A_32 = arith.constant 0 : i32
    %dma_start3A_33 = tpu.memref_slice %arg8[%dma_start3A_31, %dma_start3A_32] : memref<4x128xi32, #tpu.memory_space<vmem>> -> memref<1x128xi32, #tpu.memory_space<vmem>>
    %dma_start3A_34 = tpu.memref_squeeze %dma_start3A_33 : memref<1x128xi32, #tpu.memory_space<vmem>> -> memref<128xi32, #tpu.memory_space<vmem>>
    %dma_start3A_35 = arith.constant 0 : i32
    %dma_start3A_36 = tpu.memref_slice %arg2[%add3A, %dma_start3A_30, %dma_start3A_35] : memref<32x4x128xi32, #tpu.memory_space<hbm>> -> memref<1x1x128xi32, #tpu.memory_space<hbm>>
    %dma_start3A_37 = tpu.memref_squeeze %dma_start3A_36 : memref<1x1x128xi32, #tpu.memory_space<hbm>> -> memref<128xi32, #tpu.memory_space<hbm>>
    %dma_start3A_38 = arith.constant 0 : i32
    %dma_start3A_39 = tpu.memref_slice %arg8[%dma_start3A_31, %dma_start3A_38] : memref<4x128xi32, #tpu.memory_space<vmem>> -> memref<1x128xi32, #tpu.memory_space<vmem>>
    %dma_start3A_40 = tpu.memref_squeeze %dma_start3A_39 : memref<1x128xi32, #tpu.memory_space<vmem>> -> memref<128xi32, #tpu.memory_space<vmem>>
    %dma_start3A_41 = arith.constant 0 : i32
    %dma_start3A_42 = tpu.memref_slice %arg2[%add3A, %dma_start3A_30, %dma_start3A_41] : memref<32x4x128xi32, #tpu.memory_space<hbm>> -> memref<1x1x128xi32, #tpu.memory_space<hbm>>
    %dma_start3A_43 = tpu.memref_squeeze %dma_start3A_42 : memref<1x1x128xi32, #tpu.memory_space<hbm>> -> memref<128xi32, #tpu.memory_space<hbm>>
    tpu.enqueue_dma source(%dma_start3A_43 : memref<128xi32, #tpu.memory_space<hbm>>) target(%dma_start3A_40 : memref<128xi32, #tpu.memory_space<vmem>>) target_semaphore(%arg16 : memref<!tpu.dma_semaphore, #tpu.memory_space<semaphore_mem>>)
    %dma_start3A_44 = arith.constant 1 : i32
    %dma_start3A_45 = arith.constant 1 : i32
    %dma_start3A_46 = arith.constant 0 : i32
    %dma_start3A_47 = tpu.memref_slice %arg9[%dma_start3A_45, %dma_start3A_46] : memref<4x128xi32, #tpu.memory_space<vmem>> -> memref<1x128xi32, #tpu.memory_space<vmem>>
    %dma_start3A_48 = tpu.memref_squeeze %dma_start3A_47 : memref<1x128xi32, #tpu.memory_space<vmem>> -> memref<128xi32, #tpu.memory_space<vmem>>
    %dma_start3A_49 = arith.constant 0 : i32
    %dma_start3A_50 = tpu.memref_slice %arg3[%add3A, %dma_start3A_44, %dma_start3A_49] : memref<32x4x128xi32, #tpu.memory_space<hbm>> -> memref<1x1x128xi32, #tpu.memory_space<hbm>>
    %dma_start3A_51 = tpu.memref_squeeze %dma_start3A_50 : memref<1x1x128xi32, #tpu.memory_space<hbm>> -> memref<128xi32, #tpu.memory_space<hbm>>
    %dma_start3A_52 = arith.constant 0 : i32
    %dma_start3A_53 = tpu.memref_slice %arg9[%dma_start3A_45, %dma_start3A_52] : memref<4x128xi32, #tpu.memory_space<vmem>> -> memref<1x128xi32, #tpu.memory_space<vmem>>
    %dma_start3A_54 = tpu.memref_squeeze %dma_start3A_53 : memref<1x128xi32, #tpu.memory_space<vmem>> -> memref<128xi32, #tpu.memory_space<vmem>>
    %dma_start3A_55 = arith.constant 0 : i32
    %dma_start3A_56 = tpu.memref_slice %arg3[%add3A, %dma_start3A_44, %dma_start3A_55] : memref<32x4x128xi32, #tpu.memory_space<hbm>> -> memref<1x1x128xi32, #tpu.memory_space<hbm>>
    %dma_start3A_57 = tpu.memref_squeeze %dma_start3A_56 : memref<1x1x128xi32, #tpu.memory_space<hbm>> -> memref<128xi32, #tpu.memory_space<hbm>>
    tpu.enqueue_dma source(%dma_start3A_57 : memref<128xi32, #tpu.memory_space<hbm>>) target(%dma_start3A_54 : memref<128xi32, #tpu.memory_space<vmem>>) target_semaphore(%arg16 : memref<!tpu.dma_semaphore, #tpu.memory_space<semaphore_mem>>)
    %dma_start3A_58 = arith.constant 2 : i32
    %dma_start3A_59 = arith.constant 2 : i32
    %dma_start3A_60 = arith.constant 0 : i32
    %dma_start3A_61 = tpu.memref_slice %arg8[%dma_start3A_59, %dma_start3A_60] : memref<4x128xi32, #tpu.memory_space<vmem>> -> memref<1x128xi32, #tpu.memory_space<vmem>>
    %dma_start3A_62 = tpu.memref_squeeze %dma_start3A_61 : memref<1x128xi32, #tpu.memory_space<vmem>> -> memref<128xi32, #tpu.memory_space<vmem>>
    %dma_start3A_63 = arith.constant 0 : i32
    %dma_start3A_64 = tpu.memref_slice %arg2[%add3A, %dma_start3A_58, %dma_start3A_63] : memref<32x4x128xi32, #tpu.memory_space<hbm>> -> memref<1x1x128xi32, #tpu.memory_space<hbm>>
    %dma_start3A_65 = tpu.memref_squeeze %dma_start3A_64 : memref<1x1x128xi32, #tpu.memory_space<hbm>> -> memref<128xi32, #tpu.memory_space<hbm>>
    %dma_start3A_66 = arith.constant 0 : i32
    %dma_start3A_67 = tpu.memref_slice %arg8[%dma_start3A_59, %dma_start3A_66] : memref<4x128xi32, #tpu.memory_space<vmem>> -> memref<1x128xi32, #tpu.memory_space<vmem>>
    %dma_start3A_68 = tpu.memref_squeeze %dma_start3A_67 : memref<1x128xi32, #tpu.memory_space<vmem>> -> memref<128xi32, #tpu.memory_space<vmem>>
    %dma_start3A_69 = arith.constant 0 : i32
    %dma_start3A_70 = tpu.memref_slice %arg2[%add3A, %dma_start3A_58, %dma_start3A_69] : memref<32x4x128xi32, #tpu.memory_space<hbm>> -> memref<1x1x128xi32, #tpu.memory_space<hbm>>
    %dma_start3A_71 = tpu.memref_squeeze %dma_start3A_70 : memref<1x1x128xi32, #tpu.memory_space<hbm>> -> memref<128xi32, #tpu.memory_space<hbm>>
    tpu.enqueue_dma source(%dma_start3A_71 : memref<128xi32, #tpu.memory_space<hbm>>) target(%dma_start3A_68 : memref<128xi32, #tpu.memory_space<vmem>>) target_semaphore(%arg17 : memref<!tpu.dma_semaphore, #tpu.memory_space<semaphore_mem>>)
    %dma_start3A_72 = arith.constant 2 : i32
    %dma_start3A_73 = arith.constant 2 : i32
    %dma_start3A_74 = arith.constant 0 : i32
    %dma_start3A_75 = tpu.memref_slice %arg9[%dma_start3A_73, %dma_start3A_74] : memref<4x128xi32, #tpu.memory_space<vmem>> -> memref<1x128xi32, #tpu.memory_space<vmem>>
    %dma_start3A_76 = tpu.memref_squeeze %dma_start3A_75 : memref<1x128xi32, #tpu.memory_space<vmem>> -> memref<128xi32, #tpu.memory_space<vmem>>
    %dma_start3A_77 = arith.constant 0 : i32
    %dma_start3A_78 = tpu.memref_slice %arg3[%add3A, %dma_start3A_72, %dma_start3A_77] : memref<32x4x128xi32, #tpu.memory_space<hbm>> -> memref<1x1x128xi32, #tpu.memory_space<hbm>>
    %dma_start3A_79 = tpu.memref_squeeze %dma_start3A_78 : memref<1x1x128xi32, #tpu.memory_space<hbm>> -> memref<128xi32, #tpu.memory_space<hbm>>
    %dma_start3A_80 = arith.constant 0 : i32
    %dma_start3A_81 = tpu.memref_slice %arg9[%dma_start3A_73, %dma_start3A_80] : memref<4x128xi32, #tpu.memory_space<vmem>> -> memref<1x128xi32, #tpu.memory_space<vmem>>
    %dma_start3A_82 = tpu.memref_squeeze %dma_start3A_81 : memref<1x128xi32, #tpu.memory_space<vmem>> -> memref<128xi32, #tpu.memory_space<vmem>>
    %dma_start3A_83 = arith.constant 0 : i32
    %dma_start3A_84 = tpu.memref_slice %arg3[%add3A, %dma_start3A_72, %dma_start3A_83] : memref<32x4x128xi32, #tpu.memory_space<hbm>> -> memref<1x1x128xi32, #tpu.memory_space<hbm>>
    %dma_start3A_85 = tpu.memref_squeeze %dma_start3A_84 : memref<1x1x128xi32, #tpu.memory_space<hbm>> -> memref<128xi32, #tpu.memory_space<hbm>>
    tpu.enqueue_dma source(%dma_start3A_85 : memref<128xi32, #tpu.memory_space<hbm>>) target(%dma_start3A_82 : memref<128xi32, #tpu.memory_space<vmem>>) target_semaphore(%arg17 : memref<!tpu.dma_semaphore, #tpu.memory_space<semaphore_mem>>)
    %dma_start3A_86 = arith.constant 3 : i32
    %dma_start3A_87 = arith.constant 3 : i32
    %dma_start3A_88 = arith.constant 0 : i32
    %dma_start3A_89 = tpu.memref_slice %arg8[%dma_start3A_87, %dma_start3A_88] : memref<4x128xi32, #tpu.memory_space<vmem>> -> memref<1x128xi32, #tpu.memory_space<vmem>>
    %dma_start3A_90 = tpu.memref_squeeze %dma_start3A_89 : memref<1x128xi32, #tpu.memory_space<vmem>> -> memref<128xi32, #tpu.memory_space<vmem>>
    %dma_start3A_91 = arith.constant 0 : i32
    %dma_start3A_92 = tpu.memref_slice %arg2[%add3A, %dma_start3A_86, %dma_start3A_91] : memref<32x4x128xi32, #tpu.memory_space<hbm>> -> memref<1x1x128xi32, #tpu.memory_space<hbm>>
    %dma_start3A_93 = tpu.memref_squeeze %dma_start3A_92 : memref<1x1x128xi32, #tpu.memory_space<hbm>> -> memref<128xi32, #tpu.memory_space<hbm>>
    %dma_start3A_94 = arith.constant 0 : i32
    %dma_start3A_95 = tpu.memref_slice %arg8[%dma_start3A_87, %dma_start3A_94] : memref<4x128xi32, #tpu.memory_space<vmem>> -> memref<1x128xi32, #tpu.memory_space<vmem>>
    %dma_start3A_96 = tpu.memref_squeeze %dma_start3A_95 : memref<1x128xi32, #tpu.memory_space<vmem>> -> memref<128xi32, #tpu.memory_space<vmem>>
    %dma_start3A_97 = arith.constant 0 : i32
    %dma_start3A_98 = tpu.memref_slice %arg2[%add3A, %dma_start3A_86, %dma_start3A_97] : memref<32x4x128xi32, #tpu.memory_space<hbm>> -> memref<1x1x128xi32, #tpu.memory_space<hbm>>
    %dma_start3A_99 = tpu.memref_squeeze %dma_start3A_98 : memref<1x1x128xi32, #tpu.memory_space<hbm>> -> memref<128xi32, #tpu.memory_space<hbm>>
    tpu.enqueue_dma source(%dma_start3A_99 : memref<128xi32, #tpu.memory_space<hbm>>) target(%dma_start3A_96 : memref<128xi32, #tpu.memory_space<vmem>>) target_semaphore(%arg18 : memref<!tpu.dma_semaphore, #tpu.memory_space<semaphore_mem>>)
    %dma_start3A_100 = arith.constant 3 : i32
    %dma_start3A_101 = arith.constant 3 : i32
    %dma_start3A_102 = arith.constant 0 : i32
    %dma_start3A_103 = tpu.memref_slice %arg9[%dma_start3A_101, %dma_start3A_102] : memref<4x128xi32, #tpu.memory_space<vmem>> -> memref<1x128xi32, #tpu.memory_space<vmem>>
    %dma_start3A_104 = tpu.memref_squeeze %dma_start3A_103 : memref<1x128xi32, #tpu.memory_space<vmem>> -> memref<128xi32, #tpu.memory_space<vmem>>
    %dma_start3A_105 = arith.constant 0 : i32
    %dma_start3A_106 = tpu.memref_slice %arg3[%add3A, %dma_start3A_100, %dma_start3A_105] : memref<32x4x128xi32, #tpu.memory_space<hbm>> -> memref<1x1x128xi32, #tpu.memory_space<hbm>>
    %dma_start3A_107 = tpu.memref_squeeze %dma_start3A_106 : memref<1x1x128xi32, #tpu.memory_space<hbm>> -> memref<128xi32, #tpu.memory_space<hbm>>
    %dma_start3A_108 = arith.constant 0 : i32
    %dma_start3A_109 = tpu.memref_slice %arg9[%dma_start3A_101, %dma_start3A_108] : memref<4x128xi32, #tpu.memory_space<vmem>> -> memref<1x128xi32, #tpu.memory_space<vmem>>
    %dma_start3A_110 = tpu.memref_squeeze %dma_start3A_109 : memref<1x128xi32, #tpu.memory_space<vmem>> -> memref<128xi32, #tpu.memory_space<vmem>>
    %dma_start3A_111 = arith.constant 0 : i32
    %dma_start3A_112 = tpu.memref_slice %arg3[%add3A, %dma_start3A_100, %dma_start3A_111] : memref<32x4x128xi32, #tpu.memory_space<hbm>> -> memref<1x1x128xi32, #tpu.memory_space<hbm>>
    %dma_start3A_113 = tpu.memref_squeeze %dma_start3A_112 : memref<1x1x128xi32, #tpu.memory_space<hbm>> -> memref<128xi32, #tpu.memory_space<hbm>>
    tpu.enqueue_dma source(%dma_start3A_113 : memref<128xi32, #tpu.memory_space<hbm>>) target(%dma_start3A_110 : memref<128xi32, #tpu.memory_space<vmem>>) target_semaphore(%arg18 : memref<!tpu.dma_semaphore, #tpu.memory_space<semaphore_mem>>)
    %dma_wait3A = arith.constant 0 : i32
    %dma_wait3A_114 = arith.constant 0 : i32
    %dma_wait3A_115 = arith.constant 0 : i32
    %dma_wait3A_116 = tpu.memref_slice %arg8[%dma_wait3A_114, %dma_wait3A_115] : memref<4x128xi32, #tpu.memory_space<vmem>> -> memref<1x128xi32, #tpu.memory_space<vmem>>
    %dma_wait3A_117 = tpu.memref_squeeze %dma_wait3A_116 : memref<1x128xi32, #tpu.memory_space<vmem>> -> memref<128xi32, #tpu.memory_space<vmem>>
    %dma_wait3A_118 = arith.constant 0 : i32
    %dma_wait3A_119 = tpu.memref_slice %arg2[%add3A, %dma_wait3A, %dma_wait3A_118] : memref<32x4x128xi32, #tpu.memory_space<hbm>> -> memref<1x1x128xi32, #tpu.memory_space<hbm>>
    %dma_wait3A_120 = tpu.memref_squeeze %dma_wait3A_119 : memref<1x1x128xi32, #tpu.memory_space<hbm>> -> memref<128xi32, #tpu.memory_space<hbm>>
    %dma_wait3A_121 = arith.constant 0 : i32
    %dma_wait3A_122 = tpu.memref_slice %arg8[%dma_wait3A_114, %dma_wait3A_121] : memref<4x128xi32, #tpu.memory_space<vmem>> -> memref<1x128xi32, #tpu.memory_space<vmem>>
    %dma_wait3A_123 = tpu.memref_squeeze %dma_wait3A_122 : memref<1x128xi32, #tpu.memory_space<vmem>> -> memref<128xi32, #tpu.memory_space<vmem>>
    %dma_wait3A_124 = arith.constant 0 : i32
    %dma_wait3A_125 = tpu.memref_slice %arg2[%add3A, %dma_wait3A, %dma_wait3A_124] : memref<32x4x128xi32, #tpu.memory_space<hbm>> -> memref<1x1x128xi32, #tpu.memory_space<hbm>>
    %dma_wait3A_126 = tpu.memref_squeeze %dma_wait3A_125 : memref<1x1x128xi32, #tpu.memory_space<hbm>> -> memref<128xi32, #tpu.memory_space<hbm>>
    tpu.wait_dma2 semaphore(%arg15 : memref<!tpu.dma_semaphore, #tpu.memory_space<semaphore_mem>>) src(%dma_wait3A_126 : memref<128xi32, #tpu.memory_space<hbm>>) dst(%dma_wait3A_123 : memref<128xi32, #tpu.memory_space<vmem>>)
    %dma_wait3A_127 = arith.constant 0 : i32
    %dma_wait3A_128 = arith.constant 0 : i32
    %dma_wait3A_129 = arith.constant 0 : i32
    %dma_wait3A_130 = tpu.memref_slice %arg9[%dma_wait3A_128, %dma_wait3A_129] : memref<4x128xi32, #tpu.memory_space<vmem>> -> memref<1x128xi32, #tpu.memory_space<vmem>>
    %dma_wait3A_131 = tpu.memref_squeeze %dma_wait3A_130 : memref<1x128xi32, #tpu.memory_space<vmem>> -> memref<128xi32, #tpu.memory_space<vmem>>
    %dma_wait3A_132 = arith.constant 0 : i32
    %dma_wait3A_133 = tpu.memref_slice %arg3[%add3A, %dma_wait3A_127, %dma_wait3A_132] : memref<32x4x128xi32, #tpu.memory_space<hbm>> -> memref<1x1x128xi32, #tpu.memory_space<hbm>>
    %dma_wait3A_134 = tpu.memref_squeeze %dma_wait3A_133 : memref<1x1x128xi32, #tpu.memory_space<hbm>> -> memref<128xi32, #tpu.memory_space<hbm>>
    %dma_wait3A_135 = arith.constant 0 : i32
    %dma_wait3A_136 = tpu.memref_slice %arg9[%dma_wait3A_128, %dma_wait3A_135] : memref<4x128xi32, #tpu.memory_space<vmem>> -> memref<1x128xi32, #tpu.memory_space<vmem>>
    %dma_wait3A_137 = tpu.memref_squeeze %dma_wait3A_136 : memref<1x128xi32, #tpu.memory_space<vmem>> -> memref<128xi32, #tpu.memory_space<vmem>>
    %dma_wait3A_138 = arith.constant 0 : i32
    %dma_wait3A_139 = tpu.memref_slice %arg3[%add3A, %dma_wait3A_127, %dma_wait3A_138] : memref<32x4x128xi32, #tpu.memory_space<hbm>> -> memref<1x1x128xi32, #tpu.memory_space<hbm>>
    %dma_wait3A_140 = tpu.memref_squeeze %dma_wait3A_139 : memref<1x1x128xi32, #tpu.memory_space<hbm>> -> memref<128xi32, #tpu.memory_space<hbm>>
    tpu.wait_dma2 semaphore(%arg15 : memref<!tpu.dma_semaphore, #tpu.memory_space<semaphore_mem>>) src(%dma_wait3A_140 : memref<128xi32, #tpu.memory_space<hbm>>) dst(%dma_wait3A_137 : memref<128xi32, #tpu.memory_space<vmem>>)
    %dma_start3A_141 = arith.constant 0 : i32
    %dma_start3A_142 = arith.constant 0 : i32
    %dma_start3A_143 = arith.constant 0 : i32
    %dma_start3A_144 = tpu.memref_slice %arg10[%dma_start3A_142, %dma_start3A_143] : memref<4x128xf32, #tpu.memory_space<vmem>> -> memref<1x64xf32, #tpu.memory_space<vmem>>
    %dma_start3A_145 = tpu.memref_squeeze %dma_start3A_144 : memref<1x64xf32, #tpu.memory_space<vmem>> -> memref<64xf32, #tpu.memory_space<vmem>>
    %dma_start3A_146 = arith.constant 0 : i32
    %dma_start3A_147 = tpu.memref_slice %arg8[%dma_start3A_141, %dma_start3A_146] : memref<4x128xi32, #tpu.memory_space<vmem>> -> memref<1x64xi32, #tpu.memory_space<vmem>>
    %dma_start3A_148 = tpu.memref_squeeze %dma_start3A_147 : memref<1x64xi32, #tpu.memory_space<vmem>> -> memref<64xi32, #tpu.memory_space<vmem>>
    %dma_start3A_149 = arith.constant 0 : i32
    %dma_start3A_150 = tpu.memref_slice %arg4[%dma_start3A_149] : memref<1000000xf32, #tpu.memory_space<hbm>> -> memref<1000000xf32, #tpu.memory_space<hbm>>
    tpu.enqueue_indirect_dma source(%dma_start3A_150 : memref<1000000xf32, #tpu.memory_space<hbm>>) target(%dma_start3A_145 : memref<64xf32, #tpu.memory_space<vmem>>) offsets(%dma_start3A_148 : memref<64xi32, #tpu.memory_space<vmem>>) semaphore(%arg19 : memref<!tpu.dma_semaphore, #tpu.memory_space<semaphore_mem>>)
    %dma_start3A_151 = arith.constant 0 : i32
    %dma_start3A_152 = arith.constant 0 : i32
    %dma_start3A_153 = arith.constant 0 : i32
    %dma_start3A_154 = tpu.memref_slice %arg11[%dma_start3A_152, %dma_start3A_153] : memref<4x128xf32, #tpu.memory_space<vmem>> -> memref<1x64xf32, #tpu.memory_space<vmem>>
    %dma_start3A_155 = tpu.memref_squeeze %dma_start3A_154 : memref<1x64xf32, #tpu.memory_space<vmem>> -> memref<64xf32, #tpu.memory_space<vmem>>
    %dma_start3A_156 = arith.constant 0 : i32
    %dma_start3A_157 = tpu.memref_slice %arg9[%dma_start3A_151, %dma_start3A_156] : memref<4x128xi32, #tpu.memory_space<vmem>> -> memref<1x64xi32, #tpu.memory_space<vmem>>
    %dma_start3A_158 = tpu.memref_squeeze %dma_start3A_157 : memref<1x64xi32, #tpu.memory_space<vmem>> -> memref<64xi32, #tpu.memory_space<vmem>>
    %dma_start3A_159 = arith.constant 0 : i32
    %dma_start3A_160 = tpu.memref_slice %arg5[%dma_start3A_159] : memref<100000xf32, #tpu.memory_space<hbm>> -> memref<100000xf32, #tpu.memory_space<hbm>>
    tpu.enqueue_indirect_dma source(%dma_start3A_160 : memref<100000xf32, #tpu.memory_space<hbm>>) target(%dma_start3A_155 : memref<64xf32, #tpu.memory_space<vmem>>) offsets(%dma_start3A_158 : memref<64xi32, #tpu.memory_space<vmem>>) semaphore(%arg19 : memref<!tpu.dma_semaphore, #tpu.memory_space<semaphore_mem>>)
    %dma_start3A_161 = arith.constant 0 : i32
    %dma_start3A_162 = arith.constant 0 : i32
    %dma_start3A_163 = arith.constant 0 : i32
    %dma_start3A_164 = tpu.memref_slice %arg12[%dma_start3A_162, %dma_start3A_163] : memref<4x128xf32, #tpu.memory_space<vmem>> -> memref<1x64xf32, #tpu.memory_space<vmem>>
    %dma_start3A_165 = tpu.memref_squeeze %dma_start3A_164 : memref<1x64xf32, #tpu.memory_space<vmem>> -> memref<64xf32, #tpu.memory_space<vmem>>
    %dma_start3A_166 = arith.constant 0 : i32
    %dma_start3A_167 = tpu.memref_slice %arg9[%dma_start3A_161, %dma_start3A_166] : memref<4x128xi32, #tpu.memory_space<vmem>> -> memref<1x64xi32, #tpu.memory_space<vmem>>
    %dma_start3A_168 = tpu.memref_squeeze %dma_start3A_167 : memref<1x64xi32, #tpu.memory_space<vmem>> -> memref<64xi32, #tpu.memory_space<vmem>>
    %dma_start3A_169 = arith.constant 0 : i32
    %dma_start3A_170 = tpu.memref_slice %arg6[%dma_start3A_169] : memref<100000xf32, #tpu.memory_space<hbm>> -> memref<100000xf32, #tpu.memory_space<hbm>>
    tpu.enqueue_indirect_dma source(%dma_start3A_170 : memref<100000xf32, #tpu.memory_space<hbm>>) target(%dma_start3A_165 : memref<64xf32, #tpu.memory_space<vmem>>) offsets(%dma_start3A_168 : memref<64xi32, #tpu.memory_space<vmem>>) semaphore(%arg19 : memref<!tpu.dma_semaphore, #tpu.memory_space<semaphore_mem>>)
    %dma_start3A_171 = arith.constant 0 : i32
    %dma_start3A_172 = arith.constant 0 : i32
    %dma_start3A_173 = arith.constant 64 : i32
    %dma_start3A_174 = tpu.memref_slice %arg10[%dma_start3A_172, %dma_start3A_173] : memref<4x128xf32, #tpu.memory_space<vmem>> -> memref<1x64xf32, #tpu.memory_space<vmem>>
    %dma_start3A_175 = tpu.memref_squeeze %dma_start3A_174 : memref<1x64xf32, #tpu.memory_space<vmem>> -> memref<64xf32, #tpu.memory_space<vmem>>
    %dma_start3A_176 = arith.constant 64 : i32
    %dma_start3A_177 = tpu.memref_slice %arg8[%dma_start3A_171, %dma_start3A_176] : memref<4x128xi32, #tpu.memory_space<vmem>> -> memref<1x64xi32, #tpu.memory_space<vmem>>
    %dma_start3A_178 = tpu.memref_squeeze %dma_start3A_177 : memref<1x64xi32, #tpu.memory_space<vmem>> -> memref<64xi32, #tpu.memory_space<vmem>>
    %dma_start3A_179 = arith.constant 0 : i32
    %dma_start3A_180 = tpu.memref_slice %arg4[%dma_start3A_179] : memref<1000000xf32, #tpu.memory_space<hbm>> -> memref<1000000xf32, #tpu.memory_space<hbm>>
    tpu.enqueue_indirect_dma source(%dma_start3A_180 : memref<1000000xf32, #tpu.memory_space<hbm>>) target(%dma_start3A_175 : memref<64xf32, #tpu.memory_space<vmem>>) offsets(%dma_start3A_178 : memref<64xi32, #tpu.memory_space<vmem>>) semaphore(%arg20 : memref<!tpu.dma_semaphore, #tpu.memory_space<semaphore_mem>>)
    %dma_start3A_181 = arith.constant 0 : i32
    %dma_start3A_182 = arith.constant 0 : i32
    %dma_start3A_183 = arith.constant 64 : i32
    %dma_start3A_184 = tpu.memref_slice %arg11[%dma_start3A_182, %dma_start3A_183] : memref<4x128xf32, #tpu.memory_space<vmem>> -> memref<1x64xf32, #tpu.memory_space<vmem>>
    %dma_start3A_185 = tpu.memref_squeeze %dma_start3A_184 : memref<1x64xf32, #tpu.memory_space<vmem>> -> memref<64xf32, #tpu.memory_space<vmem>>
    %dma_start3A_186 = arith.constant 64 : i32
    %dma_start3A_187 = tpu.memref_slice %arg9[%dma_start3A_181, %dma_start3A_186] : memref<4x128xi32, #tpu.memory_space<vmem>> -> memref<1x64xi32, #tpu.memory_space<vmem>>
    %dma_start3A_188 = tpu.memref_squeeze %dma_start3A_187 : memref<1x64xi32, #tpu.memory_space<vmem>> -> memref<64xi32, #tpu.memory_space<vmem>>
    %dma_start3A_189 = arith.constant 0 : i32
    %dma_start3A_190 = tpu.memref_slice %arg5[%dma_start3A_189] : memref<100000xf32, #tpu.memory_space<hbm>> -> memref<100000xf32, #tpu.memory_space<hbm>>
    tpu.enqueue_indirect_dma source(%dma_start3A_190 : memref<100000xf32, #tpu.memory_space<hbm>>) target(%dma_start3A_185 : memref<64xf32, #tpu.memory_space<vmem>>) offsets(%dma_start3A_188 : memref<64xi32, #tpu.memory_space<vmem>>) semaphore(%arg20 : memref<!tpu.dma_semaphore, #tpu.memory_space<semaphore_mem>>)
    %dma_start3A_191 = arith.constant 0 : i32
    %dma_start3A_192 = arith.constant 0 : i32
    %dma_start3A_193 = arith.constant 64 : i32
    %dma_start3A_194 = tpu.memref_slice %arg12[%dma_start3A_192, %dma_start3A_193] : memref<4x128xf32, #tpu.memory_space<vmem>> -> memref<1x64xf32, #tpu.memory_space<vmem>>
    %dma_start3A_195 = tpu.memref_squeeze %dma_start3A_194 : memref<1x64xf32, #tpu.memory_space<vmem>> -> memref<64xf32, #tpu.memory_space<vmem>>
    %dma_start3A_196 = arith.constant 64 : i32
    %dma_start3A_197 = tpu.memref_slice %arg9[%dma_start3A_191, %dma_start3A_196] : memref<4x128xi32, #tpu.memory_space<vmem>> -> memref<1x64xi32, #tpu.memory_space<vmem>>
    %dma_start3A_198 = tpu.memref_squeeze %dma_start3A_197 : memref<1x64xi32, #tpu.memory_space<vmem>> -> memref<64xi32, #tpu.memory_space<vmem>>
    %dma_start3A_199 = arith.constant 0 : i32
    %dma_start3A_200 = tpu.memref_slice %arg6[%dma_start3A_199] : memref<100000xf32, #tpu.memory_space<hbm>> -> memref<100000xf32, #tpu.memory_space<hbm>>
    tpu.enqueue_indirect_dma source(%dma_start3A_200 : memref<100000xf32, #tpu.memory_space<hbm>>) target(%dma_start3A_195 : memref<64xf32, #tpu.memory_space<vmem>>) offsets(%dma_start3A_198 : memref<64xi32, #tpu.memory_space<vmem>>) semaphore(%arg20 : memref<!tpu.dma_semaphore, #tpu.memory_space<semaphore_mem>>)
    %dma_wait3A_201 = arith.constant 1 : i32
    %dma_wait3A_202 = arith.constant 1 : i32
    %dma_wait3A_203 = arith.constant 0 : i32
    %dma_wait3A_204 = tpu.memref_slice %arg8[%dma_wait3A_202, %dma_wait3A_203] : memref<4x128xi32, #tpu.memory_space<vmem>> -> memref<1x128xi32, #tpu.memory_space<vmem>>
    %dma_wait3A_205 = tpu.memref_squeeze %dma_wait3A_204 : memref<1x128xi32, #tpu.memory_space<vmem>> -> memref<128xi32, #tpu.memory_space<vmem>>
    %dma_wait3A_206 = arith.constant 0 : i32
    %dma_wait3A_207 = tpu.memref_slice %arg2[%add3A, %dma_wait3A_201, %dma_wait3A_206] : memref<32x4x128xi32, #tpu.memory_space<hbm>> -> memref<1x1x128xi32, #tpu.memory_space<hbm>>
    %dma_wait3A_208 = tpu.memref_squeeze %dma_wait3A_207 : memref<1x1x128xi32, #tpu.memory_space<hbm>> -> memref<128xi32, #tpu.memory_space<hbm>>
    %dma_wait3A_209 = arith.constant 0 : i32
    %dma_wait3A_210 = tpu.memref_slice %arg8[%dma_wait3A_202, %dma_wait3A_209] : memref<4x128xi32, #tpu.memory_space<vmem>> -> memref<1x128xi32, #tpu.memory_space<vmem>>
    %dma_wait3A_211 = tpu.memref_squeeze %dma_wait3A_210 : memref<1x128xi32, #tpu.memory_space<vmem>> -> memref<128xi32, #tpu.memory_space<vmem>>
    %dma_wait3A_212 = arith.constant 0 : i32
    %dma_wait3A_213 = tpu.memref_slice %arg2[%add3A, %dma_wait3A_201, %dma_wait3A_212] : memref<32x4x128xi32, #tpu.memory_space<hbm>> -> memref<1x1x128xi32, #tpu.memory_space<hbm>>
    %dma_wait3A_214 = tpu.memref_squeeze %dma_wait3A_213 : memref<1x1x128xi32, #tpu.memory_space<hbm>> -> memref<128xi32, #tpu.memory_space<hbm>>
    tpu.wait_dma2 semaphore(%arg16 : memref<!tpu.dma_semaphore, #tpu.memory_space<semaphore_mem>>) src(%dma_wait3A_214 : memref<128xi32, #tpu.memory_space<hbm>>) dst(%dma_wait3A_211 : memref<128xi32, #tpu.memory_space<vmem>>)
    %dma_wait3A_215 = arith.constant 1 : i32
    %dma_wait3A_216 = arith.constant 1 : i32
    %dma_wait3A_217 = arith.constant 0 : i32
    %dma_wait3A_218 = tpu.memref_slice %arg9[%dma_wait3A_216, %dma_wait3A_217] : memref<4x128xi32, #tpu.memory_space<vmem>> -> memref<1x128xi32, #tpu.memory_space<vmem>>
    %dma_wait3A_219 = tpu.memref_squeeze %dma_wait3A_218 : memref<1x128xi32, #tpu.memory_space<vmem>> -> memref<128xi32, #tpu.memory_space<vmem>>
    %dma_wait3A_220 = arith.constant 0 : i32
    %dma_wait3A_221 = tpu.memref_slice %arg3[%add3A, %dma_wait3A_215, %dma_wait3A_220] : memref<32x4x128xi32, #tpu.memory_space<hbm>> -> memref<1x1x128xi32, #tpu.memory_space<hbm>>
    %dma_wait3A_222 = tpu.memref_squeeze %dma_wait3A_221 : memref<1x1x128xi32, #tpu.memory_space<hbm>> -> memref<128xi32, #tpu.memory_space<hbm>>
    %dma_wait3A_223 = arith.constant 0 : i32
    %dma_wait3A_224 = tpu.memref_slice %arg9[%dma_wait3A_216, %dma_wait3A_223] : memref<4x128xi32, #tpu.memory_space<vmem>> -> memref<1x128xi32, #tpu.memory_space<vmem>>
    %dma_wait3A_225 = tpu.memref_squeeze %dma_wait3A_224 : memref<1x128xi32, #tpu.memory_space<vmem>> -> memref<128xi32, #tpu.memory_space<vmem>>
    %dma_wait3A_226 = arith.constant 0 : i32
    %dma_wait3A_227 = tpu.memref_slice %arg3[%add3A, %dma_wait3A_215, %dma_wait3A_226] : memref<32x4x128xi32, #tpu.memory_space<hbm>> -> memref<1x1x128xi32, #tpu.memory_space<hbm>>
    %dma_wait3A_228 = tpu.memref_squeeze %dma_wait3A_227 : memref<1x1x128xi32, #tpu.memory_space<hbm>> -> memref<128xi32, #tpu.memory_space<hbm>>
    tpu.wait_dma2 semaphore(%arg16 : memref<!tpu.dma_semaphore, #tpu.memory_space<semaphore_mem>>) src(%dma_wait3A_228 : memref<128xi32, #tpu.memory_space<hbm>>) dst(%dma_wait3A_225 : memref<128xi32, #tpu.memory_space<vmem>>)
    %dma_start3A_229 = arith.constant 1 : i32
    %dma_start3A_230 = arith.constant 1 : i32
    %dma_start3A_231 = arith.constant 0 : i32
    %dma_start3A_232 = tpu.memref_slice %arg10[%dma_start3A_230, %dma_start3A_231] : memref<4x128xf32, #tpu.memory_space<vmem>> -> memref<1x128xf32, #tpu.memory_space<vmem>>
    %dma_start3A_233 = tpu.memref_squeeze %dma_start3A_232 : memref<1x128xf32, #tpu.memory_space<vmem>> -> memref<128xf32, #tpu.memory_space<vmem>>
    %dma_start3A_234 = arith.constant 0 : i32
    %dma_start3A_235 = tpu.memref_slice %arg8[%dma_start3A_229, %dma_start3A_234] : memref<4x128xi32, #tpu.memory_space<vmem>> -> memref<1x128xi32, #tpu.memory_space<vmem>>
    %dma_start3A_236 = tpu.memref_squeeze %dma_start3A_235 : memref<1x128xi32, #tpu.memory_space<vmem>> -> memref<128xi32, #tpu.memory_space<vmem>>
    %dma_start3A_237 = arith.constant 0 : i32
    %dma_start3A_238 = tpu.memref_slice %arg4[%dma_start3A_237] : memref<1000000xf32, #tpu.memory_space<hbm>> -> memref<1000000xf32, #tpu.memory_space<hbm>>
    tpu.enqueue_indirect_dma source(%dma_start3A_238 : memref<1000000xf32, #tpu.memory_space<hbm>>) target(%dma_start3A_233 : memref<128xf32, #tpu.memory_space<vmem>>) offsets(%dma_start3A_236 : memref<128xi32, #tpu.memory_space<vmem>>) semaphore(%arg21 : memref<!tpu.dma_semaphore, #tpu.memory_space<semaphore_mem>>)
    %dma_start3A_239 = arith.constant 1 : i32
    %dma_start3A_240 = arith.constant 1 : i32
    %dma_start3A_241 = arith.constant 0 : i32
    %dma_start3A_242 = tpu.memref_slice %arg11[%dma_start3A_240, %dma_start3A_241] : memref<4x128xf32, #tpu.memory_space<vmem>> -> memref<1x128xf32, #tpu.memory_space<vmem>>
    %dma_start3A_243 = tpu.memref_squeeze %dma_start3A_242 : memref<1x128xf32, #tpu.memory_space<vmem>> -> memref<128xf32, #tpu.memory_space<vmem>>
    %dma_start3A_244 = arith.constant 0 : i32
    %dma_start3A_245 = tpu.memref_slice %arg9[%dma_start3A_239, %dma_start3A_244] : memref<4x128xi32, #tpu.memory_space<vmem>> -> memref<1x128xi32, #tpu.memory_space<vmem>>
    %dma_start3A_246 = tpu.memref_squeeze %dma_start3A_245 : memref<1x128xi32, #tpu.memory_space<vmem>> -> memref<128xi32, #tpu.memory_space<vmem>>
    %dma_start3A_247 = arith.constant 0 : i32
    %dma_start3A_248 = tpu.memref_slice %arg5[%dma_start3A_247] : memref<100000xf32, #tpu.memory_space<hbm>> -> memref<100000xf32, #tpu.memory_space<hbm>>
    tpu.enqueue_indirect_dma source(%dma_start3A_248 : memref<100000xf32, #tpu.memory_space<hbm>>) target(%dma_start3A_243 : memref<128xf32, #tpu.memory_space<vmem>>) offsets(%dma_start3A_246 : memref<128xi32, #tpu.memory_space<vmem>>) semaphore(%arg21 : memref<!tpu.dma_semaphore, #tpu.memory_space<semaphore_mem>>)
    %dma_start3A_249 = arith.constant 1 : i32
    %dma_start3A_250 = arith.constant 1 : i32
    %dma_start3A_251 = arith.constant 0 : i32
    %dma_start3A_252 = tpu.memref_slice %arg12[%dma_start3A_250, %dma_start3A_251] : memref<4x128xf32, #tpu.memory_space<vmem>> -> memref<1x128xf32, #tpu.memory_space<vmem>>
    %dma_start3A_253 = tpu.memref_squeeze %dma_start3A_252 : memref<1x128xf32, #tpu.memory_space<vmem>> -> memref<128xf32, #tpu.memory_space<vmem>>
    %dma_start3A_254 = arith.constant 0 : i32
    %dma_start3A_255 = tpu.memref_slice %arg9[%dma_start3A_249, %dma_start3A_254] : memref<4x128xi32, #tpu.memory_space<vmem>> -> memref<1x128xi32, #tpu.memory_space<vmem>>
    %dma_start3A_256 = tpu.memref_squeeze %dma_start3A_255 : memref<1x128xi32, #tpu.memory_space<vmem>> -> memref<128xi32, #tpu.memory_space<vmem>>
    %dma_start3A_257 = arith.constant 0 : i32
    %dma_start3A_258 = tpu.memref_slice %arg6[%dma_start3A_257] : memref<100000xf32, #tpu.memory_space<hbm>> -> memref<100000xf32, #tpu.memory_space<hbm>>
    tpu.enqueue_indirect_dma source(%dma_start3A_258 : memref<100000xf32, #tpu.memory_space<hbm>>) target(%dma_start3A_253 : memref<128xf32, #tpu.memory_space<vmem>>) offsets(%dma_start3A_256 : memref<128xi32, #tpu.memory_space<vmem>>) semaphore(%arg21 : memref<!tpu.dma_semaphore, #tpu.memory_space<semaphore_mem>>)
    %dma_wait3A_259 = arith.constant 2 : i32
    %dma_wait3A_260 = arith.constant 2 : i32
    %dma_wait3A_261 = arith.constant 0 : i32
    %dma_wait3A_262 = tpu.memref_slice %arg8[%dma_wait3A_260, %dma_wait3A_261] : memref<4x128xi32, #tpu.memory_space<vmem>> -> memref<1x128xi32, #tpu.memory_space<vmem>>
    %dma_wait3A_263 = tpu.memref_squeeze %dma_wait3A_262 : memref<1x128xi32, #tpu.memory_space<vmem>> -> memref<128xi32, #tpu.memory_space<vmem>>
    %dma_wait3A_264 = arith.constant 0 : i32
    %dma_wait3A_265 = tpu.memref_slice %arg2[%add3A, %dma_wait3A_259, %dma_wait3A_264] : memref<32x4x128xi32, #tpu.memory_space<hbm>> -> memref<1x1x128xi32, #tpu.memory_space<hbm>>
    %dma_wait3A_266 = tpu.memref_squeeze %dma_wait3A_265 : memref<1x1x128xi32, #tpu.memory_space<hbm>> -> memref<128xi32, #tpu.memory_space<hbm>>
    %dma_wait3A_267 = arith.constant 0 : i32
    %dma_wait3A_268 = tpu.memref_slice %arg8[%dma_wait3A_260, %dma_wait3A_267] : memref<4x128xi32, #tpu.memory_space<vmem>> -> memref<1x128xi32, #tpu.memory_space<vmem>>
    %dma_wait3A_269 = tpu.memref_squeeze %dma_wait3A_268 : memref<1x128xi32, #tpu.memory_space<vmem>> -> memref<128xi32, #tpu.memory_space<vmem>>
    %dma_wait3A_270 = arith.constant 0 : i32
    %dma_wait3A_271 = tpu.memref_slice %arg2[%add3A, %dma_wait3A_259, %dma_wait3A_270] : memref<32x4x128xi32, #tpu.memory_space<hbm>> -> memref<1x1x128xi32, #tpu.memory_space<hbm>>
    %dma_wait3A_272 = tpu.memref_squeeze %dma_wait3A_271 : memref<1x1x128xi32, #tpu.memory_space<hbm>> -> memref<128xi32, #tpu.memory_space<hbm>>
    tpu.wait_dma2 semaphore(%arg17 : memref<!tpu.dma_semaphore, #tpu.memory_space<semaphore_mem>>) src(%dma_wait3A_272 : memref<128xi32, #tpu.memory_space<hbm>>) dst(%dma_wait3A_269 : memref<128xi32, #tpu.memory_space<vmem>>)
    %dma_wait3A_273 = arith.constant 2 : i32
    %dma_wait3A_274 = arith.constant 2 : i32
    %dma_wait3A_275 = arith.constant 0 : i32
    %dma_wait3A_276 = tpu.memref_slice %arg9[%dma_wait3A_274, %dma_wait3A_275] : memref<4x128xi32, #tpu.memory_space<vmem>> -> memref<1x128xi32, #tpu.memory_space<vmem>>
    %dma_wait3A_277 = tpu.memref_squeeze %dma_wait3A_276 : memref<1x128xi32, #tpu.memory_space<vmem>> -> memref<128xi32, #tpu.memory_space<vmem>>
    %dma_wait3A_278 = arith.constant 0 : i32
    %dma_wait3A_279 = tpu.memref_slice %arg3[%add3A, %dma_wait3A_273, %dma_wait3A_278] : memref<32x4x128xi32, #tpu.memory_space<hbm>> -> memref<1x1x128xi32, #tpu.memory_space<hbm>>
    %dma_wait3A_280 = tpu.memref_squeeze %dma_wait3A_279 : memref<1x1x128xi32, #tpu.memory_space<hbm>> -> memref<128xi32, #tpu.memory_space<hbm>>
    %dma_wait3A_281 = arith.constant 0 : i32
    %dma_wait3A_282 = tpu.memref_slice %arg9[%dma_wait3A_274, %dma_wait3A_281] : memref<4x128xi32, #tpu.memory_space<vmem>> -> memref<1x128xi32, #tpu.memory_space<vmem>>
    %dma_wait3A_283 = tpu.memref_squeeze %dma_wait3A_282 : memref<1x128xi32, #tpu.memory_space<vmem>> -> memref<128xi32, #tpu.memory_space<vmem>>
    %dma_wait3A_284 = arith.constant 0 : i32
    %dma_wait3A_285 = tpu.memref_slice %arg3[%add3A, %dma_wait3A_273, %dma_wait3A_284] : memref<32x4x128xi32, #tpu.memory_space<hbm>> -> memref<1x1x128xi32, #tpu.memory_space<hbm>>
    %dma_wait3A_286 = tpu.memref_squeeze %dma_wait3A_285 : memref<1x1x128xi32, #tpu.memory_space<hbm>> -> memref<128xi32, #tpu.memory_space<hbm>>
    tpu.wait_dma2 semaphore(%arg17 : memref<!tpu.dma_semaphore, #tpu.memory_space<semaphore_mem>>) src(%dma_wait3A_286 : memref<128xi32, #tpu.memory_space<hbm>>) dst(%dma_wait3A_283 : memref<128xi32, #tpu.memory_space<vmem>>)
    %dma_start3A_287 = arith.constant 2 : i32
    %dma_start3A_288 = arith.constant 2 : i32
    %dma_start3A_289 = arith.constant 0 : i32
    %dma_start3A_290 = tpu.memref_slice %arg10[%dma_start3A_288, %dma_start3A_289] : memref<4x128xf32, #tpu.memory_space<vmem>> -> memref<1x128xf32, #tpu.memory_space<vmem>>
    %dma_start3A_291 = tpu.memref_squeeze %dma_start3A_290 : memref<1x128xf32, #tpu.memory_space<vmem>> -> memref<128xf32, #tpu.memory_space<vmem>>
    %dma_start3A_292 = arith.constant 0 : i32
    %dma_start3A_293 = tpu.memref_slice %arg8[%dma_start3A_287, %dma_start3A_292] : memref<4x128xi32, #tpu.memory_space<vmem>> -> memref<1x128xi32, #tpu.memory_space<vmem>>
    %dma_start3A_294 = tpu.memref_squeeze %dma_start3A_293 : memref<1x128xi32, #tpu.memory_space<vmem>> -> memref<128xi32, #tpu.memory_space<vmem>>
    %dma_start3A_295 = arith.constant 0 : i32
    %dma_start3A_296 = tpu.memref_slice %arg4[%dma_start3A_295] : memref<1000000xf32, #tpu.memory_space<hbm>> -> memref<1000000xf32, #tpu.memory_space<hbm>>
    tpu.enqueue_indirect_dma source(%dma_start3A_296 : memref<1000000xf32, #tpu.memory_space<hbm>>) target(%dma_start3A_291 : memref<128xf32, #tpu.memory_space<vmem>>) offsets(%dma_start3A_294 : memref<128xi32, #tpu.memory_space<vmem>>) semaphore(%arg22 : memref<!tpu.dma_semaphore, #tpu.memory_space<semaphore_mem>>)
    %dma_start3A_297 = arith.constant 2 : i32
    %dma_start3A_298 = arith.constant 2 : i32
    %dma_start3A_299 = arith.constant 0 : i32
    %dma_start3A_300 = tpu.memref_slice %arg11[%dma_start3A_298, %dma_start3A_299] : memref<4x128xf32, #tpu.memory_space<vmem>> -> memref<1x128xf32, #tpu.memory_space<vmem>>
    %dma_start3A_301 = tpu.memref_squeeze %dma_start3A_300 : memref<1x128xf32, #tpu.memory_space<vmem>> -> memref<128xf32, #tpu.memory_space<vmem>>
    %dma_start3A_302 = arith.constant 0 : i32
    %dma_start3A_303 = tpu.memref_slice %arg9[%dma_start3A_297, %dma_start3A_302] : memref<4x128xi32, #tpu.memory_space<vmem>> -> memref<1x128xi32, #tpu.memory_space<vmem>>
    %dma_start3A_304 = tpu.memref_squeeze %dma_start3A_303 : memref<1x128xi32, #tpu.memory_space<vmem>> -> memref<128xi32, #tpu.memory_space<vmem>>
    %dma_start3A_305 = arith.constant 0 : i32
    %dma_start3A_306 = tpu.memref_slice %arg5[%dma_start3A_305] : memref<100000xf32, #tpu.memory_space<hbm>> -> memref<100000xf32, #tpu.memory_space<hbm>>
    tpu.enqueue_indirect_dma source(%dma_start3A_306 : memref<100000xf32, #tpu.memory_space<hbm>>) target(%dma_start3A_301 : memref<128xf32, #tpu.memory_space<vmem>>) offsets(%dma_start3A_304 : memref<128xi32, #tpu.memory_space<vmem>>) semaphore(%arg22 : memref<!tpu.dma_semaphore, #tpu.memory_space<semaphore_mem>>)
    %dma_start3A_307 = arith.constant 2 : i32
    %dma_start3A_308 = arith.constant 2 : i32
    %dma_start3A_309 = arith.constant 0 : i32
    %dma_start3A_310 = tpu.memref_slice %arg12[%dma_start3A_308, %dma_start3A_309] : memref<4x128xf32, #tpu.memory_space<vmem>> -> memref<1x128xf32, #tpu.memory_space<vmem>>
    %dma_start3A_311 = tpu.memref_squeeze %dma_start3A_310 : memref<1x128xf32, #tpu.memory_space<vmem>> -> memref<128xf32, #tpu.memory_space<vmem>>
    %dma_start3A_312 = arith.constant 0 : i32
    %dma_start3A_313 = tpu.memref_slice %arg9[%dma_start3A_307, %dma_start3A_312] : memref<4x128xi32, #tpu.memory_space<vmem>> -> memref<1x128xi32, #tpu.memory_space<vmem>>
    %dma_start3A_314 = tpu.memref_squeeze %dma_start3A_313 : memref<1x128xi32, #tpu.memory_space<vmem>> -> memref<128xi32, #tpu.memory_space<vmem>>
    %dma_start3A_315 = arith.constant 0 : i32
    %dma_start3A_316 = tpu.memref_slice %arg6[%dma_start3A_315] : memref<100000xf32, #tpu.memory_space<hbm>> -> memref<100000xf32, #tpu.memory_space<hbm>>
    tpu.enqueue_indirect_dma source(%dma_start3A_316 : memref<100000xf32, #tpu.memory_space<hbm>>) target(%dma_start3A_311 : memref<128xf32, #tpu.memory_space<vmem>>) offsets(%dma_start3A_314 : memref<128xi32, #tpu.memory_space<vmem>>) semaphore(%arg22 : memref<!tpu.dma_semaphore, #tpu.memory_space<semaphore_mem>>)
    %dma_wait3A_317 = arith.constant 3 : i32
    %dma_wait3A_318 = arith.constant 3 : i32
    %dma_wait3A_319 = arith.constant 0 : i32
    %dma_wait3A_320 = tpu.memref_slice %arg8[%dma_wait3A_318, %dma_wait3A_319] : memref<4x128xi32, #tpu.memory_space<vmem>> -> memref<1x128xi32, #tpu.memory_space<vmem>>
    %dma_wait3A_321 = tpu.memref_squeeze %dma_wait3A_320 : memref<1x128xi32, #tpu.memory_space<vmem>> -> memref<128xi32, #tpu.memory_space<vmem>>
    %dma_wait3A_322 = arith.constant 0 : i32
    %dma_wait3A_323 = tpu.memref_slice %arg2[%add3A, %dma_wait3A_317, %dma_wait3A_322] : memref<32x4x128xi32, #tpu.memory_space<hbm>> -> memref<1x1x128xi32, #tpu.memory_space<hbm>>
    %dma_wait3A_324 = tpu.memref_squeeze %dma_wait3A_323 : memref<1x1x128xi32, #tpu.memory_space<hbm>> -> memref<128xi32, #tpu.memory_space<hbm>>
    %dma_wait3A_325 = arith.constant 0 : i32
    %dma_wait3A_326 = tpu.memref_slice %arg8[%dma_wait3A_318, %dma_wait3A_325] : memref<4x128xi32, #tpu.memory_space<vmem>> -> memref<1x128xi32, #tpu.memory_space<vmem>>
    %dma_wait3A_327 = tpu.memref_squeeze %dma_wait3A_326 : memref<1x128xi32, #tpu.memory_space<vmem>> -> memref<128xi32, #tpu.memory_space<vmem>>
    %dma_wait3A_328 = arith.constant 0 : i32
    %dma_wait3A_329 = tpu.memref_slice %arg2[%add3A, %dma_wait3A_317, %dma_wait3A_328] : memref<32x4x128xi32, #tpu.memory_space<hbm>> -> memref<1x1x128xi32, #tpu.memory_space<hbm>>
    %dma_wait3A_330 = tpu.memref_squeeze %dma_wait3A_329 : memref<1x1x128xi32, #tpu.memory_space<hbm>> -> memref<128xi32, #tpu.memory_space<hbm>>
    tpu.wait_dma2 semaphore(%arg18 : memref<!tpu.dma_semaphore, #tpu.memory_space<semaphore_mem>>) src(%dma_wait3A_330 : memref<128xi32, #tpu.memory_space<hbm>>) dst(%dma_wait3A_327 : memref<128xi32, #tpu.memory_space<vmem>>)
    %dma_wait3A_331 = arith.constant 3 : i32
    %dma_wait3A_332 = arith.constant 3 : i32
    %dma_wait3A_333 = arith.constant 0 : i32
    %dma_wait3A_334 = tpu.memref_slice %arg9[%dma_wait3A_332, %dma_wait3A_333] : memref<4x128xi32, #tpu.memory_space<vmem>> -> memref<1x128xi32, #tpu.memory_space<vmem>>
    %dma_wait3A_335 = tpu.memref_squeeze %dma_wait3A_334 : memref<1x128xi32, #tpu.memory_space<vmem>> -> memref<128xi32, #tpu.memory_space<vmem>>
    %dma_wait3A_336 = arith.constant 0 : i32
    %dma_wait3A_337 = tpu.memref_slice %arg3[%add3A, %dma_wait3A_331, %dma_wait3A_336] : memref<32x4x128xi32, #tpu.memory_space<hbm>> -> memref<1x1x128xi32, #tpu.memory_space<hbm>>
    %dma_wait3A_338 = tpu.memref_squeeze %dma_wait3A_337 : memref<1x1x128xi32, #tpu.memory_space<hbm>> -> memref<128xi32, #tpu.memory_space<hbm>>
    %dma_wait3A_339 = arith.constant 0 : i32
    %dma_wait3A_340 = tpu.memref_slice %arg9[%dma_wait3A_332, %dma_wait3A_339] : memref<4x128xi32, #tpu.memory_space<vmem>> -> memref<1x128xi32, #tpu.memory_space<vmem>>
    %dma_wait3A_341 = tpu.memref_squeeze %dma_wait3A_340 : memref<1x128xi32, #tpu.memory_space<vmem>> -> memref<128xi32, #tpu.memory_space<vmem>>
    %dma_wait3A_342 = arith.constant 0 : i32
    %dma_wait3A_343 = tpu.memref_slice %arg3[%add3A, %dma_wait3A_331, %dma_wait3A_342] : memref<32x4x128xi32, #tpu.memory_space<hbm>> -> memref<1x1x128xi32, #tpu.memory_space<hbm>>
    %dma_wait3A_344 = tpu.memref_squeeze %dma_wait3A_343 : memref<1x1x128xi32, #tpu.memory_space<hbm>> -> memref<128xi32, #tpu.memory_space<hbm>>
    tpu.wait_dma2 semaphore(%arg18 : memref<!tpu.dma_semaphore, #tpu.memory_space<semaphore_mem>>) src(%dma_wait3A_344 : memref<128xi32, #tpu.memory_space<hbm>>) dst(%dma_wait3A_341 : memref<128xi32, #tpu.memory_space<vmem>>)
    %dma_start3A_345 = arith.constant 3 : i32
    %dma_start3A_346 = arith.constant 3 : i32
    %dma_start3A_347 = arith.constant 0 : i32
    %dma_start3A_348 = tpu.memref_slice %arg10[%dma_start3A_346, %dma_start3A_347] : memref<4x128xf32, #tpu.memory_space<vmem>> -> memref<1x128xf32, #tpu.memory_space<vmem>>
    %dma_start3A_349 = tpu.memref_squeeze %dma_start3A_348 : memref<1x128xf32, #tpu.memory_space<vmem>> -> memref<128xf32, #tpu.memory_space<vmem>>
    %dma_start3A_350 = arith.constant 0 : i32
    %dma_start3A_351 = tpu.memref_slice %arg8[%dma_start3A_345, %dma_start3A_350] : memref<4x128xi32, #tpu.memory_space<vmem>> -> memref<1x128xi32, #tpu.memory_space<vmem>>
    %dma_start3A_352 = tpu.memref_squeeze %dma_start3A_351 : memref<1x128xi32, #tpu.memory_space<vmem>> -> memref<128xi32, #tpu.memory_space<vmem>>
    %dma_start3A_353 = arith.constant 0 : i32
    %dma_start3A_354 = tpu.memref_slice %arg4[%dma_start3A_353] : memref<1000000xf32, #tpu.memory_space<hbm>> -> memref<1000000xf32, #tpu.memory_space<hbm>>
    tpu.enqueue_indirect_dma source(%dma_start3A_354 : memref<1000000xf32, #tpu.memory_space<hbm>>) target(%dma_start3A_349 : memref<128xf32, #tpu.memory_space<vmem>>) offsets(%dma_start3A_352 : memref<128xi32, #tpu.memory_space<vmem>>) semaphore(%arg23 : memref<!tpu.dma_semaphore, #tpu.memory_space<semaphore_mem>>)
    %dma_start3A_355 = arith.constant 3 : i32
    %dma_start3A_356 = arith.constant 3 : i32
    %dma_start3A_357 = arith.constant 0 : i32
    %dma_start3A_358 = tpu.memref_slice %arg11[%dma_start3A_356, %dma_start3A_357] : memref<4x128xf32, #tpu.memory_space<vmem>> -> memref<1x128xf32, #tpu.memory_space<vmem>>
    %dma_start3A_359 = tpu.memref_squeeze %dma_start3A_358 : memref<1x128xf32, #tpu.memory_space<vmem>> -> memref<128xf32, #tpu.memory_space<vmem>>
    %dma_start3A_360 = arith.constant 0 : i32
    %dma_start3A_361 = tpu.memref_slice %arg9[%dma_start3A_355, %dma_start3A_360] : memref<4x128xi32, #tpu.memory_space<vmem>> -> memref<1x128xi32, #tpu.memory_space<vmem>>
    %dma_start3A_362 = tpu.memref_squeeze %dma_start3A_361 : memref<1x128xi32, #tpu.memory_space<vmem>> -> memref<128xi32, #tpu.memory_space<vmem>>
    %dma_start3A_363 = arith.constant 0 : i32
    %dma_start3A_364 = tpu.memref_slice %arg5[%dma_start3A_363] : memref<100000xf32, #tpu.memory_space<hbm>> -> memref<100000xf32, #tpu.memory_space<hbm>>
    tpu.enqueue_indirect_dma source(%dma_start3A_364 : memref<100000xf32, #tpu.memory_space<hbm>>) target(%dma_start3A_359 : memref<128xf32, #tpu.memory_space<vmem>>) offsets(%dma_start3A_362 : memref<128xi32, #tpu.memory_space<vmem>>) semaphore(%arg23 : memref<!tpu.dma_semaphore, #tpu.memory_space<semaphore_mem>>)
    %dma_start3A_365 = arith.constant 3 : i32
    %dma_start3A_366 = arith.constant 3 : i32
    %dma_start3A_367 = arith.constant 0 : i32
    %dma_start3A_368 = tpu.memref_slice %arg12[%dma_start3A_366, %dma_start3A_367] : memref<4x128xf32, #tpu.memory_space<vmem>> -> memref<1x128xf32, #tpu.memory_space<vmem>>
    %dma_start3A_369 = tpu.memref_squeeze %dma_start3A_368 : memref<1x128xf32, #tpu.memory_space<vmem>> -> memref<128xf32, #tpu.memory_space<vmem>>
    %dma_start3A_370 = arith.constant 0 : i32
    %dma_start3A_371 = tpu.memref_slice %arg9[%dma_start3A_365, %dma_start3A_370] : memref<4x128xi32, #tpu.memory_space<vmem>> -> memref<1x128xi32, #tpu.memory_space<vmem>>
    %dma_start3A_372 = tpu.memref_squeeze %dma_start3A_371 : memref<1x128xi32, #tpu.memory_space<vmem>> -> memref<128xi32, #tpu.memory_space<vmem>>
    %dma_start3A_373 = arith.constant 0 : i32
    %dma_start3A_374 = tpu.memref_slice %arg6[%dma_start3A_373] : memref<100000xf32, #tpu.memory_space<hbm>> -> memref<100000xf32, #tpu.memory_space<hbm>>
    tpu.enqueue_indirect_dma source(%dma_start3A_374 : memref<100000xf32, #tpu.memory_space<hbm>>) target(%dma_start3A_369 : memref<128xf32, #tpu.memory_space<vmem>>) offsets(%dma_start3A_372 : memref<128xi32, #tpu.memory_space<vmem>>) semaphore(%arg23 : memref<!tpu.dma_semaphore, #tpu.memory_space<semaphore_mem>>)
    %broadcast_in_dim3A = arith.constant 1.000000e+00 : f32
    %broadcast_in_dim3A_375 = vector.broadcast %broadcast_in_dim3A : f32 to vector<16xf32>
    %dma_wait3A_376 = arith.constant 0 : i32
    %dma_wait3A_377 = arith.constant 0 : i32
    %dma_wait3A_378 = arith.constant 0 : i32
    %dma_wait3A_379 = tpu.memref_slice %arg10[%dma_wait3A_377, %dma_wait3A_378] : memref<4x128xf32, #tpu.memory_space<vmem>> -> memref<1x64xf32, #tpu.memory_space<vmem>>
    %dma_wait3A_380 = tpu.memref_squeeze %dma_wait3A_379 : memref<1x64xf32, #tpu.memory_space<vmem>> -> memref<64xf32, #tpu.memory_space<vmem>>
    %dma_wait3A_381 = arith.constant 0 : i32
    %dma_wait3A_382 = tpu.memref_slice %arg8[%dma_wait3A_376, %dma_wait3A_381] : memref<4x128xi32, #tpu.memory_space<vmem>> -> memref<1x64xi32, #tpu.memory_space<vmem>>
    %dma_wait3A_383 = tpu.memref_squeeze %dma_wait3A_382 : memref<1x64xi32, #tpu.memory_space<vmem>> -> memref<64xi32, #tpu.memory_space<vmem>>
    %dma_wait3A_384 = arith.constant 0 : i32
    %dma_wait3A_385 = tpu.memref_slice %arg4[%dma_wait3A_384] : memref<1000000xf32, #tpu.memory_space<hbm>> -> memref<1000000xf32, #tpu.memory_space<hbm>>
    tpu.wait_indirect_dma semaphore(%arg19 : memref<!tpu.dma_semaphore, #tpu.memory_space<semaphore_mem>>) src(%dma_wait3A_385 : memref<1000000xf32, #tpu.memory_space<hbm>>) dst(%dma_wait3A_380 : memref<64xf32, #tpu.memory_space<vmem>>)
    %dma_wait3A_386 = arith.constant 0 : i32
    %dma_wait3A_387 = arith.constant 0 : i32
    %dma_wait3A_388 = arith.constant 0 : i32
    %dma_wait3A_389 = tpu.memref_slice %arg11[%dma_wait3A_387, %dma_wait3A_388] : memref<4x128xf32, #tpu.memory_space<vmem>> -> memref<1x64xf32, #tpu.memory_space<vmem>>
    %dma_wait3A_390 = tpu.memref_squeeze %dma_wait3A_389 : memref<1x64xf32, #tpu.memory_space<vmem>> -> memref<64xf32, #tpu.memory_space<vmem>>
    %dma_wait3A_391 = arith.constant 0 : i32
    %dma_wait3A_392 = tpu.memref_slice %arg9[%dma_wait3A_386, %dma_wait3A_391] : memref<4x128xi32, #tpu.memory_space<vmem>> -> memref<1x64xi32, #tpu.memory_space<vmem>>
    %dma_wait3A_393 = tpu.memref_squeeze %dma_wait3A_392 : memref<1x64xi32, #tpu.memory_space<vmem>> -> memref<64xi32, #tpu.memory_space<vmem>>
    %dma_wait3A_394 = arith.constant 0 : i32
    %dma_wait3A_395 = tpu.memref_slice %arg5[%dma_wait3A_394] : memref<100000xf32, #tpu.memory_space<hbm>> -> memref<100000xf32, #tpu.memory_space<hbm>>
    tpu.wait_indirect_dma semaphore(%arg19 : memref<!tpu.dma_semaphore, #tpu.memory_space<semaphore_mem>>) src(%dma_wait3A_395 : memref<100000xf32, #tpu.memory_space<hbm>>) dst(%dma_wait3A_390 : memref<64xf32, #tpu.memory_space<vmem>>)
    %dma_wait3A_396 = arith.constant 0 : i32
    %dma_wait3A_397 = arith.constant 0 : i32
    %dma_wait3A_398 = arith.constant 0 : i32
    %dma_wait3A_399 = tpu.memref_slice %arg12[%dma_wait3A_397, %dma_wait3A_398] : memref<4x128xf32, #tpu.memory_space<vmem>> -> memref<1x64xf32, #tpu.memory_space<vmem>>
    %dma_wait3A_400 = tpu.memref_squeeze %dma_wait3A_399 : memref<1x64xf32, #tpu.memory_space<vmem>> -> memref<64xf32, #tpu.memory_space<vmem>>
    %dma_wait3A_401 = arith.constant 0 : i32
    %dma_wait3A_402 = tpu.memref_slice %arg9[%dma_wait3A_396, %dma_wait3A_401] : memref<4x128xi32, #tpu.memory_space<vmem>> -> memref<1x64xi32, #tpu.memory_space<vmem>>
    %dma_wait3A_403 = tpu.memref_squeeze %dma_wait3A_402 : memref<1x64xi32, #tpu.memory_space<vmem>> -> memref<64xi32, #tpu.memory_space<vmem>>
    %dma_wait3A_404 = arith.constant 0 : i32
    %dma_wait3A_405 = tpu.memref_slice %arg6[%dma_wait3A_404] : memref<100000xf32, #tpu.memory_space<hbm>> -> memref<100000xf32, #tpu.memory_space<hbm>>
    tpu.wait_indirect_dma semaphore(%arg19 : memref<!tpu.dma_semaphore, #tpu.memory_space<semaphore_mem>>) src(%dma_wait3A_405 : memref<100000xf32, #tpu.memory_space<hbm>>) dst(%dma_wait3A_400 : memref<64xf32, #tpu.memory_space<vmem>>)
    %get3A = arith.constant 0 : i32
    %get3A_406 = arith.index_cast %get3A : i32 to index
    %get3A_407 = arith.constant 0 : index
    %get3A_408 = tpu.vector_load %arg10[%get3A_406, %get3A_407] {strides = array<i32>} : memref<4x128xf32, #tpu.memory_space<vmem>>, vector<1x16xf32>,
    %get3A_409 = vector.shape_cast %get3A_408 : vector<1x16xf32> to vector<16xf32>
    %neg3A = arith.constant 0.000000e+00 : f32
    %neg3A_410 = vector.broadcast %neg3A : f32 to vector<16xf32>
    %neg3A_411 = arith.subf %neg3A_410, %get3A_409 : vector<16xf32>
    %exp3A = math.exp %neg3A_411 : vector<16xf32>
    %get3A_412 = arith.constant 0 : i32
    %get3A_413 = arith.index_cast %get3A_412 : i32 to index
    %get3A_414 = arith.constant 0 : index
    %get3A_415 = tpu.vector_load %arg11[%get3A_413, %get3A_414] {strides = array<i32>} : memref<4x128xf32, #tpu.memory_space<vmem>>, vector<1x16xf32>,
    %get3A_416 = vector.shape_cast %get3A_415 : vector<1x16xf32> to vector<16xf32>
    %neg3A_417 = arith.constant 0.000000e+00 : f32
    %neg3A_418 = vector.broadcast %neg3A_417 : f32 to vector<16xf32>
    %neg3A_419 = arith.subf %neg3A_418, %get3A_416 : vector<16xf32>
    %exp3A_420 = math.exp %neg3A_419 : vector<16xf32>
    %get3A_421 = arith.constant 0 : i32
    %get3A_422 = arith.index_cast %get3A_421 : i32 to index
    %get3A_423 = arith.constant 0 : index
    %get3A_424 = tpu.vector_load %arg12[%get3A_422, %get3A_423] {strides = array<i32>} : memref<4x128xf32, #tpu.memory_space<vmem>>, vector<1x16xf32>,
    %get3A_425 = vector.shape_cast %get3A_424 : vector<1x16xf32> to vector<16xf32>
    %neg3A_426 = arith.constant 0.000000e+00 : f32
    %neg3A_427 = vector.broadcast %neg3A_426 : f32 to vector<16xf32>
    %neg3A_428 = arith.subf %neg3A_427, %get3A_425 : vector<16xf32>
    %exp3A_429 = math.exp %neg3A_428 : vector<16xf32>
    %sub3A = arith.subf %exp3A_420, %exp3A : vector<16xf32>
    %mul3A_430 = arith.constant 1.700000e+00 : f32
    %mul3A_431 = vector.broadcast %mul3A_430 : f32 to vector<16xf32>
    %mul3A_432 = arith.mulf %mul3A_431, %sub3A : vector<16xf32>
    %add3A_433 = arith.addf %broadcast_in_dim3A_375, %exp3A_429 : vector<16xf32>
    %add3A_434 = arith.addf %broadcast_in_dim3A_375, %exp3A : vector<16xf32>
    %mul3A_435 = arith.mulf %add3A_433, %add3A_434 : vector<16xf32>
    %add3A_436 = arith.addf %broadcast_in_dim3A_375, %exp3A_420 : vector<16xf32>
    %mul3A_437 = arith.mulf %mul3A_435, %add3A_436 : vector<16xf32>
    %div3A = arith.divf %mul3A_432, %mul3A_437 : vector<16xf32>
    %neg3A_438 = arith.constant 0.000000e+00 : f32
    %neg3A_439 = vector.broadcast %neg3A_438 : f32 to vector<16xf32>
    %neg3A_440 = arith.subf %neg3A_439, %div3A : vector<16xf32>
    %exp3A_441 = math.exp %neg3A_440 : vector<16xf32>
    %add3A_442 = arith.addf %broadcast_in_dim3A_375, %exp3A_441 : vector<16xf32>
    %div3A_443 = arith.divf %broadcast_in_dim3A_375, %add3A_442 : vector<16xf32>
    %swap3A = arith.constant 0 : index
    %swap3A_444 = tpu.vector_load %arg13[%swap3A] {strides = array<i32>} : memref<512xf32, #tpu.memory_space<vmem>>, vector<16xf32>,
    %swap3A_445 = vector.shape_cast %swap3A_444 : vector<16xf32> to vector<16xf32>
    %swap3A_446 = vector.shape_cast %div3A_443 : vector<16xf32> to vector<16xf32>
    tpu.vector_store %arg13[%swap3A], %swap3A_446 {strides = array<i32>} : memref<512xf32, #tpu.memory_space<vmem>>, vector<16xf32>,
    %get3A_447 = arith.constant 0 : i32
    %get3A_448 = arith.index_cast %get3A_447 : i32 to index
    %get3A_449 = arith.constant 16 : index
    %get3A_450 = tpu.vector_load %arg10[%get3A_448, %get3A_449] {strides = array<i32>} : memref<4x128xf32, #tpu.memory_space<vmem>>, vector<1x16xf32>,
    %get3A_451 = vector.shape_cast %get3A_450 : vector<1x16xf32> to vector<16xf32>
    %neg3A_452 = arith.constant 0.000000e+00 : f32
    %neg3A_453 = vector.broadcast %neg3A_452 : f32 to vector<16xf32>
    %neg3A_454 = arith.subf %neg3A_453, %get3A_451 : vector<16xf32>
    %exp3A_455 = math.exp %neg3A_454 : vector<16xf32>
    %get3A_456 = arith.constant 0 : i32
    %get3A_457 = arith.index_cast %get3A_456 : i32 to index
    %get3A_458 = arith.constant 16 : index
    %get3A_459 = tpu.vector_load %arg11[%get3A_457, %get3A_458] {strides = array<i32>} : memref<4x128xf32, #tpu.memory_space<vmem>>, vector<1x16xf32>,
    %get3A_460 = vector.shape_cast %get3A_459 : vector<1x16xf32> to vector<16xf32>
    %neg3A_461 = arith.constant 0.000000e+00 : f32
    %neg3A_462 = vector.broadcast %neg3A_461 : f32 to vector<16xf32>
    %neg3A_463 = arith.subf %neg3A_462, %get3A_460 : vector<16xf32>
    %exp3A_464 = math.exp %neg3A_463 : vector<16xf32>
    %get3A_465 = arith.constant 0 : i32
    %get3A_466 = arith.index_cast %get3A_465 : i32 to index
    %get3A_467 = arith.constant 16 : index
    %get3A_468 = tpu.vector_load %arg12[%get3A_466, %get3A_467] {strides = array<i32>} : memref<4x128xf32, #tpu.memory_space<vmem>>, vector<1x16xf32>,
    %get3A_469 = vector.shape_cast %get3A_468 : vector<1x16xf32> to vector<16xf32>
    %neg3A_470 = arith.constant 0.000000e+00 : f32
    %neg3A_471 = vector.broadcast %neg3A_470 : f32 to vector<16xf32>
    %neg3A_472 = arith.subf %neg3A_471, %get3A_469 : vector<16xf32>
    %exp3A_473 = math.exp %neg3A_472 : vector<16xf32>
    %sub3A_474 = arith.subf %exp3A_464, %exp3A_455 : vector<16xf32>
    %mul3A_475 = arith.constant 1.700000e+00 : f32
    %mul3A_476 = vector.broadcast %mul3A_475 : f32 to vector<16xf32>
    %mul3A_477 = arith.mulf %mul3A_476, %sub3A_474 : vector<16xf32>
    %add3A_478 = arith.addf %broadcast_in_dim3A_375, %exp3A_473 : vector<16xf32>
    %add3A_479 = arith.addf %broadcast_in_dim3A_375, %exp3A_455 : vector<16xf32>
    %mul3A_480 = arith.mulf %add3A_478, %add3A_479 : vector<16xf32>
    %add3A_481 = arith.addf %broadcast_in_dim3A_375, %exp3A_464 : vector<16xf32>
    %mul3A_482 = arith.mulf %mul3A_480, %add3A_481 : vector<16xf32>
    %div3A_483 = arith.divf %mul3A_477, %mul3A_482 : vector<16xf32>
    %neg3A_484 = arith.constant 0.000000e+00 : f32
    %neg3A_485 = vector.broadcast %neg3A_484 : f32 to vector<16xf32>
    %neg3A_486 = arith.subf %neg3A_485, %div3A_483 : vector<16xf32>
    %exp3A_487 = math.exp %neg3A_486 : vector<16xf32>
    %add3A_488 = arith.addf %broadcast_in_dim3A_375, %exp3A_487 : vector<16xf32>
    %div3A_489 = arith.divf %broadcast_in_dim3A_375, %add3A_488 : vector<16xf32>
    %swap3A_490 = arith.constant 16 : index
    %swap3A_491 = tpu.vector_load %arg13[%swap3A_490] {strides = array<i32>} : memref<512xf32, #tpu.memory_space<vmem>>, vector<16xf32>,
    %swap3A_492 = vector.shape_cast %swap3A_491 : vector<16xf32> to vector<16xf32>
    %swap3A_493 = vector.shape_cast %div3A_489 : vector<16xf32> to vector<16xf32>
    tpu.vector_store %arg13[%swap3A_490], %swap3A_493 {strides = array<i32>} : memref<512xf32, #tpu.memory_space<vmem>>, vector<16xf32>,
    %get3A_494 = arith.constant 0 : i32
    %get3A_495 = arith.index_cast %get3A_494 : i32 to index
    %get3A_496 = arith.constant 32 : index
    %get3A_497 = tpu.vector_load %arg10[%get3A_495, %get3A_496] {strides = array<i32>} : memref<4x128xf32, #tpu.memory_space<vmem>>, vector<1x16xf32>,
    %get3A_498 = vector.shape_cast %get3A_497 : vector<1x16xf32> to vector<16xf32>
    %neg3A_499 = arith.constant 0.000000e+00 : f32
    %neg3A_500 = vector.broadcast %neg3A_499 : f32 to vector<16xf32>
    %neg3A_501 = arith.subf %neg3A_500, %get3A_498 : vector<16xf32>
    %exp3A_502 = math.exp %neg3A_501 : vector<16xf32>
    %get3A_503 = arith.constant 0 : i32
    %get3A_504 = arith.index_cast %get3A_503 : i32 to index
    %get3A_505 = arith.constant 32 : index
    %get3A_506 = tpu.vector_load %arg11[%get3A_504, %get3A_505] {strides = array<i32>} : memref<4x128xf32, #tpu.memory_space<vmem>>, vector<1x16xf32>,
    %get3A_507 = vector.shape_cast %get3A_506 : vector<1x16xf32> to vector<16xf32>
    %neg3A_508 = arith.constant 0.000000e+00 : f32
    %neg3A_509 = vector.broadcast %neg3A_508 : f32 to vector<16xf32>
    %neg3A_510 = arith.subf %neg3A_509, %get3A_507 : vector<16xf32>
    %exp3A_511 = math.exp %neg3A_510 : vector<16xf32>
    %get3A_512 = arith.constant 0 : i32
    %get3A_513 = arith.index_cast %get3A_512 : i32 to index
    %get3A_514 = arith.constant 32 : index
    %get3A_515 = tpu.vector_load %arg12[%get3A_513, %get3A_514] {strides = array<i32>} : memref<4x128xf32, #tpu.memory_space<vmem>>, vector<1x16xf32>,
    %get3A_516 = vector.shape_cast %get3A_515 : vector<1x16xf32> to vector<16xf32>
    %neg3A_517 = arith.constant 0.000000e+00 : f32
    %neg3A_518 = vector.broadcast %neg3A_517 : f32 to vector<16xf32>
    %neg3A_519 = arith.subf %neg3A_518, %get3A_516 : vector<16xf32>
    %exp3A_520 = math.exp %neg3A_519 : vector<16xf32>
    %sub3A_521 = arith.subf %exp3A_511, %exp3A_502 : vector<16xf32>
    %mul3A_522 = arith.constant 1.700000e+00 : f32
    %mul3A_523 = vector.broadcast %mul3A_522 : f32 to vector<16xf32>
    %mul3A_524 = arith.mulf %mul3A_523, %sub3A_521 : vector<16xf32>
    %add3A_525 = arith.addf %broadcast_in_dim3A_375, %exp3A_520 : vector<16xf32>
    %add3A_526 = arith.addf %broadcast_in_dim3A_375, %exp3A_502 : vector<16xf32>
    %mul3A_527 = arith.mulf %add3A_525, %add3A_526 : vector<16xf32>
    %add3A_528 = arith.addf %broadcast_in_dim3A_375, %exp3A_511 : vector<16xf32>
    %mul3A_529 = arith.mulf %mul3A_527, %add3A_528 : vector<16xf32>
    %div3A_530 = arith.divf %mul3A_524, %mul3A_529 : vector<16xf32>
    %neg3A_531 = arith.constant 0.000000e+00 : f32
    %neg3A_532 = vector.broadcast %neg3A_531 : f32 to vector<16xf32>
    %neg3A_533 = arith.subf %neg3A_532, %div3A_530 : vector<16xf32>
    %exp3A_534 = math.exp %neg3A_533 : vector<16xf32>
    %add3A_535 = arith.addf %broadcast_in_dim3A_375, %exp3A_534 : vector<16xf32>
    %div3A_536 = arith.divf %broadcast_in_dim3A_375, %add3A_535 : vector<16xf32>
    %swap3A_537 = arith.constant 32 : index
    %swap3A_538 = tpu.vector_load %arg13[%swap3A_537] {strides = array<i32>} : memref<512xf32, #tpu.memory_space<vmem>>, vector<16xf32>,
    %swap3A_539 = vector.shape_cast %swap3A_538 : vector<16xf32> to vector<16xf32>
    %swap3A_540 = vector.shape_cast %div3A_536 : vector<16xf32> to vector<16xf32>
    tpu.vector_store %arg13[%swap3A_537], %swap3A_540 {strides = array<i32>} : memref<512xf32, #tpu.memory_space<vmem>>, vector<16xf32>,
    %get3A_541 = arith.constant 0 : i32
    %get3A_542 = arith.index_cast %get3A_541 : i32 to index
    %get3A_543 = arith.constant 48 : index
    %get3A_544 = tpu.vector_load %arg10[%get3A_542, %get3A_543] {strides = array<i32>} : memref<4x128xf32, #tpu.memory_space<vmem>>, vector<1x16xf32>,
    %get3A_545 = vector.shape_cast %get3A_544 : vector<1x16xf32> to vector<16xf32>
    %neg3A_546 = arith.constant 0.000000e+00 : f32
    %neg3A_547 = vector.broadcast %neg3A_546 : f32 to vector<16xf32>
    %neg3A_548 = arith.subf %neg3A_547, %get3A_545 : vector<16xf32>
    %exp3A_549 = math.exp %neg3A_548 : vector<16xf32>
    %get3A_550 = arith.constant 0 : i32
    %get3A_551 = arith.index_cast %get3A_550 : i32 to index
    %get3A_552 = arith.constant 48 : index
    %get3A_553 = tpu.vector_load %arg11[%get3A_551, %get3A_552] {strides = array<i32>} : memref<4x128xf32, #tpu.memory_space<vmem>>, vector<1x16xf32>,
    %get3A_554 = vector.shape_cast %get3A_553 : vector<1x16xf32> to vector<16xf32>
    %neg3A_555 = arith.constant 0.000000e+00 : f32
    %neg3A_556 = vector.broadcast %neg3A_555 : f32 to vector<16xf32>
    %neg3A_557 = arith.subf %neg3A_556, %get3A_554 : vector<16xf32>
    %exp3A_558 = math.exp %neg3A_557 : vector<16xf32>
    %get3A_559 = arith.constant 0 : i32
    %get3A_560 = arith.index_cast %get3A_559 : i32 to index
    %get3A_561 = arith.constant 48 : index
    %get3A_562 = tpu.vector_load %arg12[%get3A_560, %get3A_561] {strides = array<i32>} : memref<4x128xf32, #tpu.memory_space<vmem>>, vector<1x16xf32>,
    %get3A_563 = vector.shape_cast %get3A_562 : vector<1x16xf32> to vector<16xf32>
    %neg3A_564 = arith.constant 0.000000e+00 : f32
    %neg3A_565 = vector.broadcast %neg3A_564 : f32 to vector<16xf32>
    %neg3A_566 = arith.subf %neg3A_565, %get3A_563 : vector<16xf32>
    %exp3A_567 = math.exp %neg3A_566 : vector<16xf32>
    %sub3A_568 = arith.subf %exp3A_558, %exp3A_549 : vector<16xf32>
    %mul3A_569 = arith.constant 1.700000e+00 : f32
    %mul3A_570 = vector.broadcast %mul3A_569 : f32 to vector<16xf32>
    %mul3A_571 = arith.mulf %mul3A_570, %sub3A_568 : vector<16xf32>
    %add3A_572 = arith.addf %broadcast_in_dim3A_375, %exp3A_567 : vector<16xf32>
    %add3A_573 = arith.addf %broadcast_in_dim3A_375, %exp3A_549 : vector<16xf32>
    %mul3A_574 = arith.mulf %add3A_572, %add3A_573 : vector<16xf32>
    %add3A_575 = arith.addf %broadcast_in_dim3A_375, %exp3A_558 : vector<16xf32>
    %mul3A_576 = arith.mulf %mul3A_574, %add3A_575 : vector<16xf32>
    %div3A_577 = arith.divf %mul3A_571, %mul3A_576 : vector<16xf32>
    %neg3A_578 = arith.constant 0.000000e+00 : f32
    %neg3A_579 = vector.broadcast %neg3A_578 : f32 to vector<16xf32>
    %neg3A_580 = arith.subf %neg3A_579, %div3A_577 : vector<16xf32>
    %exp3A_581 = math.exp %neg3A_580 : vector<16xf32>
    %add3A_582 = arith.addf %broadcast_in_dim3A_375, %exp3A_581 : vector<16xf32>
    %div3A_583 = arith.divf %broadcast_in_dim3A_375, %add3A_582 : vector<16xf32>
    %swap3A_584 = arith.constant 48 : index
    %swap3A_585 = tpu.vector_load %arg13[%swap3A_584] {strides = array<i32>} : memref<512xf32, #tpu.memory_space<vmem>>, vector<16xf32>,
    %swap3A_586 = vector.shape_cast %swap3A_585 : vector<16xf32> to vector<16xf32>
    %swap3A_587 = vector.shape_cast %div3A_583 : vector<16xf32> to vector<16xf32>
    tpu.vector_store %arg13[%swap3A_584], %swap3A_587 {strides = array<i32>} : memref<512xf32, #tpu.memory_space<vmem>>, vector<16xf32>,
    %add3A_588 = arith.constant 0 : i32
    %add3A_589 = arith.addi %mul3A_2, %add3A_588 : i32
    %add3A_590 = arith.constant 0 : i32
    %add3A_591 = arith.addi %add3A_589, %add3A_590 : i32
    %dma_start3A_592 = arith.constant 0 : i32
    %dma_start3A_593 = tpu.memref_slice %arg13[%dma_start3A_592] : memref<512xf32, #tpu.memory_space<vmem>> -> memref<64xf32, #tpu.memory_space<vmem>>
    %dma_start3A_594 = tpu.memref_slice %arg7[%add3A_591] : memref<16384xf32, #tpu.memory_space<hbm>> -> memref<64xf32, #tpu.memory_space<hbm>>
    %dma_start3A_595 = tpu.memref_slice %arg7[%add3A_591] : memref<16384xf32, #tpu.memory_space<hbm>> -> memref<64xf32, #tpu.memory_space<hbm>>
    %dma_start3A_596 = arith.constant 0 : i32
    %dma_start3A_597 = tpu.memref_slice %arg13[%dma_start3A_596] : memref<512xf32, #tpu.memory_space<vmem>> -> memref<64xf32, #tpu.memory_space<vmem>>
    tpu.enqueue_dma source(%dma_start3A_597 : memref<64xf32, #tpu.memory_space<vmem>>) target(%dma_start3A_595 : memref<64xf32, #tpu.memory_space<hbm>>) target_semaphore(%arg14 : memref<!tpu.dma_semaphore, #tpu.memory_space<semaphore_mem>>)
    %dma_wait3A_598 = arith.constant 0 : i32
    %dma_wait3A_599 = arith.constant 0 : i32
    %dma_wait3A_600 = arith.constant 64 : i32
    %dma_wait3A_601 = tpu.memref_slice %arg10[%dma_wait3A_599, %dma_wait3A_600] : memref<4x128xf32, #tpu.memory_space<vmem>> -> memref<1x64xf32, #tpu.memory_space<vmem>>
    %dma_wait3A_602 = tpu.memref_squeeze %dma_wait3A_601 : memref<1x64xf32, #tpu.memory_space<vmem>> -> memref<64xf32, #tpu.memory_space<vmem>>
    %dma_wait3A_603 = arith.constant 64 : i32
    %dma_wait3A_604 = tpu.memref_slice %arg8[%dma_wait3A_598, %dma_wait3A_603] : memref<4x128xi32, #tpu.memory_space<vmem>> -> memref<1x64xi32, #tpu.memory_space<vmem>>
    %dma_wait3A_605 = tpu.memref_squeeze %dma_wait3A_604 : memref<1x64xi32, #tpu.memory_space<vmem>> -> memref<64xi32, #tpu.memory_space<vmem>>
    %dma_wait3A_606 = arith.constant 0 : i32
    %dma_wait3A_607 = tpu.memref_slice %arg4[%dma_wait3A_606] : memref<1000000xf32, #tpu.memory_space<hbm>> -> memref<1000000xf32, #tpu.memory_space<hbm>>
    tpu.wait_indirect_dma semaphore(%arg20 : memref<!tpu.dma_semaphore, #tpu.memory_space<semaphore_mem>>) src(%dma_wait3A_607 : memref<1000000xf32, #tpu.memory_space<hbm>>) dst(%dma_wait3A_602 : memref<64xf32, #tpu.memory_space<vmem>>)
    %dma_wait3A_608 = arith.constant 0 : i32
    %dma_wait3A_609 = arith.constant 0 : i32
    %dma_wait3A_610 = arith.constant 64 : i32
    %dma_wait3A_611 = tpu.memref_slice %arg11[%dma_wait3A_609, %dma_wait3A_610] : memref<4x128xf32, #tpu.memory_space<vmem>> -> memref<1x64xf32, #tpu.memory_space<vmem>>
    %dma_wait3A_612 = tpu.memref_squeeze %dma_wait3A_611 : memref<1x64xf32, #tpu.memory_space<vmem>> -> memref<64xf32, #tpu.memory_space<vmem>>
    %dma_wait3A_613 = arith.constant 64 : i32
    %dma_wait3A_614 = tpu.memref_slice %arg9[%dma_wait3A_608, %dma_wait3A_613] : memref<4x128xi32, #tpu.memory_space<vmem>> -> memref<1x64xi32, #tpu.memory_space<vmem>>
    %dma_wait3A_615 = tpu.memref_squeeze %dma_wait3A_614 : memref<1x64xi32, #tpu.memory_space<vmem>> -> memref<64xi32, #tpu.memory_space<vmem>>
    %dma_wait3A_616 = arith.constant 0 : i32
    %dma_wait3A_617 = tpu.memref_slice %arg5[%dma_wait3A_616] : memref<100000xf32, #tpu.memory_space<hbm>> -> memref<100000xf32, #tpu.memory_space<hbm>>
    tpu.wait_indirect_dma semaphore(%arg20 : memref<!tpu.dma_semaphore, #tpu.memory_space<semaphore_mem>>) src(%dma_wait3A_617 : memref<100000xf32, #tpu.memory_space<hbm>>) dst(%dma_wait3A_612 : memref<64xf32, #tpu.memory_space<vmem>>)
    %dma_wait3A_618 = arith.constant 0 : i32
    %dma_wait3A_619 = arith.constant 0 : i32
    %dma_wait3A_620 = arith.constant 64 : i32
    %dma_wait3A_621 = tpu.memref_slice %arg12[%dma_wait3A_619, %dma_wait3A_620] : memref<4x128xf32, #tpu.memory_space<vmem>> -> memref<1x64xf32, #tpu.memory_space<vmem>>
    %dma_wait3A_622 = tpu.memref_squeeze %dma_wait3A_621 : memref<1x64xf32, #tpu.memory_space<vmem>> -> memref<64xf32, #tpu.memory_space<vmem>>
    %dma_wait3A_623 = arith.constant 64 : i32
    %dma_wait3A_624 = tpu.memref_slice %arg9[%dma_wait3A_618, %dma_wait3A_623] : memref<4x128xi32, #tpu.memory_space<vmem>> -> memref<1x64xi32, #tpu.memory_space<vmem>>
    %dma_wait3A_625 = tpu.memref_squeeze %dma_wait3A_624 : memref<1x64xi32, #tpu.memory_space<vmem>> -> memref<64xi32, #tpu.memory_space<vmem>>
    %dma_wait3A_626 = arith.constant 0 : i32
    %dma_wait3A_627 = tpu.memref_slice %arg6[%dma_wait3A_626] : memref<100000xf32, #tpu.memory_space<hbm>> -> memref<100000xf32, #tpu.memory_space<hbm>>
    tpu.wait_indirect_dma semaphore(%arg20 : memref<!tpu.dma_semaphore, #tpu.memory_space<semaphore_mem>>) src(%dma_wait3A_627 : memref<100000xf32, #tpu.memory_space<hbm>>) dst(%dma_wait3A_622 : memref<64xf32, #tpu.memory_space<vmem>>)
    %get3A_628 = arith.constant 0 : i32
    %get3A_629 = arith.index_cast %get3A_628 : i32 to index
    %get3A_630 = arith.constant 64 : index
    %get3A_631 = tpu.vector_load %arg10[%get3A_629, %get3A_630] {strides = array<i32>} : memref<4x128xf32, #tpu.memory_space<vmem>>, vector<1x16xf32>,
    %get3A_632 = vector.shape_cast %get3A_631 : vector<1x16xf32> to vector<16xf32>
    %neg3A_633 = arith.constant 0.000000e+00 : f32
    %neg3A_634 = vector.broadcast %neg3A_633 : f32 to vector<16xf32>
    %neg3A_635 = arith.subf %neg3A_634, %get3A_632 : vector<16xf32>
    %exp3A_636 = math.exp %neg3A_635 : vector<16xf32>
    %get3A_637 = arith.constant 0 : i32
    %get3A_638 = arith.index_cast %get3A_637 : i32 to index
    %get3A_639 = arith.constant 64 : index
    %get3A_640 = tpu.vector_load %arg11[%get3A_638, %get3A_639] {strides = array<i32>} : memref<4x128xf32, #tpu.memory_space<vmem>>, vector<1x16xf32>,
    %get3A_641 = vector.shape_cast %get3A_640 : vector<1x16xf32> to vector<16xf32>
    %neg3A_642 = arith.constant 0.000000e+00 : f32
    %neg3A_643 = vector.broadcast %neg3A_642 : f32 to vector<16xf32>
    %neg3A_644 = arith.subf %neg3A_643, %get3A_641 : vector<16xf32>
    %exp3A_645 = math.exp %neg3A_644 : vector<16xf32>
    %get3A_646 = arith.constant 0 : i32
    %get3A_647 = arith.index_cast %get3A_646 : i32 to index
    %get3A_648 = arith.constant 64 : index
    %get3A_649 = tpu.vector_load %arg12[%get3A_647, %get3A_648] {strides = array<i32>} : memref<4x128xf32, #tpu.memory_space<vmem>>, vector<1x16xf32>,
    %get3A_650 = vector.shape_cast %get3A_649 : vector<1x16xf32> to vector<16xf32>
    %neg3A_651 = arith.constant 0.000000e+00 : f32
    %neg3A_652 = vector.broadcast %neg3A_651 : f32 to vector<16xf32>
    %neg3A_653 = arith.subf %neg3A_652, %get3A_650 : vector<16xf32>
    %exp3A_654 = math.exp %neg3A_653 : vector<16xf32>
    %sub3A_655 = arith.subf %exp3A_645, %exp3A_636 : vector<16xf32>
    %mul3A_656 = arith.constant 1.700000e+00 : f32
    %mul3A_657 = vector.broadcast %mul3A_656 : f32 to vector<16xf32>
    %mul3A_658 = arith.mulf %mul3A_657, %sub3A_655 : vector<16xf32>
    %add3A_659 = arith.addf %broadcast_in_dim3A_375, %exp3A_654 : vector<16xf32>
    %add3A_660 = arith.addf %broadcast_in_dim3A_375, %exp3A_636 : vector<16xf32>
    %mul3A_661 = arith.mulf %add3A_659, %add3A_660 : vector<16xf32>
    %add3A_662 = arith.addf %broadcast_in_dim3A_375, %exp3A_645 : vector<16xf32>
    %mul3A_663 = arith.mulf %mul3A_661, %add3A_662 : vector<16xf32>
    %div3A_664 = arith.divf %mul3A_658, %mul3A_663 : vector<16xf32>
    %neg3A_665 = arith.constant 0.000000e+00 : f32
    %neg3A_666 = vector.broadcast %neg3A_665 : f32 to vector<16xf32>
    %neg3A_667 = arith.subf %neg3A_666, %div3A_664 : vector<16xf32>
    %exp3A_668 = math.exp %neg3A_667 : vector<16xf32>
    %add3A_669 = arith.addf %broadcast_in_dim3A_375, %exp3A_668 : vector<16xf32>
    %div3A_670 = arith.divf %broadcast_in_dim3A_375, %add3A_669 : vector<16xf32>
    %swap3A_671 = arith.constant 64 : index
    %swap3A_672 = tpu.vector_load %arg13[%swap3A_671] {strides = array<i32>} : memref<512xf32, #tpu.memory_space<vmem>>, vector<16xf32>,
    %swap3A_673 = vector.shape_cast %swap3A_672 : vector<16xf32> to vector<16xf32>
    %swap3A_674 = vector.shape_cast %div3A_670 : vector<16xf32> to vector<16xf32>
    tpu.vector_store %arg13[%swap3A_671], %swap3A_674 {strides = array<i32>} : memref<512xf32, #tpu.memory_space<vmem>>, vector<16xf32>,
    %get3A_675 = arith.constant 0 : i32
    %get3A_676 = arith.index_cast %get3A_675 : i32 to index
    %get3A_677 = arith.constant 80 : index
    %get3A_678 = tpu.vector_load %arg10[%get3A_676, %get3A_677] {strides = array<i32>} : memref<4x128xf32, #tpu.memory_space<vmem>>, vector<1x16xf32>,
    %get3A_679 = vector.shape_cast %get3A_678 : vector<1x16xf32> to vector<16xf32>
    %neg3A_680 = arith.constant 0.000000e+00 : f32
    %neg3A_681 = vector.broadcast %neg3A_680 : f32 to vector<16xf32>
    %neg3A_682 = arith.subf %neg3A_681, %get3A_679 : vector<16xf32>
    %exp3A_683 = math.exp %neg3A_682 : vector<16xf32>
    %get3A_684 = arith.constant 0 : i32
    %get3A_685 = arith.index_cast %get3A_684 : i32 to index
    %get3A_686 = arith.constant 80 : index
    %get3A_687 = tpu.vector_load %arg11[%get3A_685, %get3A_686] {strides = array<i32>} : memref<4x128xf32, #tpu.memory_space<vmem>>, vector<1x16xf32>,
    %get3A_688 = vector.shape_cast %get3A_687 : vector<1x16xf32> to vector<16xf32>
    %neg3A_689 = arith.constant 0.000000e+00 : f32
    %neg3A_690 = vector.broadcast %neg3A_689 : f32 to vector<16xf32>
    %neg3A_691 = arith.subf %neg3A_690, %get3A_688 : vector<16xf32>
    %exp3A_692 = math.exp %neg3A_691 : vector<16xf32>
    %get3A_693 = arith.constant 0 : i32
    %get3A_694 = arith.index_cast %get3A_693 : i32 to index
    %get3A_695 = arith.constant 80 : index
    %get3A_696 = tpu.vector_load %arg12[%get3A_694, %get3A_695] {strides = array<i32>} : memref<4x128xf32, #tpu.memory_space<vmem>>, vector<1x16xf32>,
    %get3A_697 = vector.shape_cast %get3A_696 : vector<1x16xf32> to vector<16xf32>
    %neg3A_698 = arith.constant 0.000000e+00 : f32
    %neg3A_699 = vector.broadcast %neg3A_698 : f32 to vector<16xf32>
    %neg3A_700 = arith.subf %neg3A_699, %get3A_697 : vector<16xf32>
    %exp3A_701 = math.exp %neg3A_700 : vector<16xf32>
    %sub3A_702 = arith.subf %exp3A_692, %exp3A_683 : vector<16xf32>
    %mul3A_703 = arith.constant 1.700000e+00 : f32
    %mul3A_704 = vector.broadcast %mul3A_703 : f32 to vector<16xf32>
    %mul3A_705 = arith.mulf %mul3A_704, %sub3A_702 : vector<16xf32>
    %add3A_706 = arith.addf %broadcast_in_dim3A_375, %exp3A_701 : vector<16xf32>
    %add3A_707 = arith.addf %broadcast_in_dim3A_375, %exp3A_683 : vector<16xf32>
    %mul3A_708 = arith.mulf %add3A_706, %add3A_707 : vector<16xf32>
    %add3A_709 = arith.addf %broadcast_in_dim3A_375, %exp3A_692 : vector<16xf32>
    %mul3A_710 = arith.mulf %mul3A_708, %add3A_709 : vector<16xf32>
    %div3A_711 = arith.divf %mul3A_705, %mul3A_710 : vector<16xf32>
    %neg3A_712 = arith.constant 0.000000e+00 : f32
    %neg3A_713 = vector.broadcast %neg3A_712 : f32 to vector<16xf32>
    %neg3A_714 = arith.subf %neg3A_713, %div3A_711 : vector<16xf32>
    %exp3A_715 = math.exp %neg3A_714 : vector<16xf32>
    %add3A_716 = arith.addf %broadcast_in_dim3A_375, %exp3A_715 : vector<16xf32>
    %div3A_717 = arith.divf %broadcast_in_dim3A_375, %add3A_716 : vector<16xf32>
    %swap3A_718 = arith.constant 80 : index
    %swap3A_719 = tpu.vector_load %arg13[%swap3A_718] {strides = array<i32>} : memref<512xf32, #tpu.memory_space<vmem>>, vector<16xf32>,
    %swap3A_720 = vector.shape_cast %swap3A_719 : vector<16xf32> to vector<16xf32>
    %swap3A_721 = vector.shape_cast %div3A_717 : vector<16xf32> to vector<16xf32>
    tpu.vector_store %arg13[%swap3A_718], %swap3A_721 {strides = array<i32>} : memref<512xf32, #tpu.memory_space<vmem>>, vector<16xf32>,
    %get3A_722 = arith.constant 0 : i32
    %get3A_723 = arith.index_cast %get3A_722 : i32 to index
    %get3A_724 = arith.constant 96 : index
    %get3A_725 = tpu.vector_load %arg10[%get3A_723, %get3A_724] {strides = array<i32>} : memref<4x128xf32, #tpu.memory_space<vmem>>, vector<1x16xf32>,
    %get3A_726 = vector.shape_cast %get3A_725 : vector<1x16xf32> to vector<16xf32>
    %neg3A_727 = arith.constant 0.000000e+00 : f32
    %neg3A_728 = vector.broadcast %neg3A_727 : f32 to vector<16xf32>
    %neg3A_729 = arith.subf %neg3A_728, %get3A_726 : vector<16xf32>
    %exp3A_730 = math.exp %neg3A_729 : vector<16xf32>
    %get3A_731 = arith.constant 0 : i32
    %get3A_732 = arith.index_cast %get3A_731 : i32 to index
    %get3A_733 = arith.constant 96 : index
    %get3A_734 = tpu.vector_load %arg11[%get3A_732, %get3A_733] {strides = array<i32>} : memref<4x128xf32, #tpu.memory_space<vmem>>, vector<1x16xf32>,
    %get3A_735 = vector.shape_cast %get3A_734 : vector<1x16xf32> to vector<16xf32>
    %neg3A_736 = arith.constant 0.000000e+00 : f32
    %neg3A_737 = vector.broadcast %neg3A_736 : f32 to vector<16xf32>
    %neg3A_738 = arith.subf %neg3A_737, %get3A_735 : vector<16xf32>
    %exp3A_739 = math.exp %neg3A_738 : vector<16xf32>
    %get3A_740 = arith.constant 0 : i32
    %get3A_741 = arith.index_cast %get3A_740 : i32 to index
    %get3A_742 = arith.constant 96 : index
    %get3A_743 = tpu.vector_load %arg12[%get3A_741, %get3A_742] {strides = array<i32>} : memref<4x128xf32, #tpu.memory_space<vmem>>, vector<1x16xf32>,
    %get3A_744 = vector.shape_cast %get3A_743 : vector<1x16xf32> to vector<16xf32>
    %neg3A_745 = arith.constant 0.000000e+00 : f32
    %neg3A_746 = vector.broadcast %neg3A_745 : f32 to vector<16xf32>
    %neg3A_747 = arith.subf %neg3A_746, %get3A_744 : vector<16xf32>
    %exp3A_748 = math.exp %neg3A_747 : vector<16xf32>
    %sub3A_749 = arith.subf %exp3A_739, %exp3A_730 : vector<16xf32>
    %mul3A_750 = arith.constant 1.700000e+00 : f32
    %mul3A_751 = vector.broadcast %mul3A_750 : f32 to vector<16xf32>
    %mul3A_752 = arith.mulf %mul3A_751, %sub3A_749 : vector<16xf32>
    %add3A_753 = arith.addf %broadcast_in_dim3A_375, %exp3A_748 : vector<16xf32>
    %add3A_754 = arith.addf %broadcast_in_dim3A_375, %exp3A_730 : vector<16xf32>
    %mul3A_755 = arith.mulf %add3A_753, %add3A_754 : vector<16xf32>
    %add3A_756 = arith.addf %broadcast_in_dim3A_375, %exp3A_739 : vector<16xf32>
    %mul3A_757 = arith.mulf %mul3A_755, %add3A_756 : vector<16xf32>
    %div3A_758 = arith.divf %mul3A_752, %mul3A_757 : vector<16xf32>
    %neg3A_759 = arith.constant 0.000000e+00 : f32
    %neg3A_760 = vector.broadcast %neg3A_759 : f32 to vector<16xf32>
    %neg3A_761 = arith.subf %neg3A_760, %div3A_758 : vector<16xf32>
    %exp3A_762 = math.exp %neg3A_761 : vector<16xf32>
    %add3A_763 = arith.addf %broadcast_in_dim3A_375, %exp3A_762 : vector<16xf32>
    %div3A_764 = arith.divf %broadcast_in_dim3A_375, %add3A_763 : vector<16xf32>
    %swap3A_765 = arith.constant 96 : index
    %swap3A_766 = tpu.vector_load %arg13[%swap3A_765] {strides = array<i32>} : memref<512xf32, #tpu.memory_space<vmem>>, vector<16xf32>,
    %swap3A_767 = vector.shape_cast %swap3A_766 : vector<16xf32> to vector<16xf32>
    %swap3A_768 = vector.shape_cast %div3A_764 : vector<16xf32> to vector<16xf32>
    tpu.vector_store %arg13[%swap3A_765], %swap3A_768 {strides = array<i32>} : memref<512xf32, #tpu.memory_space<vmem>>, vector<16xf32>,
    %get3A_769 = arith.constant 0 : i32
    %get3A_770 = arith.index_cast %get3A_769 : i32 to index
    %get3A_771 = arith.constant 112 : index
    %get3A_772 = tpu.vector_load %arg10[%get3A_770, %get3A_771] {strides = array<i32>} : memref<4x128xf32, #tpu.memory_space<vmem>>, vector<1x16xf32>,
    %get3A_773 = vector.shape_cast %get3A_772 : vector<1x16xf32> to vector<16xf32>
    %neg3A_774 = arith.constant 0.000000e+00 : f32
    %neg3A_775 = vector.broadcast %neg3A_774 : f32 to vector<16xf32>
    %neg3A_776 = arith.subf %neg3A_775, %get3A_773 : vector<16xf32>
    %exp3A_777 = math.exp %neg3A_776 : vector<16xf32>
    %get3A_778 = arith.constant 0 : i32
    %get3A_779 = arith.index_cast %get3A_778 : i32 to index
    %get3A_780 = arith.constant 112 : index
    %get3A_781 = tpu.vector_load %arg11[%get3A_779, %get3A_780] {strides = array<i32>} : memref<4x128xf32, #tpu.memory_space<vmem>>, vector<1x16xf32>,
    %get3A_782 = vector.shape_cast %get3A_781 : vector<1x16xf32> to vector<16xf32>
    %neg3A_783 = arith.constant 0.000000e+00 : f32
    %neg3A_784 = vector.broadcast %neg3A_783 : f32 to vector<16xf32>
    %neg3A_785 = arith.subf %neg3A_784, %get3A_782 : vector<16xf32>
    %exp3A_786 = math.exp %neg3A_785 : vector<16xf32>
    %get3A_787 = arith.constant 0 : i32
    %get3A_788 = arith.index_cast %get3A_787 : i32 to index
    %get3A_789 = arith.constant 112 : index
    %get3A_790 = tpu.vector_load %arg12[%get3A_788, %get3A_789] {strides = array<i32>} : memref<4x128xf32, #tpu.memory_space<vmem>>, vector<1x16xf32>,
    %get3A_791 = vector.shape_cast %get3A_790 : vector<1x16xf32> to vector<16xf32>
    %neg3A_792 = arith.constant 0.000000e+00 : f32
    %neg3A_793 = vector.broadcast %neg3A_792 : f32 to vector<16xf32>
    %neg3A_794 = arith.subf %neg3A_793, %get3A_791 : vector<16xf32>
    %exp3A_795 = math.exp %neg3A_794 : vector<16xf32>
    %sub3A_796 = arith.subf %exp3A_786, %exp3A_777 : vector<16xf32>
    %mul3A_797 = arith.constant 1.700000e+00 : f32
    %mul3A_798 = vector.broadcast %mul3A_797 : f32 to vector<16xf32>
    %mul3A_799 = arith.mulf %mul3A_798, %sub3A_796 : vector<16xf32>
    %add3A_800 = arith.addf %broadcast_in_dim3A_375, %exp3A_795 : vector<16xf32>
    %add3A_801 = arith.addf %broadcast_in_dim3A_375, %exp3A_777 : vector<16xf32>
    %mul3A_802 = arith.mulf %add3A_800, %add3A_801 : vector<16xf32>
    %add3A_803 = arith.addf %broadcast_in_dim3A_375, %exp3A_786 : vector<16xf32>
    %mul3A_804 = arith.mulf %mul3A_802, %add3A_803 : vector<16xf32>
    %div3A_805 = arith.divf %mul3A_799, %mul3A_804 : vector<16xf32>
    %neg3A_806 = arith.constant 0.000000e+00 : f32
    %neg3A_807 = vector.broadcast %neg3A_806 : f32 to vector<16xf32>
    %neg3A_808 = arith.subf %neg3A_807, %div3A_805 : vector<16xf32>
    %exp3A_809 = math.exp %neg3A_808 : vector<16xf32>
    %add3A_810 = arith.addf %broadcast_in_dim3A_375, %exp3A_809 : vector<16xf32>
    %div3A_811 = arith.divf %broadcast_in_dim3A_375, %add3A_810 : vector<16xf32>
    %swap3A_812 = arith.constant 112 : index
    %swap3A_813 = tpu.vector_load %arg13[%swap3A_812] {strides = array<i32>} : memref<512xf32, #tpu.memory_space<vmem>>, vector<16xf32>,
    %swap3A_814 = vector.shape_cast %swap3A_813 : vector<16xf32> to vector<16xf32>
    %swap3A_815 = vector.shape_cast %div3A_811 : vector<16xf32> to vector<16xf32>
    tpu.vector_store %arg13[%swap3A_812], %swap3A_815 {strides = array<i32>} : memref<512xf32, #tpu.memory_space<vmem>>, vector<16xf32>,
    %add3A_816 = arith.constant 0 : i32
    %add3A_817 = arith.addi %mul3A_2, %add3A_816 : i32
    %add3A_818 = arith.constant 64 : i32
    %add3A_819 = arith.addi %add3A_817, %add3A_818 : i32
    %dma_start3A_820 = arith.constant 64 : i32
    %dma_start3A_821 = tpu.memref_slice %arg13[%dma_start3A_820] : memref<512xf32, #tpu.memory_space<vmem>> -> memref<64xf32, #tpu.memory_space<vmem>>
    %dma_start3A_822 = tpu.memref_slice %arg7[%add3A_819] : memref<16384xf32, #tpu.memory_space<hbm>> -> memref<64xf32, #tpu.memory_space<hbm>>
    %dma_start3A_823 = tpu.memref_slice %arg7[%add3A_819] : memref<16384xf32, #tpu.memory_space<hbm>> -> memref<64xf32, #tpu.memory_space<hbm>>
    %dma_start3A_824 = arith.constant 64 : i32
    %dma_start3A_825 = tpu.memref_slice %arg13[%dma_start3A_824] : memref<512xf32, #tpu.memory_space<vmem>> -> memref<64xf32, #tpu.memory_space<vmem>>
    tpu.enqueue_dma source(%dma_start3A_825 : memref<64xf32, #tpu.memory_space<vmem>>) target(%dma_start3A_823 : memref<64xf32, #tpu.memory_space<hbm>>) target_semaphore(%arg14 : memref<!tpu.dma_semaphore, #tpu.memory_space<semaphore_mem>>)
    %dma_wait3A_826 = arith.constant 1 : i32
    %dma_wait3A_827 = arith.constant 1 : i32
    %dma_wait3A_828 = arith.constant 0 : i32
    %dma_wait3A_829 = tpu.memref_slice %arg10[%dma_wait3A_827, %dma_wait3A_828] : memref<4x128xf32, #tpu.memory_space<vmem>> -> memref<1x128xf32, #tpu.memory_space<vmem>>
    %dma_wait3A_830 = tpu.memref_squeeze %dma_wait3A_829 : memref<1x128xf32, #tpu.memory_space<vmem>> -> memref<128xf32, #tpu.memory_space<vmem>>
    %dma_wait3A_831 = arith.constant 0 : i32
    %dma_wait3A_832 = tpu.memref_slice %arg8[%dma_wait3A_826, %dma_wait3A_831] : memref<4x128xi32, #tpu.memory_space<vmem>> -> memref<1x128xi32, #tpu.memory_space<vmem>>
    %dma_wait3A_833 = tpu.memref_squeeze %dma_wait3A_832 : memref<1x128xi32, #tpu.memory_space<vmem>> -> memref<128xi32, #tpu.memory_space<vmem>>
    %dma_wait3A_834 = arith.constant 0 : i32
    %dma_wait3A_835 = tpu.memref_slice %arg4[%dma_wait3A_834] : memref<1000000xf32, #tpu.memory_space<hbm>> -> memref<1000000xf32, #tpu.memory_space<hbm>>
    tpu.wait_indirect_dma semaphore(%arg21 : memref<!tpu.dma_semaphore, #tpu.memory_space<semaphore_mem>>) src(%dma_wait3A_835 : memref<1000000xf32, #tpu.memory_space<hbm>>) dst(%dma_wait3A_830 : memref<128xf32, #tpu.memory_space<vmem>>)
    %dma_wait3A_836 = arith.constant 1 : i32
    %dma_wait3A_837 = arith.constant 1 : i32
    %dma_wait3A_838 = arith.constant 0 : i32
    %dma_wait3A_839 = tpu.memref_slice %arg11[%dma_wait3A_837, %dma_wait3A_838] : memref<4x128xf32, #tpu.memory_space<vmem>> -> memref<1x128xf32, #tpu.memory_space<vmem>>
    %dma_wait3A_840 = tpu.memref_squeeze %dma_wait3A_839 : memref<1x128xf32, #tpu.memory_space<vmem>> -> memref<128xf32, #tpu.memory_space<vmem>>
    %dma_wait3A_841 = arith.constant 0 : i32
    %dma_wait3A_842 = tpu.memref_slice %arg9[%dma_wait3A_836, %dma_wait3A_841] : memref<4x128xi32, #tpu.memory_space<vmem>> -> memref<1x128xi32, #tpu.memory_space<vmem>>
    %dma_wait3A_843 = tpu.memref_squeeze %dma_wait3A_842 : memref<1x128xi32, #tpu.memory_space<vmem>> -> memref<128xi32, #tpu.memory_space<vmem>>
    %dma_wait3A_844 = arith.constant 0 : i32
    %dma_wait3A_845 = tpu.memref_slice %arg5[%dma_wait3A_844] : memref<100000xf32, #tpu.memory_space<hbm>> -> memref<100000xf32, #tpu.memory_space<hbm>>
    tpu.wait_indirect_dma semaphore(%arg21 : memref<!tpu.dma_semaphore, #tpu.memory_space<semaphore_mem>>) src(%dma_wait3A_845 : memref<100000xf32, #tpu.memory_space<hbm>>) dst(%dma_wait3A_840 : memref<128xf32, #tpu.memory_space<vmem>>)
    %dma_wait3A_846 = arith.constant 1 : i32
    %dma_wait3A_847 = arith.constant 1 : i32
    %dma_wait3A_848 = arith.constant 0 : i32
    %dma_wait3A_849 = tpu.memref_slice %arg12[%dma_wait3A_847, %dma_wait3A_848] : memref<4x128xf32, #tpu.memory_space<vmem>> -> memref<1x128xf32, #tpu.memory_space<vmem>>
    %dma_wait3A_850 = tpu.memref_squeeze %dma_wait3A_849 : memref<1x128xf32, #tpu.memory_space<vmem>> -> memref<128xf32, #tpu.memory_space<vmem>>
    %dma_wait3A_851 = arith.constant 0 : i32
    %dma_wait3A_852 = tpu.memref_slice %arg9[%dma_wait3A_846, %dma_wait3A_851] : memref<4x128xi32, #tpu.memory_space<vmem>> -> memref<1x128xi32, #tpu.memory_space<vmem>>
    %dma_wait3A_853 = tpu.memref_squeeze %dma_wait3A_852 : memref<1x128xi32, #tpu.memory_space<vmem>> -> memref<128xi32, #tpu.memory_space<vmem>>
    %dma_wait3A_854 = arith.constant 0 : i32
    %dma_wait3A_855 = tpu.memref_slice %arg6[%dma_wait3A_854] : memref<100000xf32, #tpu.memory_space<hbm>> -> memref<100000xf32, #tpu.memory_space<hbm>>
    tpu.wait_indirect_dma semaphore(%arg21 : memref<!tpu.dma_semaphore, #tpu.memory_space<semaphore_mem>>) src(%dma_wait3A_855 : memref<100000xf32, #tpu.memory_space<hbm>>) dst(%dma_wait3A_850 : memref<128xf32, #tpu.memory_space<vmem>>)
    %get3A_856 = arith.constant 1 : i32
    %get3A_857 = arith.index_cast %get3A_856 : i32 to index
    %get3A_858 = arith.constant 0 : index
    %get3A_859 = tpu.vector_load %arg10[%get3A_857, %get3A_858] {strides = array<i32>} : memref<4x128xf32, #tpu.memory_space<vmem>>, vector<1x16xf32>,
    %get3A_860 = vector.shape_cast %get3A_859 : vector<1x16xf32> to vector<16xf32>
    %neg3A_861 = arith.constant 0.000000e+00 : f32
    %neg3A_862 = vector.broadcast %neg3A_861 : f32 to vector<16xf32>
    %neg3A_863 = arith.subf %neg3A_862, %get3A_860 : vector<16xf32>
    %exp3A_864 = math.exp %neg3A_863 : vector<16xf32>
    %get3A_865 = arith.constant 1 : i32
    %get3A_866 = arith.index_cast %get3A_865 : i32 to index
    %get3A_867 = arith.constant 0 : index
    %get3A_868 = tpu.vector_load %arg11[%get3A_866, %get3A_867] {strides = array<i32>} : memref<4x128xf32, #tpu.memory_space<vmem>>, vector<1x16xf32>,
    %get3A_869 = vector.shape_cast %get3A_868 : vector<1x16xf32> to vector<16xf32>
    %neg3A_870 = arith.constant 0.000000e+00 : f32
    %neg3A_871 = vector.broadcast %neg3A_870 : f32 to vector<16xf32>
    %neg3A_872 = arith.subf %neg3A_871, %get3A_869 : vector<16xf32>
    %exp3A_873 = math.exp %neg3A_872 : vector<16xf32>
    %get3A_874 = arith.constant 1 : i32
    %get3A_875 = arith.index_cast %get3A_874 : i32 to index
    %get3A_876 = arith.constant 0 : index
    %get3A_877 = tpu.vector_load %arg12[%get3A_875, %get3A_876] {strides = array<i32>} : memref<4x128xf32, #tpu.memory_space<vmem>>, vector<1x16xf32>,
    %get3A_878 = vector.shape_cast %get3A_877 : vector<1x16xf32> to vector<16xf32>
    %neg3A_879 = arith.constant 0.000000e+00 : f32
    %neg3A_880 = vector.broadcast %neg3A_879 : f32 to vector<16xf32>
    %neg3A_881 = arith.subf %neg3A_880, %get3A_878 : vector<16xf32>
    %exp3A_882 = math.exp %neg3A_881 : vector<16xf32>
    %sub3A_883 = arith.subf %exp3A_873, %exp3A_864 : vector<16xf32>
    %mul3A_884 = arith.constant 1.700000e+00 : f32
    %mul3A_885 = vector.broadcast %mul3A_884 : f32 to vector<16xf32>
    %mul3A_886 = arith.mulf %mul3A_885, %sub3A_883 : vector<16xf32>
    %add3A_887 = arith.addf %broadcast_in_dim3A_375, %exp3A_882 : vector<16xf32>
    %add3A_888 = arith.addf %broadcast_in_dim3A_375, %exp3A_864 : vector<16xf32>
    %mul3A_889 = arith.mulf %add3A_887, %add3A_888 : vector<16xf32>
    %add3A_890 = arith.addf %broadcast_in_dim3A_375, %exp3A_873 : vector<16xf32>
    %mul3A_891 = arith.mulf %mul3A_889, %add3A_890 : vector<16xf32>
    %div3A_892 = arith.divf %mul3A_886, %mul3A_891 : vector<16xf32>
    %neg3A_893 = arith.constant 0.000000e+00 : f32
    %neg3A_894 = vector.broadcast %neg3A_893 : f32 to vector<16xf32>
    %neg3A_895 = arith.subf %neg3A_894, %div3A_892 : vector<16xf32>
    %exp3A_896 = math.exp %neg3A_895 : vector<16xf32>
    %add3A_897 = arith.addf %broadcast_in_dim3A_375, %exp3A_896 : vector<16xf32>
    %div3A_898 = arith.divf %broadcast_in_dim3A_375, %add3A_897 : vector<16xf32>
    %swap3A_899 = arith.constant 128 : index
    %swap3A_900 = tpu.vector_load %arg13[%swap3A_899] {strides = array<i32>} : memref<512xf32, #tpu.memory_space<vmem>>, vector<16xf32>,
    %swap3A_901 = vector.shape_cast %swap3A_900 : vector<16xf32> to vector<16xf32>
    %swap3A_902 = vector.shape_cast %div3A_898 : vector<16xf32> to vector<16xf32>
    tpu.vector_store %arg13[%swap3A_899], %swap3A_902 {strides = array<i32>} : memref<512xf32, #tpu.memory_space<vmem>>, vector<16xf32>,
    %get3A_903 = arith.constant 1 : i32
    %get3A_904 = arith.index_cast %get3A_903 : i32 to index
    %get3A_905 = arith.constant 16 : index
    %get3A_906 = tpu.vector_load %arg10[%get3A_904, %get3A_905] {strides = array<i32>} : memref<4x128xf32, #tpu.memory_space<vmem>>, vector<1x16xf32>,
    %get3A_907 = vector.shape_cast %get3A_906 : vector<1x16xf32> to vector<16xf32>
    %neg3A_908 = arith.constant 0.000000e+00 : f32
    %neg3A_909 = vector.broadcast %neg3A_908 : f32 to vector<16xf32>
    %neg3A_910 = arith.subf %neg3A_909, %get3A_907 : vector<16xf32>
    %exp3A_911 = math.exp %neg3A_910 : vector<16xf32>
    %get3A_912 = arith.constant 1 : i32
    %get3A_913 = arith.index_cast %get3A_912 : i32 to index
    %get3A_914 = arith.constant 16 : index
    %get3A_915 = tpu.vector_load %arg11[%get3A_913, %get3A_914] {strides = array<i32>} : memref<4x128xf32, #tpu.memory_space<vmem>>, vector<1x16xf32>,
    %get3A_916 = vector.shape_cast %get3A_915 : vector<1x16xf32> to vector<16xf32>
    %neg3A_917 = arith.constant 0.000000e+00 : f32
    %neg3A_918 = vector.broadcast %neg3A_917 : f32 to vector<16xf32>
    %neg3A_919 = arith.subf %neg3A_918, %get3A_916 : vector<16xf32>
    %exp3A_920 = math.exp %neg3A_919 : vector<16xf32>
    %get3A_921 = arith.constant 1 : i32
    %get3A_922 = arith.index_cast %get3A_921 : i32 to index
    %get3A_923 = arith.constant 16 : index
    %get3A_924 = tpu.vector_load %arg12[%get3A_922, %get3A_923] {strides = array<i32>} : memref<4x128xf32, #tpu.memory_space<vmem>>, vector<1x16xf32>,
    %get3A_925 = vector.shape_cast %get3A_924 : vector<1x16xf32> to vector<16xf32>
    %neg3A_926 = arith.constant 0.000000e+00 : f32
    %neg3A_927 = vector.broadcast %neg3A_926 : f32 to vector<16xf32>
    %neg3A_928 = arith.subf %neg3A_927, %get3A_925 : vector<16xf32>
    %exp3A_929 = math.exp %neg3A_928 : vector<16xf32>
    %sub3A_930 = arith.subf %exp3A_920, %exp3A_911 : vector<16xf32>
    %mul3A_931 = arith.constant 1.700000e+00 : f32
    %mul3A_932 = vector.broadcast %mul3A_931 : f32 to vector<16xf32>
    %mul3A_933 = arith.mulf %mul3A_932, %sub3A_930 : vector<16xf32>
    %add3A_934 = arith.addf %broadcast_in_dim3A_375, %exp3A_929 : vector<16xf32>
    %add3A_935 = arith.addf %broadcast_in_dim3A_375, %exp3A_911 : vector<16xf32>
    %mul3A_936 = arith.mulf %add3A_934, %add3A_935 : vector<16xf32>
    %add3A_937 = arith.addf %broadcast_in_dim3A_375, %exp3A_920 : vector<16xf32>
    %mul3A_938 = arith.mulf %mul3A_936, %add3A_937 : vector<16xf32>
    %div3A_939 = arith.divf %mul3A_933, %mul3A_938 : vector<16xf32>
    %neg3A_940 = arith.constant 0.000000e+00 : f32
    %neg3A_941 = vector.broadcast %neg3A_940 : f32 to vector<16xf32>
    %neg3A_942 = arith.subf %neg3A_941, %div3A_939 : vector<16xf32>
    %exp3A_943 = math.exp %neg3A_942 : vector<16xf32>
    %add3A_944 = arith.addf %broadcast_in_dim3A_375, %exp3A_943 : vector<16xf32>
    %div3A_945 = arith.divf %broadcast_in_dim3A_375, %add3A_944 : vector<16xf32>
    %swap3A_946 = arith.constant 144 : index
    %swap3A_947 = tpu.vector_load %arg13[%swap3A_946] {strides = array<i32>} : memref<512xf32, #tpu.memory_space<vmem>>, vector<16xf32>,
    %swap3A_948 = vector.shape_cast %swap3A_947 : vector<16xf32> to vector<16xf32>
    %swap3A_949 = vector.shape_cast %div3A_945 : vector<16xf32> to vector<16xf32>
    tpu.vector_store %arg13[%swap3A_946], %swap3A_949 {strides = array<i32>} : memref<512xf32, #tpu.memory_space<vmem>>, vector<16xf32>,
    %get3A_950 = arith.constant 1 : i32
    %get3A_951 = arith.index_cast %get3A_950 : i32 to index
    %get3A_952 = arith.constant 32 : index
    %get3A_953 = tpu.vector_load %arg10[%get3A_951, %get3A_952] {strides = array<i32>} : memref<4x128xf32, #tpu.memory_space<vmem>>, vector<1x16xf32>,
    %get3A_954 = vector.shape_cast %get3A_953 : vector<1x16xf32> to vector<16xf32>
    %neg3A_955 = arith.constant 0.000000e+00 : f32
    %neg3A_956 = vector.broadcast %neg3A_955 : f32 to vector<16xf32>
    %neg3A_957 = arith.subf %neg3A_956, %get3A_954 : vector<16xf32>
    %exp3A_958 = math.exp %neg3A_957 : vector<16xf32>
    %get3A_959 = arith.constant 1 : i32
    %get3A_960 = arith.index_cast %get3A_959 : i32 to index
    %get3A_961 = arith.constant 32 : index
    %get3A_962 = tpu.vector_load %arg11[%get3A_960, %get3A_961] {strides = array<i32>} : memref<4x128xf32, #tpu.memory_space<vmem>>, vector<1x16xf32>,
    %get3A_963 = vector.shape_cast %get3A_962 : vector<1x16xf32> to vector<16xf32>
    %neg3A_964 = arith.constant 0.000000e+00 : f32
    %neg3A_965 = vector.broadcast %neg3A_964 : f32 to vector<16xf32>
    %neg3A_966 = arith.subf %neg3A_965, %get3A_963 : vector<16xf32>
    %exp3A_967 = math.exp %neg3A_966 : vector<16xf32>
    %get3A_968 = arith.constant 1 : i32
    %get3A_969 = arith.index_cast %get3A_968 : i32 to index
    %get3A_970 = arith.constant 32 : index
    %get3A_971 = tpu.vector_load %arg12[%get3A_969, %get3A_970] {strides = array<i32>} : memref<4x128xf32, #tpu.memory_space<vmem>>, vector<1x16xf32>,
    %get3A_972 = vector.shape_cast %get3A_971 : vector<1x16xf32> to vector<16xf32>
    %neg3A_973 = arith.constant 0.000000e+00 : f32
    %neg3A_974 = vector.broadcast %neg3A_973 : f32 to vector<16xf32>
    %neg3A_975 = arith.subf %neg3A_974, %get3A_972 : vector<16xf32>
    %exp3A_976 = math.exp %neg3A_975 : vector<16xf32>
    %sub3A_977 = arith.subf %exp3A_967, %exp3A_958 : vector<16xf32>
    %mul3A_978 = arith.constant 1.700000e+00 : f32
    %mul3A_979 = vector.broadcast %mul3A_978 : f32 to vector<16xf32>
    %mul3A_980 = arith.mulf %mul3A_979, %sub3A_977 : vector<16xf32>
    %add3A_981 = arith.addf %broadcast_in_dim3A_375, %exp3A_976 : vector<16xf32>
    %add3A_982 = arith.addf %broadcast_in_dim3A_375, %exp3A_958 : vector<16xf32>
    %mul3A_983 = arith.mulf %add3A_981, %add3A_982 : vector<16xf32>
    %add3A_984 = arith.addf %broadcast_in_dim3A_375, %exp3A_967 : vector<16xf32>
    %mul3A_985 = arith.mulf %mul3A_983, %add3A_984 : vector<16xf32>
    %div3A_986 = arith.divf %mul3A_980, %mul3A_985 : vector<16xf32>
    %neg3A_987 = arith.constant 0.000000e+00 : f32
    %neg3A_988 = vector.broadcast %neg3A_987 : f32 to vector<16xf32>
    %neg3A_989 = arith.subf %neg3A_988, %div3A_986 : vector<16xf32>
    %exp3A_990 = math.exp %neg3A_989 : vector<16xf32>
    %add3A_991 = arith.addf %broadcast_in_dim3A_375, %exp3A_990 : vector<16xf32>
    %div3A_992 = arith.divf %broadcast_in_dim3A_375, %add3A_991 : vector<16xf32>
    %swap3A_993 = arith.constant 160 : index
    %swap3A_994 = tpu.vector_load %arg13[%swap3A_993] {strides = array<i32>} : memref<512xf32, #tpu.memory_space<vmem>>, vector<16xf32>,
    %swap3A_995 = vector.shape_cast %swap3A_994 : vector<16xf32> to vector<16xf32>
    %swap3A_996 = vector.shape_cast %div3A_992 : vector<16xf32> to vector<16xf32>
    tpu.vector_store %arg13[%swap3A_993], %swap3A_996 {strides = array<i32>} : memref<512xf32, #tpu.memory_space<vmem>>, vector<16xf32>,
    %get3A_997 = arith.constant 1 : i32
    %get3A_998 = arith.index_cast %get3A_997 : i32 to index
    %get3A_999 = arith.constant 48 : index
    %get3A_1000 = tpu.vector_load %arg10[%get3A_998, %get3A_999] {strides = array<i32>} : memref<4x128xf32, #tpu.memory_space<vmem>>, vector<1x16xf32>,
    %get3A_1001 = vector.shape_cast %get3A_1000 : vector<1x16xf32> to vector<16xf32>
    %neg3A_1002 = arith.constant 0.000000e+00 : f32
    %neg3A_1003 = vector.broadcast %neg3A_1002 : f32 to vector<16xf32>
    %neg3A_1004 = arith.subf %neg3A_1003, %get3A_1001 : vector<16xf32>
    %exp3A_1005 = math.exp %neg3A_1004 : vector<16xf32>
    %get3A_1006 = arith.constant 1 : i32
    %get3A_1007 = arith.index_cast %get3A_1006 : i32 to index
    %get3A_1008 = arith.constant 48 : index
    %get3A_1009 = tpu.vector_load %arg11[%get3A_1007, %get3A_1008] {strides = array<i32>} : memref<4x128xf32, #tpu.memory_space<vmem>>, vector<1x16xf32>,
    %get3A_1010 = vector.shape_cast %get3A_1009 : vector<1x16xf32> to vector<16xf32>
    %neg3A_1011 = arith.constant 0.000000e+00 : f32
    %neg3A_1012 = vector.broadcast %neg3A_1011 : f32 to vector<16xf32>
    %neg3A_1013 = arith.subf %neg3A_1012, %get3A_1010 : vector<16xf32>
    %exp3A_1014 = math.exp %neg3A_1013 : vector<16xf32>
    %get3A_1015 = arith.constant 1 : i32
    %get3A_1016 = arith.index_cast %get3A_1015 : i32 to index
    %get3A_1017 = arith.constant 48 : index
    %get3A_1018 = tpu.vector_load %arg12[%get3A_1016, %get3A_1017] {strides = array<i32>} : memref<4x128xf32, #tpu.memory_space<vmem>>, vector<1x16xf32>,
    %get3A_1019 = vector.shape_cast %get3A_1018 : vector<1x16xf32> to vector<16xf32>
    %neg3A_1020 = arith.constant 0.000000e+00 : f32
    %neg3A_1021 = vector.broadcast %neg3A_1020 : f32 to vector<16xf32>
    %neg3A_1022 = arith.subf %neg3A_1021, %get3A_1019 : vector<16xf32>
    %exp3A_1023 = math.exp %neg3A_1022 : vector<16xf32>
    %sub3A_1024 = arith.subf %exp3A_1014, %exp3A_1005 : vector<16xf32>
    %mul3A_1025 = arith.constant 1.700000e+00 : f32
    %mul3A_1026 = vector.broadcast %mul3A_1025 : f32 to vector<16xf32>
    %mul3A_1027 = arith.mulf %mul3A_1026, %sub3A_1024 : vector<16xf32>
    %add3A_1028 = arith.addf %broadcast_in_dim3A_375, %exp3A_1023 : vector<16xf32>
    %add3A_1029 = arith.addf %broadcast_in_dim3A_375, %exp3A_1005 : vector<16xf32>
    %mul3A_1030 = arith.mulf %add3A_1028, %add3A_1029 : vector<16xf32>
    %add3A_1031 = arith.addf %broadcast_in_dim3A_375, %exp3A_1014 : vector<16xf32>
    %mul3A_1032 = arith.mulf %mul3A_1030, %add3A_1031 : vector<16xf32>
    %div3A_1033 = arith.divf %mul3A_1027, %mul3A_1032 : vector<16xf32>
    %neg3A_1034 = arith.constant 0.000000e+00 : f32
    %neg3A_1035 = vector.broadcast %neg3A_1034 : f32 to vector<16xf32>
    %neg3A_1036 = arith.subf %neg3A_1035, %div3A_1033 : vector<16xf32>
    %exp3A_1037 = math.exp %neg3A_1036 : vector<16xf32>
    %add3A_1038 = arith.addf %broadcast_in_dim3A_375, %exp3A_1037 : vector<16xf32>
    %div3A_1039 = arith.divf %broadcast_in_dim3A_375, %add3A_1038 : vector<16xf32>
    %swap3A_1040 = arith.constant 176 : index
    %swap3A_1041 = tpu.vector_load %arg13[%swap3A_1040] {strides = array<i32>} : memref<512xf32, #tpu.memory_space<vmem>>, vector<16xf32>,
    %swap3A_1042 = vector.shape_cast %swap3A_1041 : vector<16xf32> to vector<16xf32>
    %swap3A_1043 = vector.shape_cast %div3A_1039 : vector<16xf32> to vector<16xf32>
    tpu.vector_store %arg13[%swap3A_1040], %swap3A_1043 {strides = array<i32>} : memref<512xf32, #tpu.memory_space<vmem>>, vector<16xf32>,
    %get3A_1044 = arith.constant 1 : i32
    %get3A_1045 = arith.index_cast %get3A_1044 : i32 to index
    %get3A_1046 = arith.constant 64 : index
    %get3A_1047 = tpu.vector_load %arg10[%get3A_1045, %get3A_1046] {strides = array<i32>} : memref<4x128xf32, #tpu.memory_space<vmem>>, vector<1x16xf32>,
    %get3A_1048 = vector.shape_cast %get3A_1047 : vector<1x16xf32> to vector<16xf32>
    %neg3A_1049 = arith.constant 0.000000e+00 : f32
    %neg3A_1050 = vector.broadcast %neg3A_1049 : f32 to vector<16xf32>
    %neg3A_1051 = arith.subf %neg3A_1050, %get3A_1048 : vector<16xf32>
    %exp3A_1052 = math.exp %neg3A_1051 : vector<16xf32>
    %get3A_1053 = arith.constant 1 : i32
    %get3A_1054 = arith.index_cast %get3A_1053 : i32 to index
    %get3A_1055 = arith.constant 64 : index
    %get3A_1056 = tpu.vector_load %arg11[%get3A_1054, %get3A_1055] {strides = array<i32>} : memref<4x128xf32, #tpu.memory_space<vmem>>, vector<1x16xf32>,
    %get3A_1057 = vector.shape_cast %get3A_1056 : vector<1x16xf32> to vector<16xf32>
    %neg3A_1058 = arith.constant 0.000000e+00 : f32
    %neg3A_1059 = vector.broadcast %neg3A_1058 : f32 to vector<16xf32>
    %neg3A_1060 = arith.subf %neg3A_1059, %get3A_1057 : vector<16xf32>
    %exp3A_1061 = math.exp %neg3A_1060 : vector<16xf32>
    %get3A_1062 = arith.constant 1 : i32
    %get3A_1063 = arith.index_cast %get3A_1062 : i32 to index
    %get3A_1064 = arith.constant 64 : index
    %get3A_1065 = tpu.vector_load %arg12[%get3A_1063, %get3A_1064] {strides = array<i32>} : memref<4x128xf32, #tpu.memory_space<vmem>>, vector<1x16xf32>,
    %get3A_1066 = vector.shape_cast %get3A_1065 : vector<1x16xf32> to vector<16xf32>
    %neg3A_1067 = arith.constant 0.000000e+00 : f32
    %neg3A_1068 = vector.broadcast %neg3A_1067 : f32 to vector<16xf32>
    %neg3A_1069 = arith.subf %neg3A_1068, %get3A_1066 : vector<16xf32>
    %exp3A_1070 = math.exp %neg3A_1069 : vector<16xf32>
    %sub3A_1071 = arith.subf %exp3A_1061, %exp3A_1052 : vector<16xf32>
    %mul3A_1072 = arith.constant 1.700000e+00 : f32
    %mul3A_1073 = vector.broadcast %mul3A_1072 : f32 to vector<16xf32>
    %mul3A_1074 = arith.mulf %mul3A_1073, %sub3A_1071 : vector<16xf32>
    %add3A_1075 = arith.addf %broadcast_in_dim3A_375, %exp3A_1070 : vector<16xf32>
    %add3A_1076 = arith.addf %broadcast_in_dim3A_375, %exp3A_1052 : vector<16xf32>
    %mul3A_1077 = arith.mulf %add3A_1075, %add3A_1076 : vector<16xf32>
    %add3A_1078 = arith.addf %broadcast_in_dim3A_375, %exp3A_1061 : vector<16xf32>
    %mul3A_1079 = arith.mulf %mul3A_1077, %add3A_1078 : vector<16xf32>
    %div3A_1080 = arith.divf %mul3A_1074, %mul3A_1079 : vector<16xf32>
    %neg3A_1081 = arith.constant 0.000000e+00 : f32
    %neg3A_1082 = vector.broadcast %neg3A_1081 : f32 to vector<16xf32>
    %neg3A_1083 = arith.subf %neg3A_1082, %div3A_1080 : vector<16xf32>
    %exp3A_1084 = math.exp %neg3A_1083 : vector<16xf32>
    %add3A_1085 = arith.addf %broadcast_in_dim3A_375, %exp3A_1084 : vector<16xf32>
    %div3A_1086 = arith.divf %broadcast_in_dim3A_375, %add3A_1085 : vector<16xf32>
    %swap3A_1087 = arith.constant 192 : index
    %swap3A_1088 = tpu.vector_load %arg13[%swap3A_1087] {strides = array<i32>} : memref<512xf32, #tpu.memory_space<vmem>>, vector<16xf32>,
    %swap3A_1089 = vector.shape_cast %swap3A_1088 : vector<16xf32> to vector<16xf32>
    %swap3A_1090 = vector.shape_cast %div3A_1086 : vector<16xf32> to vector<16xf32>
    tpu.vector_store %arg13[%swap3A_1087], %swap3A_1090 {strides = array<i32>} : memref<512xf32, #tpu.memory_space<vmem>>, vector<16xf32>,
    %get3A_1091 = arith.constant 1 : i32
    %get3A_1092 = arith.index_cast %get3A_1091 : i32 to index
    %get3A_1093 = arith.constant 80 : index
    %get3A_1094 = tpu.vector_load %arg10[%get3A_1092, %get3A_1093] {strides = array<i32>} : memref<4x128xf32, #tpu.memory_space<vmem>>, vector<1x16xf32>,
    %get3A_1095 = vector.shape_cast %get3A_1094 : vector<1x16xf32> to vector<16xf32>
    %neg3A_1096 = arith.constant 0.000000e+00 : f32
    %neg3A_1097 = vector.broadcast %neg3A_1096 : f32 to vector<16xf32>
    %neg3A_1098 = arith.subf %neg3A_1097, %get3A_1095 : vector<16xf32>
    %exp3A_1099 = math.exp %neg3A_1098 : vector<16xf32>
    %get3A_1100 = arith.constant 1 : i32
    %get3A_1101 = arith.index_cast %get3A_1100 : i32 to index
    %get3A_1102 = arith.constant 80 : index
    %get3A_1103 = tpu.vector_load %arg11[%get3A_1101, %get3A_1102] {strides = array<i32>} : memref<4x128xf32, #tpu.memory_space<vmem>>, vector<1x16xf32>,
    %get3A_1104 = vector.shape_cast %get3A_1103 : vector<1x16xf32> to vector<16xf32>
    %neg3A_1105 = arith.constant 0.000000e+00 : f32
    %neg3A_1106 = vector.broadcast %neg3A_1105 : f32 to vector<16xf32>
    %neg3A_1107 = arith.subf %neg3A_1106, %get3A_1104 : vector<16xf32>
    %exp3A_1108 = math.exp %neg3A_1107 : vector<16xf32>
    %get3A_1109 = arith.constant 1 : i32
    %get3A_1110 = arith.index_cast %get3A_1109 : i32 to index
    %get3A_1111 = arith.constant 80 : index
    %get3A_1112 = tpu.vector_load %arg12[%get3A_1110, %get3A_1111] {strides = array<i32>} : memref<4x128xf32, #tpu.memory_space<vmem>>, vector<1x16xf32>,
    %get3A_1113 = vector.shape_cast %get3A_1112 : vector<1x16xf32> to vector<16xf32>
    %neg3A_1114 = arith.constant 0.000000e+00 : f32
    %neg3A_1115 = vector.broadcast %neg3A_1114 : f32 to vector<16xf32>
    %neg3A_1116 = arith.subf %neg3A_1115, %get3A_1113 : vector<16xf32>
    %exp3A_1117 = math.exp %neg3A_1116 : vector<16xf32>
    %sub3A_1118 = arith.subf %exp3A_1108, %exp3A_1099 : vector<16xf32>
    %mul3A_1119 = arith.constant 1.700000e+00 : f32
    %mul3A_1120 = vector.broadcast %mul3A_1119 : f32 to vector<16xf32>
    %mul3A_1121 = arith.mulf %mul3A_1120, %sub3A_1118 : vector<16xf32>
    %add3A_1122 = arith.addf %broadcast_in_dim3A_375, %exp3A_1117 : vector<16xf32>
    %add3A_1123 = arith.addf %broadcast_in_dim3A_375, %exp3A_1099 : vector<16xf32>
    %mul3A_1124 = arith.mulf %add3A_1122, %add3A_1123 : vector<16xf32>
    %add3A_1125 = arith.addf %broadcast_in_dim3A_375, %exp3A_1108 : vector<16xf32>
    %mul3A_1126 = arith.mulf %mul3A_1124, %add3A_1125 : vector<16xf32>
    %div3A_1127 = arith.divf %mul3A_1121, %mul3A_1126 : vector<16xf32>
    %neg3A_1128 = arith.constant 0.000000e+00 : f32
    %neg3A_1129 = vector.broadcast %neg3A_1128 : f32 to vector<16xf32>
    %neg3A_1130 = arith.subf %neg3A_1129, %div3A_1127 : vector<16xf32>
    %exp3A_1131 = math.exp %neg3A_1130 : vector<16xf32>
    %add3A_1132 = arith.addf %broadcast_in_dim3A_375, %exp3A_1131 : vector<16xf32>
    %div3A_1133 = arith.divf %broadcast_in_dim3A_375, %add3A_1132 : vector<16xf32>
    %swap3A_1134 = arith.constant 208 : index
    %swap3A_1135 = tpu.vector_load %arg13[%swap3A_1134] {strides = array<i32>} : memref<512xf32, #tpu.memory_space<vmem>>, vector<16xf32>,
    %swap3A_1136 = vector.shape_cast %swap3A_1135 : vector<16xf32> to vector<16xf32>
    %swap3A_1137 = vector.shape_cast %div3A_1133 : vector<16xf32> to vector<16xf32>
    tpu.vector_store %arg13[%swap3A_1134], %swap3A_1137 {strides = array<i32>} : memref<512xf32, #tpu.memory_space<vmem>>, vector<16xf32>,
    %get3A_1138 = arith.constant 1 : i32
    %get3A_1139 = arith.index_cast %get3A_1138 : i32 to index
    %get3A_1140 = arith.constant 96 : index
    %get3A_1141 = tpu.vector_load %arg10[%get3A_1139, %get3A_1140] {strides = array<i32>} : memref<4x128xf32, #tpu.memory_space<vmem>>, vector<1x16xf32>,
    %get3A_1142 = vector.shape_cast %get3A_1141 : vector<1x16xf32> to vector<16xf32>
    %neg3A_1143 = arith.constant 0.000000e+00 : f32
    %neg3A_1144 = vector.broadcast %neg3A_1143 : f32 to vector<16xf32>
    %neg3A_1145 = arith.subf %neg3A_1144, %get3A_1142 : vector<16xf32>
    %exp3A_1146 = math.exp %neg3A_1145 : vector<16xf32>
    %get3A_1147 = arith.constant 1 : i32
    %get3A_1148 = arith.index_cast %get3A_1147 : i32 to index
    %get3A_1149 = arith.constant 96 : index
    %get3A_1150 = tpu.vector_load %arg11[%get3A_1148, %get3A_1149] {strides = array<i32>} : memref<4x128xf32, #tpu.memory_space<vmem>>, vector<1x16xf32>,
    %get3A_1151 = vector.shape_cast %get3A_1150 : vector<1x16xf32> to vector<16xf32>
    %neg3A_1152 = arith.constant 0.000000e+00 : f32
    %neg3A_1153 = vector.broadcast %neg3A_1152 : f32 to vector<16xf32>
    %neg3A_1154 = arith.subf %neg3A_1153, %get3A_1151 : vector<16xf32>
    %exp3A_1155 = math.exp %neg3A_1154 : vector<16xf32>
    %get3A_1156 = arith.constant 1 : i32
    %get3A_1157 = arith.index_cast %get3A_1156 : i32 to index
    %get3A_1158 = arith.constant 96 : index
    %get3A_1159 = tpu.vector_load %arg12[%get3A_1157, %get3A_1158] {strides = array<i32>} : memref<4x128xf32, #tpu.memory_space<vmem>>, vector<1x16xf32>,
    %get3A_1160 = vector.shape_cast %get3A_1159 : vector<1x16xf32> to vector<16xf32>
    %neg3A_1161 = arith.constant 0.000000e+00 : f32
    %neg3A_1162 = vector.broadcast %neg3A_1161 : f32 to vector<16xf32>
    %neg3A_1163 = arith.subf %neg3A_1162, %get3A_1160 : vector<16xf32>
    %exp3A_1164 = math.exp %neg3A_1163 : vector<16xf32>
    %sub3A_1165 = arith.subf %exp3A_1155, %exp3A_1146 : vector<16xf32>
    %mul3A_1166 = arith.constant 1.700000e+00 : f32
    %mul3A_1167 = vector.broadcast %mul3A_1166 : f32 to vector<16xf32>
    %mul3A_1168 = arith.mulf %mul3A_1167, %sub3A_1165 : vector<16xf32>
    %add3A_1169 = arith.addf %broadcast_in_dim3A_375, %exp3A_1164 : vector<16xf32>
    %add3A_1170 = arith.addf %broadcast_in_dim3A_375, %exp3A_1146 : vector<16xf32>
    %mul3A_1171 = arith.mulf %add3A_1169, %add3A_1170 : vector<16xf32>
    %add3A_1172 = arith.addf %broadcast_in_dim3A_375, %exp3A_1155 : vector<16xf32>
    %mul3A_1173 = arith.mulf %mul3A_1171, %add3A_1172 : vector<16xf32>
    %div3A_1174 = arith.divf %mul3A_1168, %mul3A_1173 : vector<16xf32>
    %neg3A_1175 = arith.constant 0.000000e+00 : f32
    %neg3A_1176 = vector.broadcast %neg3A_1175 : f32 to vector<16xf32>
    %neg3A_1177 = arith.subf %neg3A_1176, %div3A_1174 : vector<16xf32>
    %exp3A_1178 = math.exp %neg3A_1177 : vector<16xf32>
    %add3A_1179 = arith.addf %broadcast_in_dim3A_375, %exp3A_1178 : vector<16xf32>
    %div3A_1180 = arith.divf %broadcast_in_dim3A_375, %add3A_1179 : vector<16xf32>
    %swap3A_1181 = arith.constant 224 : index
    %swap3A_1182 = tpu.vector_load %arg13[%swap3A_1181] {strides = array<i32>} : memref<512xf32, #tpu.memory_space<vmem>>, vector<16xf32>,
    %swap3A_1183 = vector.shape_cast %swap3A_1182 : vector<16xf32> to vector<16xf32>
    %swap3A_1184 = vector.shape_cast %div3A_1180 : vector<16xf32> to vector<16xf32>
    tpu.vector_store %arg13[%swap3A_1181], %swap3A_1184 {strides = array<i32>} : memref<512xf32, #tpu.memory_space<vmem>>, vector<16xf32>,
    %get3A_1185 = arith.constant 1 : i32
    %get3A_1186 = arith.index_cast %get3A_1185 : i32 to index
    %get3A_1187 = arith.constant 112 : index
    %get3A_1188 = tpu.vector_load %arg10[%get3A_1186, %get3A_1187] {strides = array<i32>} : memref<4x128xf32, #tpu.memory_space<vmem>>, vector<1x16xf32>,
    %get3A_1189 = vector.shape_cast %get3A_1188 : vector<1x16xf32> to vector<16xf32>
    %neg3A_1190 = arith.constant 0.000000e+00 : f32
    %neg3A_1191 = vector.broadcast %neg3A_1190 : f32 to vector<16xf32>
    %neg3A_1192 = arith.subf %neg3A_1191, %get3A_1189 : vector<16xf32>
    %exp3A_1193 = math.exp %neg3A_1192 : vector<16xf32>
    %get3A_1194 = arith.constant 1 : i32
    %get3A_1195 = arith.index_cast %get3A_1194 : i32 to index
    %get3A_1196 = arith.constant 112 : index
    %get3A_1197 = tpu.vector_load %arg11[%get3A_1195, %get3A_1196] {strides = array<i32>} : memref<4x128xf32, #tpu.memory_space<vmem>>, vector<1x16xf32>,
    %get3A_1198 = vector.shape_cast %get3A_1197 : vector<1x16xf32> to vector<16xf32>
    %neg3A_1199 = arith.constant 0.000000e+00 : f32
    %neg3A_1200 = vector.broadcast %neg3A_1199 : f32 to vector<16xf32>
    %neg3A_1201 = arith.subf %neg3A_1200, %get3A_1198 : vector<16xf32>
    %exp3A_1202 = math.exp %neg3A_1201 : vector<16xf32>
    %get3A_1203 = arith.constant 1 : i32
    %get3A_1204 = arith.index_cast %get3A_1203 : i32 to index
    %get3A_1205 = arith.constant 112 : index
    %get3A_1206 = tpu.vector_load %arg12[%get3A_1204, %get3A_1205] {strides = array<i32>} : memref<4x128xf32, #tpu.memory_space<vmem>>, vector<1x16xf32>,
    %get3A_1207 = vector.shape_cast %get3A_1206 : vector<1x16xf32> to vector<16xf32>
    %neg3A_1208 = arith.constant 0.000000e+00 : f32
    %neg3A_1209 = vector.broadcast %neg3A_1208 : f32 to vector<16xf32>
    %neg3A_1210 = arith.subf %neg3A_1209, %get3A_1207 : vector<16xf32>
    %exp3A_1211 = math.exp %neg3A_1210 : vector<16xf32>
    %sub3A_1212 = arith.subf %exp3A_1202, %exp3A_1193 : vector<16xf32>
    %mul3A_1213 = arith.constant 1.700000e+00 : f32
    %mul3A_1214 = vector.broadcast %mul3A_1213 : f32 to vector<16xf32>
    %mul3A_1215 = arith.mulf %mul3A_1214, %sub3A_1212 : vector<16xf32>
    %add3A_1216 = arith.addf %broadcast_in_dim3A_375, %exp3A_1211 : vector<16xf32>
    %add3A_1217 = arith.addf %broadcast_in_dim3A_375, %exp3A_1193 : vector<16xf32>
    %mul3A_1218 = arith.mulf %add3A_1216, %add3A_1217 : vector<16xf32>
    %add3A_1219 = arith.addf %broadcast_in_dim3A_375, %exp3A_1202 : vector<16xf32>
    %mul3A_1220 = arith.mulf %mul3A_1218, %add3A_1219 : vector<16xf32>
    %div3A_1221 = arith.divf %mul3A_1215, %mul3A_1220 : vector<16xf32>
    %neg3A_1222 = arith.constant 0.000000e+00 : f32
    %neg3A_1223 = vector.broadcast %neg3A_1222 : f32 to vector<16xf32>
    %neg3A_1224 = arith.subf %neg3A_1223, %div3A_1221 : vector<16xf32>
    %exp3A_1225 = math.exp %neg3A_1224 : vector<16xf32>
    %add3A_1226 = arith.addf %broadcast_in_dim3A_375, %exp3A_1225 : vector<16xf32>
    %div3A_1227 = arith.divf %broadcast_in_dim3A_375, %add3A_1226 : vector<16xf32>
    %swap3A_1228 = arith.constant 240 : index
    %swap3A_1229 = tpu.vector_load %arg13[%swap3A_1228] {strides = array<i32>} : memref<512xf32, #tpu.memory_space<vmem>>, vector<16xf32>,
    %swap3A_1230 = vector.shape_cast %swap3A_1229 : vector<16xf32> to vector<16xf32>
    %swap3A_1231 = vector.shape_cast %div3A_1227 : vector<16xf32> to vector<16xf32>
    tpu.vector_store %arg13[%swap3A_1228], %swap3A_1231 {strides = array<i32>} : memref<512xf32, #tpu.memory_space<vmem>>, vector<16xf32>,
    %add3A_1232 = arith.constant 128 : i32
    %add3A_1233 = arith.addi %mul3A_2, %add3A_1232 : i32
    %add3A_1234 = arith.constant 0 : i32
    %add3A_1235 = arith.addi %add3A_1233, %add3A_1234 : i32
    %dma_start3A_1236 = arith.constant 128 : i32
    %dma_start3A_1237 = tpu.memref_slice %arg13[%dma_start3A_1236] : memref<512xf32, #tpu.memory_space<vmem>> -> memref<128xf32, #tpu.memory_space<vmem>>
    %dma_start3A_1238 = tpu.memref_slice %arg7[%add3A_1235] : memref<16384xf32, #tpu.memory_space<hbm>> -> memref<128xf32, #tpu.memory_space<hbm>>
    %dma_start3A_1239 = tpu.memref_slice %arg7[%add3A_1235] : memref<16384xf32, #tpu.memory_space<hbm>> -> memref<128xf32, #tpu.memory_space<hbm>>
    %dma_start3A_1240 = arith.constant 128 : i32
    %dma_start3A_1241 = tpu.memref_slice %arg13[%dma_start3A_1240] : memref<512xf32, #tpu.memory_space<vmem>> -> memref<128xf32, #tpu.memory_space<vmem>>
    tpu.enqueue_dma source(%dma_start3A_1241 : memref<128xf32, #tpu.memory_space<vmem>>) target(%dma_start3A_1239 : memref<128xf32, #tpu.memory_space<hbm>>) target_semaphore(%arg14 : memref<!tpu.dma_semaphore, #tpu.memory_space<semaphore_mem>>)
    %dma_wait3A_1242 = arith.constant 2 : i32
    %dma_wait3A_1243 = arith.constant 2 : i32
    %dma_wait3A_1244 = arith.constant 0 : i32
    %dma_wait3A_1245 = tpu.memref_slice %arg10[%dma_wait3A_1243, %dma_wait3A_1244] : memref<4x128xf32, #tpu.memory_space<vmem>> -> memref<1x128xf32, #tpu.memory_space<vmem>>
    %dma_wait3A_1246 = tpu.memref_squeeze %dma_wait3A_1245 : memref<1x128xf32, #tpu.memory_space<vmem>> -> memref<128xf32, #tpu.memory_space<vmem>>
    %dma_wait3A_1247 = arith.constant 0 : i32
    %dma_wait3A_1248 = tpu.memref_slice %arg8[%dma_wait3A_1242, %dma_wait3A_1247] : memref<4x128xi32, #tpu.memory_space<vmem>> -> memref<1x128xi32, #tpu.memory_space<vmem>>
    %dma_wait3A_1249 = tpu.memref_squeeze %dma_wait3A_1248 : memref<1x128xi32, #tpu.memory_space<vmem>> -> memref<128xi32, #tpu.memory_space<vmem>>
    %dma_wait3A_1250 = arith.constant 0 : i32
    %dma_wait3A_1251 = tpu.memref_slice %arg4[%dma_wait3A_1250] : memref<1000000xf32, #tpu.memory_space<hbm>> -> memref<1000000xf32, #tpu.memory_space<hbm>>
    tpu.wait_indirect_dma semaphore(%arg22 : memref<!tpu.dma_semaphore, #tpu.memory_space<semaphore_mem>>) src(%dma_wait3A_1251 : memref<1000000xf32, #tpu.memory_space<hbm>>) dst(%dma_wait3A_1246 : memref<128xf32, #tpu.memory_space<vmem>>)
    %dma_wait3A_1252 = arith.constant 2 : i32
    %dma_wait3A_1253 = arith.constant 2 : i32
    %dma_wait3A_1254 = arith.constant 0 : i32
    %dma_wait3A_1255 = tpu.memref_slice %arg11[%dma_wait3A_1253, %dma_wait3A_1254] : memref<4x128xf32, #tpu.memory_space<vmem>> -> memref<1x128xf32, #tpu.memory_space<vmem>>
    %dma_wait3A_1256 = tpu.memref_squeeze %dma_wait3A_1255 : memref<1x128xf32, #tpu.memory_space<vmem>> -> memref<128xf32, #tpu.memory_space<vmem>>
    %dma_wait3A_1257 = arith.constant 0 : i32
    %dma_wait3A_1258 = tpu.memref_slice %arg9[%dma_wait3A_1252, %dma_wait3A_1257] : memref<4x128xi32, #tpu.memory_space<vmem>> -> memref<1x128xi32, #tpu.memory_space<vmem>>
    %dma_wait3A_1259 = tpu.memref_squeeze %dma_wait3A_1258 : memref<1x128xi32, #tpu.memory_space<vmem>> -> memref<128xi32, #tpu.memory_space<vmem>>
    %dma_wait3A_1260 = arith.constant 0 : i32
    %dma_wait3A_1261 = tpu.memref_slice %arg5[%dma_wait3A_1260] : memref<100000xf32, #tpu.memory_space<hbm>> -> memref<100000xf32, #tpu.memory_space<hbm>>
    tpu.wait_indirect_dma semaphore(%arg22 : memref<!tpu.dma_semaphore, #tpu.memory_space<semaphore_mem>>) src(%dma_wait3A_1261 : memref<100000xf32, #tpu.memory_space<hbm>>) dst(%dma_wait3A_1256 : memref<128xf32, #tpu.memory_space<vmem>>)
    %dma_wait3A_1262 = arith.constant 2 : i32
    %dma_wait3A_1263 = arith.constant 2 : i32
    %dma_wait3A_1264 = arith.constant 0 : i32
    %dma_wait3A_1265 = tpu.memref_slice %arg12[%dma_wait3A_1263, %dma_wait3A_1264] : memref<4x128xf32, #tpu.memory_space<vmem>> -> memref<1x128xf32, #tpu.memory_space<vmem>>
    %dma_wait3A_1266 = tpu.memref_squeeze %dma_wait3A_1265 : memref<1x128xf32, #tpu.memory_space<vmem>> -> memref<128xf32, #tpu.memory_space<vmem>>
    %dma_wait3A_1267 = arith.constant 0 : i32
    %dma_wait3A_1268 = tpu.memref_slice %arg9[%dma_wait3A_1262, %dma_wait3A_1267] : memref<4x128xi32, #tpu.memory_space<vmem>> -> memref<1x128xi32, #tpu.memory_space<vmem>>
    %dma_wait3A_1269 = tpu.memref_squeeze %dma_wait3A_1268 : memref<1x128xi32, #tpu.memory_space<vmem>> -> memref<128xi32, #tpu.memory_space<vmem>>
    %dma_wait3A_1270 = arith.constant 0 : i32
    %dma_wait3A_1271 = tpu.memref_slice %arg6[%dma_wait3A_1270] : memref<100000xf32, #tpu.memory_space<hbm>> -> memref<100000xf32, #tpu.memory_space<hbm>>
    tpu.wait_indirect_dma semaphore(%arg22 : memref<!tpu.dma_semaphore, #tpu.memory_space<semaphore_mem>>) src(%dma_wait3A_1271 : memref<100000xf32, #tpu.memory_space<hbm>>) dst(%dma_wait3A_1266 : memref<128xf32, #tpu.memory_space<vmem>>)
    %get3A_1272 = arith.constant 2 : i32
    %get3A_1273 = arith.index_cast %get3A_1272 : i32 to index
    %get3A_1274 = arith.constant 0 : index
    %get3A_1275 = tpu.vector_load %arg10[%get3A_1273, %get3A_1274] {strides = array<i32>} : memref<4x128xf32, #tpu.memory_space<vmem>>, vector<1x16xf32>,
    %get3A_1276 = vector.shape_cast %get3A_1275 : vector<1x16xf32> to vector<16xf32>
    %neg3A_1277 = arith.constant 0.000000e+00 : f32
    %neg3A_1278 = vector.broadcast %neg3A_1277 : f32 to vector<16xf32>
    %neg3A_1279 = arith.subf %neg3A_1278, %get3A_1276 : vector<16xf32>
    %exp3A_1280 = math.exp %neg3A_1279 : vector<16xf32>
    %get3A_1281 = arith.constant 2 : i32
    %get3A_1282 = arith.index_cast %get3A_1281 : i32 to index
    %get3A_1283 = arith.constant 0 : index
    %get3A_1284 = tpu.vector_load %arg11[%get3A_1282, %get3A_1283] {strides = array<i32>} : memref<4x128xf32, #tpu.memory_space<vmem>>, vector<1x16xf32>,
    %get3A_1285 = vector.shape_cast %get3A_1284 : vector<1x16xf32> to vector<16xf32>
    %neg3A_1286 = arith.constant 0.000000e+00 : f32
    %neg3A_1287 = vector.broadcast %neg3A_1286 : f32 to vector<16xf32>
    %neg3A_1288 = arith.subf %neg3A_1287, %get3A_1285 : vector<16xf32>
    %exp3A_1289 = math.exp %neg3A_1288 : vector<16xf32>
    %get3A_1290 = arith.constant 2 : i32
    %get3A_1291 = arith.index_cast %get3A_1290 : i32 to index
    %get3A_1292 = arith.constant 0 : index
    %get3A_1293 = tpu.vector_load %arg12[%get3A_1291, %get3A_1292] {strides = array<i32>} : memref<4x128xf32, #tpu.memory_space<vmem>>, vector<1x16xf32>,
    %get3A_1294 = vector.shape_cast %get3A_1293 : vector<1x16xf32> to vector<16xf32>
    %neg3A_1295 = arith.constant 0.000000e+00 : f32
    %neg3A_1296 = vector.broadcast %neg3A_1295 : f32 to vector<16xf32>
    %neg3A_1297 = arith.subf %neg3A_1296, %get3A_1294 : vector<16xf32>
    %exp3A_1298 = math.exp %neg3A_1297 : vector<16xf32>
    %sub3A_1299 = arith.subf %exp3A_1289, %exp3A_1280 : vector<16xf32>
    %mul3A_1300 = arith.constant 1.700000e+00 : f32
    %mul3A_1301 = vector.broadcast %mul3A_1300 : f32 to vector<16xf32>
    %mul3A_1302 = arith.mulf %mul3A_1301, %sub3A_1299 : vector<16xf32>
    %add3A_1303 = arith.addf %broadcast_in_dim3A_375, %exp3A_1298 : vector<16xf32>
    %add3A_1304 = arith.addf %broadcast_in_dim3A_375, %exp3A_1280 : vector<16xf32>
    %mul3A_1305 = arith.mulf %add3A_1303, %add3A_1304 : vector<16xf32>
    %add3A_1306 = arith.addf %broadcast_in_dim3A_375, %exp3A_1289 : vector<16xf32>
    %mul3A_1307 = arith.mulf %mul3A_1305, %add3A_1306 : vector<16xf32>
    %div3A_1308 = arith.divf %mul3A_1302, %mul3A_1307 : vector<16xf32>
    %neg3A_1309 = arith.constant 0.000000e+00 : f32
    %neg3A_1310 = vector.broadcast %neg3A_1309 : f32 to vector<16xf32>
    %neg3A_1311 = arith.subf %neg3A_1310, %div3A_1308 : vector<16xf32>
    %exp3A_1312 = math.exp %neg3A_1311 : vector<16xf32>
    %add3A_1313 = arith.addf %broadcast_in_dim3A_375, %exp3A_1312 : vector<16xf32>
    %div3A_1314 = arith.divf %broadcast_in_dim3A_375, %add3A_1313 : vector<16xf32>
    %swap3A_1315 = arith.constant 256 : index
    %swap3A_1316 = tpu.vector_load %arg13[%swap3A_1315] {strides = array<i32>} : memref<512xf32, #tpu.memory_space<vmem>>, vector<16xf32>,
    %swap3A_1317 = vector.shape_cast %swap3A_1316 : vector<16xf32> to vector<16xf32>
    %swap3A_1318 = vector.shape_cast %div3A_1314 : vector<16xf32> to vector<16xf32>
    tpu.vector_store %arg13[%swap3A_1315], %swap3A_1318 {strides = array<i32>} : memref<512xf32, #tpu.memory_space<vmem>>, vector<16xf32>,
    %get3A_1319 = arith.constant 2 : i32
    %get3A_1320 = arith.index_cast %get3A_1319 : i32 to index
    %get3A_1321 = arith.constant 16 : index
    %get3A_1322 = tpu.vector_load %arg10[%get3A_1320, %get3A_1321] {strides = array<i32>} : memref<4x128xf32, #tpu.memory_space<vmem>>, vector<1x16xf32>,
    %get3A_1323 = vector.shape_cast %get3A_1322 : vector<1x16xf32> to vector<16xf32>
    %neg3A_1324 = arith.constant 0.000000e+00 : f32
    %neg3A_1325 = vector.broadcast %neg3A_1324 : f32 to vector<16xf32>
    %neg3A_1326 = arith.subf %neg3A_1325, %get3A_1323 : vector<16xf32>
    %exp3A_1327 = math.exp %neg3A_1326 : vector<16xf32>
    %get3A_1328 = arith.constant 2 : i32
    %get3A_1329 = arith.index_cast %get3A_1328 : i32 to index
    %get3A_1330 = arith.constant 16 : index
    %get3A_1331 = tpu.vector_load %arg11[%get3A_1329, %get3A_1330] {strides = array<i32>} : memref<4x128xf32, #tpu.memory_space<vmem>>, vector<1x16xf32>,
    %get3A_1332 = vector.shape_cast %get3A_1331 : vector<1x16xf32> to vector<16xf32>
    %neg3A_1333 = arith.constant 0.000000e+00 : f32
    %neg3A_1334 = vector.broadcast %neg3A_1333 : f32 to vector<16xf32>
    %neg3A_1335 = arith.subf %neg3A_1334, %get3A_1332 : vector<16xf32>
    %exp3A_1336 = math.exp %neg3A_1335 : vector<16xf32>
    %get3A_1337 = arith.constant 2 : i32
    %get3A_1338 = arith.index_cast %get3A_1337 : i32 to index
    %get3A_1339 = arith.constant 16 : index
    %get3A_1340 = tpu.vector_load %arg12[%get3A_1338, %get3A_1339] {strides = array<i32>} : memref<4x128xf32, #tpu.memory_space<vmem>>, vector<1x16xf32>,
    %get3A_1341 = vector.shape_cast %get3A_1340 : vector<1x16xf32> to vector<16xf32>
    %neg3A_1342 = arith.constant 0.000000e+00 : f32
    %neg3A_1343 = vector.broadcast %neg3A_1342 : f32 to vector<16xf32>
    %neg3A_1344 = arith.subf %neg3A_1343, %get3A_1341 : vector<16xf32>
    %exp3A_1345 = math.exp %neg3A_1344 : vector<16xf32>
    %sub3A_1346 = arith.subf %exp3A_1336, %exp3A_1327 : vector<16xf32>
    %mul3A_1347 = arith.constant 1.700000e+00 : f32
    %mul3A_1348 = vector.broadcast %mul3A_1347 : f32 to vector<16xf32>
    %mul3A_1349 = arith.mulf %mul3A_1348, %sub3A_1346 : vector<16xf32>
    %add3A_1350 = arith.addf %broadcast_in_dim3A_375, %exp3A_1345 : vector<16xf32>
    %add3A_1351 = arith.addf %broadcast_in_dim3A_375, %exp3A_1327 : vector<16xf32>
    %mul3A_1352 = arith.mulf %add3A_1350, %add3A_1351 : vector<16xf32>
    %add3A_1353 = arith.addf %broadcast_in_dim3A_375, %exp3A_1336 : vector<16xf32>
    %mul3A_1354 = arith.mulf %mul3A_1352, %add3A_1353 : vector<16xf32>
    %div3A_1355 = arith.divf %mul3A_1349, %mul3A_1354 : vector<16xf32>
    %neg3A_1356 = arith.constant 0.000000e+00 : f32
    %neg3A_1357 = vector.broadcast %neg3A_1356 : f32 to vector<16xf32>
    %neg3A_1358 = arith.subf %neg3A_1357, %div3A_1355 : vector<16xf32>
    %exp3A_1359 = math.exp %neg3A_1358 : vector<16xf32>
    %add3A_1360 = arith.addf %broadcast_in_dim3A_375, %exp3A_1359 : vector<16xf32>
    %div3A_1361 = arith.divf %broadcast_in_dim3A_375, %add3A_1360 : vector<16xf32>
    %swap3A_1362 = arith.constant 272 : index
    %swap3A_1363 = tpu.vector_load %arg13[%swap3A_1362] {strides = array<i32>} : memref<512xf32, #tpu.memory_space<vmem>>, vector<16xf32>,
    %swap3A_1364 = vector.shape_cast %swap3A_1363 : vector<16xf32> to vector<16xf32>
    %swap3A_1365 = vector.shape_cast %div3A_1361 : vector<16xf32> to vector<16xf32>
    tpu.vector_store %arg13[%swap3A_1362], %swap3A_1365 {strides = array<i32>} : memref<512xf32, #tpu.memory_space<vmem>>, vector<16xf32>,
    %get3A_1366 = arith.constant 2 : i32
    %get3A_1367 = arith.index_cast %get3A_1366 : i32 to index
    %get3A_1368 = arith.constant 32 : index
    %get3A_1369 = tpu.vector_load %arg10[%get3A_1367, %get3A_1368] {strides = array<i32>} : memref<4x128xf32, #tpu.memory_space<vmem>>, vector<1x16xf32>,
    %get3A_1370 = vector.shape_cast %get3A_1369 : vector<1x16xf32> to vector<16xf32>
    %neg3A_1371 = arith.constant 0.000000e+00 : f32
    %neg3A_1372 = vector.broadcast %neg3A_1371 : f32 to vector<16xf32>
    %neg3A_1373 = arith.subf %neg3A_1372, %get3A_1370 : vector<16xf32>
    %exp3A_1374 = math.exp %neg3A_1373 : vector<16xf32>
    %get3A_1375 = arith.constant 2 : i32
    %get3A_1376 = arith.index_cast %get3A_1375 : i32 to index
    %get3A_1377 = arith.constant 32 : index
    %get3A_1378 = tpu.vector_load %arg11[%get3A_1376, %get3A_1377] {strides = array<i32>} : memref<4x128xf32, #tpu.memory_space<vmem>>, vector<1x16xf32>,
    %get3A_1379 = vector.shape_cast %get3A_1378 : vector<1x16xf32> to vector<16xf32>
    %neg3A_1380 = arith.constant 0.000000e+00 : f32
    %neg3A_1381 = vector.broadcast %neg3A_1380 : f32 to vector<16xf32>
    %neg3A_1382 = arith.subf %neg3A_1381, %get3A_1379 : vector<16xf32>
    %exp3A_1383 = math.exp %neg3A_1382 : vector<16xf32>
    %get3A_1384 = arith.constant 2 : i32
    %get3A_1385 = arith.index_cast %get3A_1384 : i32 to index
    %get3A_1386 = arith.constant 32 : index
    %get3A_1387 = tpu.vector_load %arg12[%get3A_1385, %get3A_1386] {strides = array<i32>} : memref<4x128xf32, #tpu.memory_space<vmem>>, vector<1x16xf32>,
    %get3A_1388 = vector.shape_cast %get3A_1387 : vector<1x16xf32> to vector<16xf32>
    %neg3A_1389 = arith.constant 0.000000e+00 : f32
    %neg3A_1390 = vector.broadcast %neg3A_1389 : f32 to vector<16xf32>
    %neg3A_1391 = arith.subf %neg3A_1390, %get3A_1388 : vector<16xf32>
    %exp3A_1392 = math.exp %neg3A_1391 : vector<16xf32>
    %sub3A_1393 = arith.subf %exp3A_1383, %exp3A_1374 : vector<16xf32>
    %mul3A_1394 = arith.constant 1.700000e+00 : f32
    %mul3A_1395 = vector.broadcast %mul3A_1394 : f32 to vector<16xf32>
    %mul3A_1396 = arith.mulf %mul3A_1395, %sub3A_1393 : vector<16xf32>
    %add3A_1397 = arith.addf %broadcast_in_dim3A_375, %exp3A_1392 : vector<16xf32>
    %add3A_1398 = arith.addf %broadcast_in_dim3A_375, %exp3A_1374 : vector<16xf32>
    %mul3A_1399 = arith.mulf %add3A_1397, %add3A_1398 : vector<16xf32>
    %add3A_1400 = arith.addf %broadcast_in_dim3A_375, %exp3A_1383 : vector<16xf32>
    %mul3A_1401 = arith.mulf %mul3A_1399, %add3A_1400 : vector<16xf32>
    %div3A_1402 = arith.divf %mul3A_1396, %mul3A_1401 : vector<16xf32>
    %neg3A_1403 = arith.constant 0.000000e+00 : f32
    %neg3A_1404 = vector.broadcast %neg3A_1403 : f32 to vector<16xf32>
    %neg3A_1405 = arith.subf %neg3A_1404, %div3A_1402 : vector<16xf32>
    %exp3A_1406 = math.exp %neg3A_1405 : vector<16xf32>
    %add3A_1407 = arith.addf %broadcast_in_dim3A_375, %exp3A_1406 : vector<16xf32>
    %div3A_1408 = arith.divf %broadcast_in_dim3A_375, %add3A_1407 : vector<16xf32>
    %swap3A_1409 = arith.constant 288 : index
    %swap3A_1410 = tpu.vector_load %arg13[%swap3A_1409] {strides = array<i32>} : memref<512xf32, #tpu.memory_space<vmem>>, vector<16xf32>,
    %swap3A_1411 = vector.shape_cast %swap3A_1410 : vector<16xf32> to vector<16xf32>
    %swap3A_1412 = vector.shape_cast %div3A_1408 : vector<16xf32> to vector<16xf32>
    tpu.vector_store %arg13[%swap3A_1409], %swap3A_1412 {strides = array<i32>} : memref<512xf32, #tpu.memory_space<vmem>>, vector<16xf32>,
    %get3A_1413 = arith.constant 2 : i32
    %get3A_1414 = arith.index_cast %get3A_1413 : i32 to index
    %get3A_1415 = arith.constant 48 : index
    %get3A_1416 = tpu.vector_load %arg10[%get3A_1414, %get3A_1415] {strides = array<i32>} : memref<4x128xf32, #tpu.memory_space<vmem>>, vector<1x16xf32>,
    %get3A_1417 = vector.shape_cast %get3A_1416 : vector<1x16xf32> to vector<16xf32>
    %neg3A_1418 = arith.constant 0.000000e+00 : f32
    %neg3A_1419 = vector.broadcast %neg3A_1418 : f32 to vector<16xf32>
    %neg3A_1420 = arith.subf %neg3A_1419, %get3A_1417 : vector<16xf32>
    %exp3A_1421 = math.exp %neg3A_1420 : vector<16xf32>
    %get3A_1422 = arith.constant 2 : i32
    %get3A_1423 = arith.index_cast %get3A_1422 : i32 to index
    %get3A_1424 = arith.constant 48 : index
    %get3A_1425 = tpu.vector_load %arg11[%get3A_1423, %get3A_1424] {strides = array<i32>} : memref<4x128xf32, #tpu.memory_space<vmem>>, vector<1x16xf32>,
    %get3A_1426 = vector.shape_cast %get3A_1425 : vector<1x16xf32> to vector<16xf32>
    %neg3A_1427 = arith.constant 0.000000e+00 : f32
    %neg3A_1428 = vector.broadcast %neg3A_1427 : f32 to vector<16xf32>
    %neg3A_1429 = arith.subf %neg3A_1428, %get3A_1426 : vector<16xf32>
    %exp3A_1430 = math.exp %neg3A_1429 : vector<16xf32>
    %get3A_1431 = arith.constant 2 : i32
    %get3A_1432 = arith.index_cast %get3A_1431 : i32 to index
    %get3A_1433 = arith.constant 48 : index
    %get3A_1434 = tpu.vector_load %arg12[%get3A_1432, %get3A_1433] {strides = array<i32>} : memref<4x128xf32, #tpu.memory_space<vmem>>, vector<1x16xf32>,
    %get3A_1435 = vector.shape_cast %get3A_1434 : vector<1x16xf32> to vector<16xf32>
    %neg3A_1436 = arith.constant 0.000000e+00 : f32
    %neg3A_1437 = vector.broadcast %neg3A_1436 : f32 to vector<16xf32>
    %neg3A_1438 = arith.subf %neg3A_1437, %get3A_1435 : vector<16xf32>
    %exp3A_1439 = math.exp %neg3A_1438 : vector<16xf32>
    %sub3A_1440 = arith.subf %exp3A_1430, %exp3A_1421 : vector<16xf32>
    %mul3A_1441 = arith.constant 1.700000e+00 : f32
    %mul3A_1442 = vector.broadcast %mul3A_1441 : f32 to vector<16xf32>
    %mul3A_1443 = arith.mulf %mul3A_1442, %sub3A_1440 : vector<16xf32>
    %add3A_1444 = arith.addf %broadcast_in_dim3A_375, %exp3A_1439 : vector<16xf32>
    %add3A_1445 = arith.addf %broadcast_in_dim3A_375, %exp3A_1421 : vector<16xf32>
    %mul3A_1446 = arith.mulf %add3A_1444, %add3A_1445 : vector<16xf32>
    %add3A_1447 = arith.addf %broadcast_in_dim3A_375, %exp3A_1430 : vector<16xf32>
    %mul3A_1448 = arith.mulf %mul3A_1446, %add3A_1447 : vector<16xf32>
    %div3A_1449 = arith.divf %mul3A_1443, %mul3A_1448 : vector<16xf32>
    %neg3A_1450 = arith.constant 0.000000e+00 : f32
    %neg3A_1451 = vector.broadcast %neg3A_1450 : f32 to vector<16xf32>
    %neg3A_1452 = arith.subf %neg3A_1451, %div3A_1449 : vector<16xf32>
    %exp3A_1453 = math.exp %neg3A_1452 : vector<16xf32>
    %add3A_1454 = arith.addf %broadcast_in_dim3A_375, %exp3A_1453 : vector<16xf32>
    %div3A_1455 = arith.divf %broadcast_in_dim3A_375, %add3A_1454 : vector<16xf32>
    %swap3A_1456 = arith.constant 304 : index
    %swap3A_1457 = tpu.vector_load %arg13[%swap3A_1456] {strides = array<i32>} : memref<512xf32, #tpu.memory_space<vmem>>, vector<16xf32>,
    %swap3A_1458 = vector.shape_cast %swap3A_1457 : vector<16xf32> to vector<16xf32>
    %swap3A_1459 = vector.shape_cast %div3A_1455 : vector<16xf32> to vector<16xf32>
    tpu.vector_store %arg13[%swap3A_1456], %swap3A_1459 {strides = array<i32>} : memref<512xf32, #tpu.memory_space<vmem>>, vector<16xf32>,
    %get3A_1460 = arith.constant 2 : i32
    %get3A_1461 = arith.index_cast %get3A_1460 : i32 to index
    %get3A_1462 = arith.constant 64 : index
    %get3A_1463 = tpu.vector_load %arg10[%get3A_1461, %get3A_1462] {strides = array<i32>} : memref<4x128xf32, #tpu.memory_space<vmem>>, vector<1x16xf32>,
    %get3A_1464 = vector.shape_cast %get3A_1463 : vector<1x16xf32> to vector<16xf32>
    %neg3A_1465 = arith.constant 0.000000e+00 : f32
    %neg3A_1466 = vector.broadcast %neg3A_1465 : f32 to vector<16xf32>
    %neg3A_1467 = arith.subf %neg3A_1466, %get3A_1464 : vector<16xf32>
    %exp3A_1468 = math.exp %neg3A_1467 : vector<16xf32>
    %get3A_1469 = arith.constant 2 : i32
    %get3A_1470 = arith.index_cast %get3A_1469 : i32 to index
    %get3A_1471 = arith.constant 64 : index
    %get3A_1472 = tpu.vector_load %arg11[%get3A_1470, %get3A_1471] {strides = array<i32>} : memref<4x128xf32, #tpu.memory_space<vmem>>, vector<1x16xf32>,
    %get3A_1473 = vector.shape_cast %get3A_1472 : vector<1x16xf32> to vector<16xf32>
    %neg3A_1474 = arith.constant 0.000000e+00 : f32
    %neg3A_1475 = vector.broadcast %neg3A_1474 : f32 to vector<16xf32>
    %neg3A_1476 = arith.subf %neg3A_1475, %get3A_1473 : vector<16xf32>
    %exp3A_1477 = math.exp %neg3A_1476 : vector<16xf32>
    %get3A_1478 = arith.constant 2 : i32
    %get3A_1479 = arith.index_cast %get3A_1478 : i32 to index
    %get3A_1480 = arith.constant 64 : index
    %get3A_1481 = tpu.vector_load %arg12[%get3A_1479, %get3A_1480] {strides = array<i32>} : memref<4x128xf32, #tpu.memory_space<vmem>>, vector<1x16xf32>,
    %get3A_1482 = vector.shape_cast %get3A_1481 : vector<1x16xf32> to vector<16xf32>
    %neg3A_1483 = arith.constant 0.000000e+00 : f32
    %neg3A_1484 = vector.broadcast %neg3A_1483 : f32 to vector<16xf32>
    %neg3A_1485 = arith.subf %neg3A_1484, %get3A_1482 : vector<16xf32>
    %exp3A_1486 = math.exp %neg3A_1485 : vector<16xf32>
    %sub3A_1487 = arith.subf %exp3A_1477, %exp3A_1468 : vector<16xf32>
    %mul3A_1488 = arith.constant 1.700000e+00 : f32
    %mul3A_1489 = vector.broadcast %mul3A_1488 : f32 to vector<16xf32>
    %mul3A_1490 = arith.mulf %mul3A_1489, %sub3A_1487 : vector<16xf32>
    %add3A_1491 = arith.addf %broadcast_in_dim3A_375, %exp3A_1486 : vector<16xf32>
    %add3A_1492 = arith.addf %broadcast_in_dim3A_375, %exp3A_1468 : vector<16xf32>
    %mul3A_1493 = arith.mulf %add3A_1491, %add3A_1492 : vector<16xf32>
    %add3A_1494 = arith.addf %broadcast_in_dim3A_375, %exp3A_1477 : vector<16xf32>
    %mul3A_1495 = arith.mulf %mul3A_1493, %add3A_1494 : vector<16xf32>
    %div3A_1496 = arith.divf %mul3A_1490, %mul3A_1495 : vector<16xf32>
    %neg3A_1497 = arith.constant 0.000000e+00 : f32
    %neg3A_1498 = vector.broadcast %neg3A_1497 : f32 to vector<16xf32>
    %neg3A_1499 = arith.subf %neg3A_1498, %div3A_1496 : vector<16xf32>
    %exp3A_1500 = math.exp %neg3A_1499 : vector<16xf32>
    %add3A_1501 = arith.addf %broadcast_in_dim3A_375, %exp3A_1500 : vector<16xf32>
    %div3A_1502 = arith.divf %broadcast_in_dim3A_375, %add3A_1501 : vector<16xf32>
    %swap3A_1503 = arith.constant 320 : index
    %swap3A_1504 = tpu.vector_load %arg13[%swap3A_1503] {strides = array<i32>} : memref<512xf32, #tpu.memory_space<vmem>>, vector<16xf32>,
    %swap3A_1505 = vector.shape_cast %swap3A_1504 : vector<16xf32> to vector<16xf32>
    %swap3A_1506 = vector.shape_cast %div3A_1502 : vector<16xf32> to vector<16xf32>
    tpu.vector_store %arg13[%swap3A_1503], %swap3A_1506 {strides = array<i32>} : memref<512xf32, #tpu.memory_space<vmem>>, vector<16xf32>,
    %get3A_1507 = arith.constant 2 : i32
    %get3A_1508 = arith.index_cast %get3A_1507 : i32 to index
    %get3A_1509 = arith.constant 80 : index
    %get3A_1510 = tpu.vector_load %arg10[%get3A_1508, %get3A_1509] {strides = array<i32>} : memref<4x128xf32, #tpu.memory_space<vmem>>, vector<1x16xf32>,
    %get3A_1511 = vector.shape_cast %get3A_1510 : vector<1x16xf32> to vector<16xf32>
    %neg3A_1512 = arith.constant 0.000000e+00 : f32
    %neg3A_1513 = vector.broadcast %neg3A_1512 : f32 to vector<16xf32>
    %neg3A_1514 = arith.subf %neg3A_1513, %get3A_1511 : vector<16xf32>
    %exp3A_1515 = math.exp %neg3A_1514 : vector<16xf32>
    %get3A_1516 = arith.constant 2 : i32
    %get3A_1517 = arith.index_cast %get3A_1516 : i32 to index
    %get3A_1518 = arith.constant 80 : index
    %get3A_1519 = tpu.vector_load %arg11[%get3A_1517, %get3A_1518] {strides = array<i32>} : memref<4x128xf32, #tpu.memory_space<vmem>>, vector<1x16xf32>,
    %get3A_1520 = vector.shape_cast %get3A_1519 : vector<1x16xf32> to vector<16xf32>
    %neg3A_1521 = arith.constant 0.000000e+00 : f32
    %neg3A_1522 = vector.broadcast %neg3A_1521 : f32 to vector<16xf32>
    %neg3A_1523 = arith.subf %neg3A_1522, %get3A_1520 : vector<16xf32>
    %exp3A_1524 = math.exp %neg3A_1523 : vector<16xf32>
    %get3A_1525 = arith.constant 2 : i32
    %get3A_1526 = arith.index_cast %get3A_1525 : i32 to index
    %get3A_1527 = arith.constant 80 : index
    %get3A_1528 = tpu.vector_load %arg12[%get3A_1526, %get3A_1527] {strides = array<i32>} : memref<4x128xf32, #tpu.memory_space<vmem>>, vector<1x16xf32>,
    %get3A_1529 = vector.shape_cast %get3A_1528 : vector<1x16xf32> to vector<16xf32>
    %neg3A_1530 = arith.constant 0.000000e+00 : f32
    %neg3A_1531 = vector.broadcast %neg3A_1530 : f32 to vector<16xf32>
    %neg3A_1532 = arith.subf %neg3A_1531, %get3A_1529 : vector<16xf32>
    %exp3A_1533 = math.exp %neg3A_1532 : vector<16xf32>
    %sub3A_1534 = arith.subf %exp3A_1524, %exp3A_1515 : vector<16xf32>
    %mul3A_1535 = arith.constant 1.700000e+00 : f32
    %mul3A_1536 = vector.broadcast %mul3A_1535 : f32 to vector<16xf32>
    %mul3A_1537 = arith.mulf %mul3A_1536, %sub3A_1534 : vector<16xf32>
    %add3A_1538 = arith.addf %broadcast_in_dim3A_375, %exp3A_1533 : vector<16xf32>
    %add3A_1539 = arith.addf %broadcast_in_dim3A_375, %exp3A_1515 : vector<16xf32>
    %mul3A_1540 = arith.mulf %add3A_1538, %add3A_1539 : vector<16xf32>
    %add3A_1541 = arith.addf %broadcast_in_dim3A_375, %exp3A_1524 : vector<16xf32>
    %mul3A_1542 = arith.mulf %mul3A_1540, %add3A_1541 : vector<16xf32>
    %div3A_1543 = arith.divf %mul3A_1537, %mul3A_1542 : vector<16xf32>
    %neg3A_1544 = arith.constant 0.000000e+00 : f32
    %neg3A_1545 = vector.broadcast %neg3A_1544 : f32 to vector<16xf32>
    %neg3A_1546 = arith.subf %neg3A_1545, %div3A_1543 : vector<16xf32>
    %exp3A_1547 = math.exp %neg3A_1546 : vector<16xf32>
    %add3A_1548 = arith.addf %broadcast_in_dim3A_375, %exp3A_1547 : vector<16xf32>
    %div3A_1549 = arith.divf %broadcast_in_dim3A_375, %add3A_1548 : vector<16xf32>
    %swap3A_1550 = arith.constant 336 : index
    %swap3A_1551 = tpu.vector_load %arg13[%swap3A_1550] {strides = array<i32>} : memref<512xf32, #tpu.memory_space<vmem>>, vector<16xf32>,
    %swap3A_1552 = vector.shape_cast %swap3A_1551 : vector<16xf32> to vector<16xf32>
    %swap3A_1553 = vector.shape_cast %div3A_1549 : vector<16xf32> to vector<16xf32>
    tpu.vector_store %arg13[%swap3A_1550], %swap3A_1553 {strides = array<i32>} : memref<512xf32, #tpu.memory_space<vmem>>, vector<16xf32>,
    %get3A_1554 = arith.constant 2 : i32
    %get3A_1555 = arith.index_cast %get3A_1554 : i32 to index
    %get3A_1556 = arith.constant 96 : index
    %get3A_1557 = tpu.vector_load %arg10[%get3A_1555, %get3A_1556] {strides = array<i32>} : memref<4x128xf32, #tpu.memory_space<vmem>>, vector<1x16xf32>,
    %get3A_1558 = vector.shape_cast %get3A_1557 : vector<1x16xf32> to vector<16xf32>
    %neg3A_1559 = arith.constant 0.000000e+00 : f32
    %neg3A_1560 = vector.broadcast %neg3A_1559 : f32 to vector<16xf32>
    %neg3A_1561 = arith.subf %neg3A_1560, %get3A_1558 : vector<16xf32>
    %exp3A_1562 = math.exp %neg3A_1561 : vector<16xf32>
    %get3A_1563 = arith.constant 2 : i32
    %get3A_1564 = arith.index_cast %get3A_1563 : i32 to index
    %get3A_1565 = arith.constant 96 : index
    %get3A_1566 = tpu.vector_load %arg11[%get3A_1564, %get3A_1565] {strides = array<i32>} : memref<4x128xf32, #tpu.memory_space<vmem>>, vector<1x16xf32>,
    %get3A_1567 = vector.shape_cast %get3A_1566 : vector<1x16xf32> to vector<16xf32>
    %neg3A_1568 = arith.constant 0.000000e+00 : f32
    %neg3A_1569 = vector.broadcast %neg3A_1568 : f32 to vector<16xf32>
    %neg3A_1570 = arith.subf %neg3A_1569, %get3A_1567 : vector<16xf32>
    %exp3A_1571 = math.exp %neg3A_1570 : vector<16xf32>
    %get3A_1572 = arith.constant 2 : i32
    %get3A_1573 = arith.index_cast %get3A_1572 : i32 to index
    %get3A_1574 = arith.constant 96 : index
    %get3A_1575 = tpu.vector_load %arg12[%get3A_1573, %get3A_1574] {strides = array<i32>} : memref<4x128xf32, #tpu.memory_space<vmem>>, vector<1x16xf32>,
    %get3A_1576 = vector.shape_cast %get3A_1575 : vector<1x16xf32> to vector<16xf32>
    %neg3A_1577 = arith.constant 0.000000e+00 : f32
    %neg3A_1578 = vector.broadcast %neg3A_1577 : f32 to vector<16xf32>
    %neg3A_1579 = arith.subf %neg3A_1578, %get3A_1576 : vector<16xf32>
    %exp3A_1580 = math.exp %neg3A_1579 : vector<16xf32>
    %sub3A_1581 = arith.subf %exp3A_1571, %exp3A_1562 : vector<16xf32>
    %mul3A_1582 = arith.constant 1.700000e+00 : f32
    %mul3A_1583 = vector.broadcast %mul3A_1582 : f32 to vector<16xf32>
    %mul3A_1584 = arith.mulf %mul3A_1583, %sub3A_1581 : vector<16xf32>
    %add3A_1585 = arith.addf %broadcast_in_dim3A_375, %exp3A_1580 : vector<16xf32>
    %add3A_1586 = arith.addf %broadcast_in_dim3A_375, %exp3A_1562 : vector<16xf32>
    %mul3A_1587 = arith.mulf %add3A_1585, %add3A_1586 : vector<16xf32>
    %add3A_1588 = arith.addf %broadcast_in_dim3A_375, %exp3A_1571 : vector<16xf32>
    %mul3A_1589 = arith.mulf %mul3A_1587, %add3A_1588 : vector<16xf32>
    %div3A_1590 = arith.divf %mul3A_1584, %mul3A_1589 : vector<16xf32>
    %neg3A_1591 = arith.constant 0.000000e+00 : f32
    %neg3A_1592 = vector.broadcast %neg3A_1591 : f32 to vector<16xf32>
    %neg3A_1593 = arith.subf %neg3A_1592, %div3A_1590 : vector<16xf32>
    %exp3A_1594 = math.exp %neg3A_1593 : vector<16xf32>
    %add3A_1595 = arith.addf %broadcast_in_dim3A_375, %exp3A_1594 : vector<16xf32>
    %div3A_1596 = arith.divf %broadcast_in_dim3A_375, %add3A_1595 : vector<16xf32>
    %swap3A_1597 = arith.constant 352 : index
    %swap3A_1598 = tpu.vector_load %arg13[%swap3A_1597] {strides = array<i32>} : memref<512xf32, #tpu.memory_space<vmem>>, vector<16xf32>,
    %swap3A_1599 = vector.shape_cast %swap3A_1598 : vector<16xf32> to vector<16xf32>
    %swap3A_1600 = vector.shape_cast %div3A_1596 : vector<16xf32> to vector<16xf32>
    tpu.vector_store %arg13[%swap3A_1597], %swap3A_1600 {strides = array<i32>} : memref<512xf32, #tpu.memory_space<vmem>>, vector<16xf32>,
    %get3A_1601 = arith.constant 2 : i32
    %get3A_1602 = arith.index_cast %get3A_1601 : i32 to index
    %get3A_1603 = arith.constant 112 : index
    %get3A_1604 = tpu.vector_load %arg10[%get3A_1602, %get3A_1603] {strides = array<i32>} : memref<4x128xf32, #tpu.memory_space<vmem>>, vector<1x16xf32>,
    %get3A_1605 = vector.shape_cast %get3A_1604 : vector<1x16xf32> to vector<16xf32>
    %neg3A_1606 = arith.constant 0.000000e+00 : f32
    %neg3A_1607 = vector.broadcast %neg3A_1606 : f32 to vector<16xf32>
    %neg3A_1608 = arith.subf %neg3A_1607, %get3A_1605 : vector<16xf32>
    %exp3A_1609 = math.exp %neg3A_1608 : vector<16xf32>
    %get3A_1610 = arith.constant 2 : i32
    %get3A_1611 = arith.index_cast %get3A_1610 : i32 to index
    %get3A_1612 = arith.constant 112 : index
    %get3A_1613 = tpu.vector_load %arg11[%get3A_1611, %get3A_1612] {strides = array<i32>} : memref<4x128xf32, #tpu.memory_space<vmem>>, vector<1x16xf32>,
    %get3A_1614 = vector.shape_cast %get3A_1613 : vector<1x16xf32> to vector<16xf32>
    %neg3A_1615 = arith.constant 0.000000e+00 : f32
    %neg3A_1616 = vector.broadcast %neg3A_1615 : f32 to vector<16xf32>
    %neg3A_1617 = arith.subf %neg3A_1616, %get3A_1614 : vector<16xf32>
    %exp3A_1618 = math.exp %neg3A_1617 : vector<16xf32>
    %get3A_1619 = arith.constant 2 : i32
    %get3A_1620 = arith.index_cast %get3A_1619 : i32 to index
    %get3A_1621 = arith.constant 112 : index
    %get3A_1622 = tpu.vector_load %arg12[%get3A_1620, %get3A_1621] {strides = array<i32>} : memref<4x128xf32, #tpu.memory_space<vmem>>, vector<1x16xf32>,
    %get3A_1623 = vector.shape_cast %get3A_1622 : vector<1x16xf32> to vector<16xf32>
    %neg3A_1624 = arith.constant 0.000000e+00 : f32
    %neg3A_1625 = vector.broadcast %neg3A_1624 : f32 to vector<16xf32>
    %neg3A_1626 = arith.subf %neg3A_1625, %get3A_1623 : vector<16xf32>
    %exp3A_1627 = math.exp %neg3A_1626 : vector<16xf32>
    %sub3A_1628 = arith.subf %exp3A_1618, %exp3A_1609 : vector<16xf32>
    %mul3A_1629 = arith.constant 1.700000e+00 : f32
    %mul3A_1630 = vector.broadcast %mul3A_1629 : f32 to vector<16xf32>
    %mul3A_1631 = arith.mulf %mul3A_1630, %sub3A_1628 : vector<16xf32>
    %add3A_1632 = arith.addf %broadcast_in_dim3A_375, %exp3A_1627 : vector<16xf32>
    %add3A_1633 = arith.addf %broadcast_in_dim3A_375, %exp3A_1609 : vector<16xf32>
    %mul3A_1634 = arith.mulf %add3A_1632, %add3A_1633 : vector<16xf32>
    %add3A_1635 = arith.addf %broadcast_in_dim3A_375, %exp3A_1618 : vector<16xf32>
    %mul3A_1636 = arith.mulf %mul3A_1634, %add3A_1635 : vector<16xf32>
    %div3A_1637 = arith.divf %mul3A_1631, %mul3A_1636 : vector<16xf32>
    %neg3A_1638 = arith.constant 0.000000e+00 : f32
    %neg3A_1639 = vector.broadcast %neg3A_1638 : f32 to vector<16xf32>
    %neg3A_1640 = arith.subf %neg3A_1639, %div3A_1637 : vector<16xf32>
    %exp3A_1641 = math.exp %neg3A_1640 : vector<16xf32>
    %add3A_1642 = arith.addf %broadcast_in_dim3A_375, %exp3A_1641 : vector<16xf32>
    %div3A_1643 = arith.divf %broadcast_in_dim3A_375, %add3A_1642 : vector<16xf32>
    %swap3A_1644 = arith.constant 368 : index
    %swap3A_1645 = tpu.vector_load %arg13[%swap3A_1644] {strides = array<i32>} : memref<512xf32, #tpu.memory_space<vmem>>, vector<16xf32>,
    %swap3A_1646 = vector.shape_cast %swap3A_1645 : vector<16xf32> to vector<16xf32>
    %swap3A_1647 = vector.shape_cast %div3A_1643 : vector<16xf32> to vector<16xf32>
    tpu.vector_store %arg13[%swap3A_1644], %swap3A_1647 {strides = array<i32>} : memref<512xf32, #tpu.memory_space<vmem>>, vector<16xf32>,
    %add3A_1648 = arith.constant 256 : i32
    %add3A_1649 = arith.addi %mul3A_2, %add3A_1648 : i32
    %add3A_1650 = arith.constant 0 : i32
    %add3A_1651 = arith.addi %add3A_1649, %add3A_1650 : i32
    %dma_start3A_1652 = arith.constant 256 : i32
    %dma_start3A_1653 = tpu.memref_slice %arg13[%dma_start3A_1652] : memref<512xf32, #tpu.memory_space<vmem>> -> memref<128xf32, #tpu.memory_space<vmem>>
    %dma_start3A_1654 = tpu.memref_slice %arg7[%add3A_1651] : memref<16384xf32, #tpu.memory_space<hbm>> -> memref<128xf32, #tpu.memory_space<hbm>>
    %dma_start3A_1655 = tpu.memref_slice %arg7[%add3A_1651] : memref<16384xf32, #tpu.memory_space<hbm>> -> memref<128xf32, #tpu.memory_space<hbm>>
    %dma_start3A_1656 = arith.constant 256 : i32
    %dma_start3A_1657 = tpu.memref_slice %arg13[%dma_start3A_1656] : memref<512xf32, #tpu.memory_space<vmem>> -> memref<128xf32, #tpu.memory_space<vmem>>
    tpu.enqueue_dma source(%dma_start3A_1657 : memref<128xf32, #tpu.memory_space<vmem>>) target(%dma_start3A_1655 : memref<128xf32, #tpu.memory_space<hbm>>) target_semaphore(%arg14 : memref<!tpu.dma_semaphore, #tpu.memory_space<semaphore_mem>>)
    %dma_wait3A_1658 = arith.constant 3 : i32
    %dma_wait3A_1659 = arith.constant 3 : i32
    %dma_wait3A_1660 = arith.constant 0 : i32
    %dma_wait3A_1661 = tpu.memref_slice %arg10[%dma_wait3A_1659, %dma_wait3A_1660] : memref<4x128xf32, #tpu.memory_space<vmem>> -> memref<1x128xf32, #tpu.memory_space<vmem>>
    %dma_wait3A_1662 = tpu.memref_squeeze %dma_wait3A_1661 : memref<1x128xf32, #tpu.memory_space<vmem>> -> memref<128xf32, #tpu.memory_space<vmem>>
    %dma_wait3A_1663 = arith.constant 0 : i32
    %dma_wait3A_1664 = tpu.memref_slice %arg8[%dma_wait3A_1658, %dma_wait3A_1663] : memref<4x128xi32, #tpu.memory_space<vmem>> -> memref<1x128xi32, #tpu.memory_space<vmem>>
    %dma_wait3A_1665 = tpu.memref_squeeze %dma_wait3A_1664 : memref<1x128xi32, #tpu.memory_space<vmem>> -> memref<128xi32, #tpu.memory_space<vmem>>
    %dma_wait3A_1666 = arith.constant 0 : i32
    %dma_wait3A_1667 = tpu.memref_slice %arg4[%dma_wait3A_1666] : memref<1000000xf32, #tpu.memory_space<hbm>> -> memref<1000000xf32, #tpu.memory_space<hbm>>
    tpu.wait_indirect_dma semaphore(%arg23 : memref<!tpu.dma_semaphore, #tpu.memory_space<semaphore_mem>>) src(%dma_wait3A_1667 : memref<1000000xf32, #tpu.memory_space<hbm>>) dst(%dma_wait3A_1662 : memref<128xf32, #tpu.memory_space<vmem>>)
    %dma_wait3A_1668 = arith.constant 3 : i32
    %dma_wait3A_1669 = arith.constant 3 : i32
    %dma_wait3A_1670 = arith.constant 0 : i32
    %dma_wait3A_1671 = tpu.memref_slice %arg11[%dma_wait3A_1669, %dma_wait3A_1670] : memref<4x128xf32, #tpu.memory_space<vmem>> -> memref<1x128xf32, #tpu.memory_space<vmem>>
    %dma_wait3A_1672 = tpu.memref_squeeze %dma_wait3A_1671 : memref<1x128xf32, #tpu.memory_space<vmem>> -> memref<128xf32, #tpu.memory_space<vmem>>
    %dma_wait3A_1673 = arith.constant 0 : i32
    %dma_wait3A_1674 = tpu.memref_slice %arg9[%dma_wait3A_1668, %dma_wait3A_1673] : memref<4x128xi32, #tpu.memory_space<vmem>> -> memref<1x128xi32, #tpu.memory_space<vmem>>
    %dma_wait3A_1675 = tpu.memref_squeeze %dma_wait3A_1674 : memref<1x128xi32, #tpu.memory_space<vmem>> -> memref<128xi32, #tpu.memory_space<vmem>>
    %dma_wait3A_1676 = arith.constant 0 : i32
    %dma_wait3A_1677 = tpu.memref_slice %arg5[%dma_wait3A_1676] : memref<100000xf32, #tpu.memory_space<hbm>> -> memref<100000xf32, #tpu.memory_space<hbm>>
    tpu.wait_indirect_dma semaphore(%arg23 : memref<!tpu.dma_semaphore, #tpu.memory_space<semaphore_mem>>) src(%dma_wait3A_1677 : memref<100000xf32, #tpu.memory_space<hbm>>) dst(%dma_wait3A_1672 : memref<128xf32, #tpu.memory_space<vmem>>)
    %dma_wait3A_1678 = arith.constant 3 : i32
    %dma_wait3A_1679 = arith.constant 3 : i32
    %dma_wait3A_1680 = arith.constant 0 : i32
    %dma_wait3A_1681 = tpu.memref_slice %arg12[%dma_wait3A_1679, %dma_wait3A_1680] : memref<4x128xf32, #tpu.memory_space<vmem>> -> memref<1x128xf32, #tpu.memory_space<vmem>>
    %dma_wait3A_1682 = tpu.memref_squeeze %dma_wait3A_1681 : memref<1x128xf32, #tpu.memory_space<vmem>> -> memref<128xf32, #tpu.memory_space<vmem>>
    %dma_wait3A_1683 = arith.constant 0 : i32
    %dma_wait3A_1684 = tpu.memref_slice %arg9[%dma_wait3A_1678, %dma_wait3A_1683] : memref<4x128xi32, #tpu.memory_space<vmem>> -> memref<1x128xi32, #tpu.memory_space<vmem>>
    %dma_wait3A_1685 = tpu.memref_squeeze %dma_wait3A_1684 : memref<1x128xi32, #tpu.memory_space<vmem>> -> memref<128xi32, #tpu.memory_space<vmem>>
    %dma_wait3A_1686 = arith.constant 0 : i32
    %dma_wait3A_1687 = tpu.memref_slice %arg6[%dma_wait3A_1686] : memref<100000xf32, #tpu.memory_space<hbm>> -> memref<100000xf32, #tpu.memory_space<hbm>>
    tpu.wait_indirect_dma semaphore(%arg23 : memref<!tpu.dma_semaphore, #tpu.memory_space<semaphore_mem>>) src(%dma_wait3A_1687 : memref<100000xf32, #tpu.memory_space<hbm>>) dst(%dma_wait3A_1682 : memref<128xf32, #tpu.memory_space<vmem>>)
    %get3A_1688 = arith.constant 3 : i32
    %get3A_1689 = arith.index_cast %get3A_1688 : i32 to index
    %get3A_1690 = arith.constant 0 : index
    %get3A_1691 = tpu.vector_load %arg10[%get3A_1689, %get3A_1690] {strides = array<i32>} : memref<4x128xf32, #tpu.memory_space<vmem>>, vector<1x16xf32>,
    %get3A_1692 = vector.shape_cast %get3A_1691 : vector<1x16xf32> to vector<16xf32>
    %neg3A_1693 = arith.constant 0.000000e+00 : f32
    %neg3A_1694 = vector.broadcast %neg3A_1693 : f32 to vector<16xf32>
    %neg3A_1695 = arith.subf %neg3A_1694, %get3A_1692 : vector<16xf32>
    %exp3A_1696 = math.exp %neg3A_1695 : vector<16xf32>
    %get3A_1697 = arith.constant 3 : i32
    %get3A_1698 = arith.index_cast %get3A_1697 : i32 to index
    %get3A_1699 = arith.constant 0 : index
    %get3A_1700 = tpu.vector_load %arg11[%get3A_1698, %get3A_1699] {strides = array<i32>} : memref<4x128xf32, #tpu.memory_space<vmem>>, vector<1x16xf32>,
    %get3A_1701 = vector.shape_cast %get3A_1700 : vector<1x16xf32> to vector<16xf32>
    %neg3A_1702 = arith.constant 0.000000e+00 : f32
    %neg3A_1703 = vector.broadcast %neg3A_1702 : f32 to vector<16xf32>
    %neg3A_1704 = arith.subf %neg3A_1703, %get3A_1701 : vector<16xf32>
    %exp3A_1705 = math.exp %neg3A_1704 : vector<16xf32>
    %get3A_1706 = arith.constant 3 : i32
    %get3A_1707 = arith.index_cast %get3A_1706 : i32 to index
    %get3A_1708 = arith.constant 0 : index
    %get3A_1709 = tpu.vector_load %arg12[%get3A_1707, %get3A_1708] {strides = array<i32>} : memref<4x128xf32, #tpu.memory_space<vmem>>, vector<1x16xf32>,
    %get3A_1710 = vector.shape_cast %get3A_1709 : vector<1x16xf32> to vector<16xf32>
    %neg3A_1711 = arith.constant 0.000000e+00 : f32
    %neg3A_1712 = vector.broadcast %neg3A_1711 : f32 to vector<16xf32>
    %neg3A_1713 = arith.subf %neg3A_1712, %get3A_1710 : vector<16xf32>
    %exp3A_1714 = math.exp %neg3A_1713 : vector<16xf32>
    %sub3A_1715 = arith.subf %exp3A_1705, %exp3A_1696 : vector<16xf32>
    %mul3A_1716 = arith.constant 1.700000e+00 : f32
    %mul3A_1717 = vector.broadcast %mul3A_1716 : f32 to vector<16xf32>
    %mul3A_1718 = arith.mulf %mul3A_1717, %sub3A_1715 : vector<16xf32>
    %add3A_1719 = arith.addf %broadcast_in_dim3A_375, %exp3A_1714 : vector<16xf32>
    %add3A_1720 = arith.addf %broadcast_in_dim3A_375, %exp3A_1696 : vector<16xf32>
    %mul3A_1721 = arith.mulf %add3A_1719, %add3A_1720 : vector<16xf32>
    %add3A_1722 = arith.addf %broadcast_in_dim3A_375, %exp3A_1705 : vector<16xf32>
    %mul3A_1723 = arith.mulf %mul3A_1721, %add3A_1722 : vector<16xf32>
    %div3A_1724 = arith.divf %mul3A_1718, %mul3A_1723 : vector<16xf32>
    %neg3A_1725 = arith.constant 0.000000e+00 : f32
    %neg3A_1726 = vector.broadcast %neg3A_1725 : f32 to vector<16xf32>
    %neg3A_1727 = arith.subf %neg3A_1726, %div3A_1724 : vector<16xf32>
    %exp3A_1728 = math.exp %neg3A_1727 : vector<16xf32>
    %add3A_1729 = arith.addf %broadcast_in_dim3A_375, %exp3A_1728 : vector<16xf32>
    %div3A_1730 = arith.divf %broadcast_in_dim3A_375, %add3A_1729 : vector<16xf32>
    %swap3A_1731 = arith.constant 384 : index
    %swap3A_1732 = tpu.vector_load %arg13[%swap3A_1731] {strides = array<i32>} : memref<512xf32, #tpu.memory_space<vmem>>, vector<16xf32>,
    %swap3A_1733 = vector.shape_cast %swap3A_1732 : vector<16xf32> to vector<16xf32>
    %swap3A_1734 = vector.shape_cast %div3A_1730 : vector<16xf32> to vector<16xf32>
    tpu.vector_store %arg13[%swap3A_1731], %swap3A_1734 {strides = array<i32>} : memref<512xf32, #tpu.memory_space<vmem>>, vector<16xf32>,
    %get3A_1735 = arith.constant 3 : i32
    %get3A_1736 = arith.index_cast %get3A_1735 : i32 to index
    %get3A_1737 = arith.constant 16 : index
    %get3A_1738 = tpu.vector_load %arg10[%get3A_1736, %get3A_1737] {strides = array<i32>} : memref<4x128xf32, #tpu.memory_space<vmem>>, vector<1x16xf32>,
    %get3A_1739 = vector.shape_cast %get3A_1738 : vector<1x16xf32> to vector<16xf32>
    %neg3A_1740 = arith.constant 0.000000e+00 : f32
    %neg3A_1741 = vector.broadcast %neg3A_1740 : f32 to vector<16xf32>
    %neg3A_1742 = arith.subf %neg3A_1741, %get3A_1739 : vector<16xf32>
    %exp3A_1743 = math.exp %neg3A_1742 : vector<16xf32>
    %get3A_1744 = arith.constant 3 : i32
    %get3A_1745 = arith.index_cast %get3A_1744 : i32 to index
    %get3A_1746 = arith.constant 16 : index
    %get3A_1747 = tpu.vector_load %arg11[%get3A_1745, %get3A_1746] {strides = array<i32>} : memref<4x128xf32, #tpu.memory_space<vmem>>, vector<1x16xf32>,
    %get3A_1748 = vector.shape_cast %get3A_1747 : vector<1x16xf32> to vector<16xf32>
    %neg3A_1749 = arith.constant 0.000000e+00 : f32
    %neg3A_1750 = vector.broadcast %neg3A_1749 : f32 to vector<16xf32>
    %neg3A_1751 = arith.subf %neg3A_1750, %get3A_1748 : vector<16xf32>
    %exp3A_1752 = math.exp %neg3A_1751 : vector<16xf32>
    %get3A_1753 = arith.constant 3 : i32
    %get3A_1754 = arith.index_cast %get3A_1753 : i32 to index
    %get3A_1755 = arith.constant 16 : index
    %get3A_1756 = tpu.vector_load %arg12[%get3A_1754, %get3A_1755] {strides = array<i32>} : memref<4x128xf32, #tpu.memory_space<vmem>>, vector<1x16xf32>,
    %get3A_1757 = vector.shape_cast %get3A_1756 : vector<1x16xf32> to vector<16xf32>
    %neg3A_1758 = arith.constant 0.000000e+00 : f32
    %neg3A_1759 = vector.broadcast %neg3A_1758 : f32 to vector<16xf32>
    %neg3A_1760 = arith.subf %neg3A_1759, %get3A_1757 : vector<16xf32>
    %exp3A_1761 = math.exp %neg3A_1760 : vector<16xf32>
    %sub3A_1762 = arith.subf %exp3A_1752, %exp3A_1743 : vector<16xf32>
    %mul3A_1763 = arith.constant 1.700000e+00 : f32
    %mul3A_1764 = vector.broadcast %mul3A_1763 : f32 to vector<16xf32>
    %mul3A_1765 = arith.mulf %mul3A_1764, %sub3A_1762 : vector<16xf32>
    %add3A_1766 = arith.addf %broadcast_in_dim3A_375, %exp3A_1761 : vector<16xf32>
    %add3A_1767 = arith.addf %broadcast_in_dim3A_375, %exp3A_1743 : vector<16xf32>
    %mul3A_1768 = arith.mulf %add3A_1766, %add3A_1767 : vector<16xf32>
    %add3A_1769 = arith.addf %broadcast_in_dim3A_375, %exp3A_1752 : vector<16xf32>
    %mul3A_1770 = arith.mulf %mul3A_1768, %add3A_1769 : vector<16xf32>
    %div3A_1771 = arith.divf %mul3A_1765, %mul3A_1770 : vector<16xf32>
    %neg3A_1772 = arith.constant 0.000000e+00 : f32
    %neg3A_1773 = vector.broadcast %neg3A_1772 : f32 to vector<16xf32>
    %neg3A_1774 = arith.subf %neg3A_1773, %div3A_1771 : vector<16xf32>
    %exp3A_1775 = math.exp %neg3A_1774 : vector<16xf32>
    %add3A_1776 = arith.addf %broadcast_in_dim3A_375, %exp3A_1775 : vector<16xf32>
    %div3A_1777 = arith.divf %broadcast_in_dim3A_375, %add3A_1776 : vector<16xf32>
    %swap3A_1778 = arith.constant 400 : index
    %swap3A_1779 = tpu.vector_load %arg13[%swap3A_1778] {strides = array<i32>} : memref<512xf32, #tpu.memory_space<vmem>>, vector<16xf32>,
    %swap3A_1780 = vector.shape_cast %swap3A_1779 : vector<16xf32> to vector<16xf32>
    %swap3A_1781 = vector.shape_cast %div3A_1777 : vector<16xf32> to vector<16xf32>
    tpu.vector_store %arg13[%swap3A_1778], %swap3A_1781 {strides = array<i32>} : memref<512xf32, #tpu.memory_space<vmem>>, vector<16xf32>,
    %get3A_1782 = arith.constant 3 : i32
    %get3A_1783 = arith.index_cast %get3A_1782 : i32 to index
    %get3A_1784 = arith.constant 32 : index
    %get3A_1785 = tpu.vector_load %arg10[%get3A_1783, %get3A_1784] {strides = array<i32>} : memref<4x128xf32, #tpu.memory_space<vmem>>, vector<1x16xf32>,
    %get3A_1786 = vector.shape_cast %get3A_1785 : vector<1x16xf32> to vector<16xf32>
    %neg3A_1787 = arith.constant 0.000000e+00 : f32
    %neg3A_1788 = vector.broadcast %neg3A_1787 : f32 to vector<16xf32>
    %neg3A_1789 = arith.subf %neg3A_1788, %get3A_1786 : vector<16xf32>
    %exp3A_1790 = math.exp %neg3A_1789 : vector<16xf32>
    %get3A_1791 = arith.constant 3 : i32
    %get3A_1792 = arith.index_cast %get3A_1791 : i32 to index
    %get3A_1793 = arith.constant 32 : index
    %get3A_1794 = tpu.vector_load %arg11[%get3A_1792, %get3A_1793] {strides = array<i32>} : memref<4x128xf32, #tpu.memory_space<vmem>>, vector<1x16xf32>,
    %get3A_1795 = vector.shape_cast %get3A_1794 : vector<1x16xf32> to vector<16xf32>
    %neg3A_1796 = arith.constant 0.000000e+00 : f32
    %neg3A_1797 = vector.broadcast %neg3A_1796 : f32 to vector<16xf32>
    %neg3A_1798 = arith.subf %neg3A_1797, %get3A_1795 : vector<16xf32>
    %exp3A_1799 = math.exp %neg3A_1798 : vector<16xf32>
    %get3A_1800 = arith.constant 3 : i32
    %get3A_1801 = arith.index_cast %get3A_1800 : i32 to index
    %get3A_1802 = arith.constant 32 : index
    %get3A_1803 = tpu.vector_load %arg12[%get3A_1801, %get3A_1802] {strides = array<i32>} : memref<4x128xf32, #tpu.memory_space<vmem>>, vector<1x16xf32>,
    %get3A_1804 = vector.shape_cast %get3A_1803 : vector<1x16xf32> to vector<16xf32>
    %neg3A_1805 = arith.constant 0.000000e+00 : f32
    %neg3A_1806 = vector.broadcast %neg3A_1805 : f32 to vector<16xf32>
    %neg3A_1807 = arith.subf %neg3A_1806, %get3A_1804 : vector<16xf32>
    %exp3A_1808 = math.exp %neg3A_1807 : vector<16xf32>
    %sub3A_1809 = arith.subf %exp3A_1799, %exp3A_1790 : vector<16xf32>
    %mul3A_1810 = arith.constant 1.700000e+00 : f32
    %mul3A_1811 = vector.broadcast %mul3A_1810 : f32 to vector<16xf32>
    %mul3A_1812 = arith.mulf %mul3A_1811, %sub3A_1809 : vector<16xf32>
    %add3A_1813 = arith.addf %broadcast_in_dim3A_375, %exp3A_1808 : vector<16xf32>
    %add3A_1814 = arith.addf %broadcast_in_dim3A_375, %exp3A_1790 : vector<16xf32>
    %mul3A_1815 = arith.mulf %add3A_1813, %add3A_1814 : vector<16xf32>
    %add3A_1816 = arith.addf %broadcast_in_dim3A_375, %exp3A_1799 : vector<16xf32>
    %mul3A_1817 = arith.mulf %mul3A_1815, %add3A_1816 : vector<16xf32>
    %div3A_1818 = arith.divf %mul3A_1812, %mul3A_1817 : vector<16xf32>
    %neg3A_1819 = arith.constant 0.000000e+00 : f32
    %neg3A_1820 = vector.broadcast %neg3A_1819 : f32 to vector<16xf32>
    %neg3A_1821 = arith.subf %neg3A_1820, %div3A_1818 : vector<16xf32>
    %exp3A_1822 = math.exp %neg3A_1821 : vector<16xf32>
    %add3A_1823 = arith.addf %broadcast_in_dim3A_375, %exp3A_1822 : vector<16xf32>
    %div3A_1824 = arith.divf %broadcast_in_dim3A_375, %add3A_1823 : vector<16xf32>
    %swap3A_1825 = arith.constant 416 : index
    %swap3A_1826 = tpu.vector_load %arg13[%swap3A_1825] {strides = array<i32>} : memref<512xf32, #tpu.memory_space<vmem>>, vector<16xf32>,
    %swap3A_1827 = vector.shape_cast %swap3A_1826 : vector<16xf32> to vector<16xf32>
    %swap3A_1828 = vector.shape_cast %div3A_1824 : vector<16xf32> to vector<16xf32>
    tpu.vector_store %arg13[%swap3A_1825], %swap3A_1828 {strides = array<i32>} : memref<512xf32, #tpu.memory_space<vmem>>, vector<16xf32>,
    %get3A_1829 = arith.constant 3 : i32
    %get3A_1830 = arith.index_cast %get3A_1829 : i32 to index
    %get3A_1831 = arith.constant 48 : index
    %get3A_1832 = tpu.vector_load %arg10[%get3A_1830, %get3A_1831] {strides = array<i32>} : memref<4x128xf32, #tpu.memory_space<vmem>>, vector<1x16xf32>,
    %get3A_1833 = vector.shape_cast %get3A_1832 : vector<1x16xf32> to vector<16xf32>
    %neg3A_1834 = arith.constant 0.000000e+00 : f32
    %neg3A_1835 = vector.broadcast %neg3A_1834 : f32 to vector<16xf32>
    %neg3A_1836 = arith.subf %neg3A_1835, %get3A_1833 : vector<16xf32>
    %exp3A_1837 = math.exp %neg3A_1836 : vector<16xf32>
    %get3A_1838 = arith.constant 3 : i32
    %get3A_1839 = arith.index_cast %get3A_1838 : i32 to index
    %get3A_1840 = arith.constant 48 : index
    %get3A_1841 = tpu.vector_load %arg11[%get3A_1839, %get3A_1840] {strides = array<i32>} : memref<4x128xf32, #tpu.memory_space<vmem>>, vector<1x16xf32>,
    %get3A_1842 = vector.shape_cast %get3A_1841 : vector<1x16xf32> to vector<16xf32>
    %neg3A_1843 = arith.constant 0.000000e+00 : f32
    %neg3A_1844 = vector.broadcast %neg3A_1843 : f32 to vector<16xf32>
    %neg3A_1845 = arith.subf %neg3A_1844, %get3A_1842 : vector<16xf32>
    %exp3A_1846 = math.exp %neg3A_1845 : vector<16xf32>
    %get3A_1847 = arith.constant 3 : i32
    %get3A_1848 = arith.index_cast %get3A_1847 : i32 to index
    %get3A_1849 = arith.constant 48 : index
    %get3A_1850 = tpu.vector_load %arg12[%get3A_1848, %get3A_1849] {strides = array<i32>} : memref<4x128xf32, #tpu.memory_space<vmem>>, vector<1x16xf32>,
    %get3A_1851 = vector.shape_cast %get3A_1850 : vector<1x16xf32> to vector<16xf32>
    %neg3A_1852 = arith.constant 0.000000e+00 : f32
    %neg3A_1853 = vector.broadcast %neg3A_1852 : f32 to vector<16xf32>
    %neg3A_1854 = arith.subf %neg3A_1853, %get3A_1851 : vector<16xf32>
    %exp3A_1855 = math.exp %neg3A_1854 : vector<16xf32>
    %sub3A_1856 = arith.subf %exp3A_1846, %exp3A_1837 : vector<16xf32>
    %mul3A_1857 = arith.constant 1.700000e+00 : f32
    %mul3A_1858 = vector.broadcast %mul3A_1857 : f32 to vector<16xf32>
    %mul3A_1859 = arith.mulf %mul3A_1858, %sub3A_1856 : vector<16xf32>
    %add3A_1860 = arith.addf %broadcast_in_dim3A_375, %exp3A_1855 : vector<16xf32>
    %add3A_1861 = arith.addf %broadcast_in_dim3A_375, %exp3A_1837 : vector<16xf32>
    %mul3A_1862 = arith.mulf %add3A_1860, %add3A_1861 : vector<16xf32>
    %add3A_1863 = arith.addf %broadcast_in_dim3A_375, %exp3A_1846 : vector<16xf32>
    %mul3A_1864 = arith.mulf %mul3A_1862, %add3A_1863 : vector<16xf32>
    %div3A_1865 = arith.divf %mul3A_1859, %mul3A_1864 : vector<16xf32>
    %neg3A_1866 = arith.constant 0.000000e+00 : f32
    %neg3A_1867 = vector.broadcast %neg3A_1866 : f32 to vector<16xf32>
    %neg3A_1868 = arith.subf %neg3A_1867, %div3A_1865 : vector<16xf32>
    %exp3A_1869 = math.exp %neg3A_1868 : vector<16xf32>
    %add3A_1870 = arith.addf %broadcast_in_dim3A_375, %exp3A_1869 : vector<16xf32>
    %div3A_1871 = arith.divf %broadcast_in_dim3A_375, %add3A_1870 : vector<16xf32>
    %swap3A_1872 = arith.constant 432 : index
    %swap3A_1873 = tpu.vector_load %arg13[%swap3A_1872] {strides = array<i32>} : memref<512xf32, #tpu.memory_space<vmem>>, vector<16xf32>,
    %swap3A_1874 = vector.shape_cast %swap3A_1873 : vector<16xf32> to vector<16xf32>
    %swap3A_1875 = vector.shape_cast %div3A_1871 : vector<16xf32> to vector<16xf32>
    tpu.vector_store %arg13[%swap3A_1872], %swap3A_1875 {strides = array<i32>} : memref<512xf32, #tpu.memory_space<vmem>>, vector<16xf32>,
    %get3A_1876 = arith.constant 3 : i32
    %get3A_1877 = arith.index_cast %get3A_1876 : i32 to index
    %get3A_1878 = arith.constant 64 : index
    %get3A_1879 = tpu.vector_load %arg10[%get3A_1877, %get3A_1878] {strides = array<i32>} : memref<4x128xf32, #tpu.memory_space<vmem>>, vector<1x16xf32>,
    %get3A_1880 = vector.shape_cast %get3A_1879 : vector<1x16xf32> to vector<16xf32>
    %neg3A_1881 = arith.constant 0.000000e+00 : f32
    %neg3A_1882 = vector.broadcast %neg3A_1881 : f32 to vector<16xf32>
    %neg3A_1883 = arith.subf %neg3A_1882, %get3A_1880 : vector<16xf32>
    %exp3A_1884 = math.exp %neg3A_1883 : vector<16xf32>
    %get3A_1885 = arith.constant 3 : i32
    %get3A_1886 = arith.index_cast %get3A_1885 : i32 to index
    %get3A_1887 = arith.constant 64 : index
    %get3A_1888 = tpu.vector_load %arg11[%get3A_1886, %get3A_1887] {strides = array<i32>} : memref<4x128xf32, #tpu.memory_space<vmem>>, vector<1x16xf32>,
    %get3A_1889 = vector.shape_cast %get3A_1888 : vector<1x16xf32> to vector<16xf32>
    %neg3A_1890 = arith.constant 0.000000e+00 : f32
    %neg3A_1891 = vector.broadcast %neg3A_1890 : f32 to vector<16xf32>
    %neg3A_1892 = arith.subf %neg3A_1891, %get3A_1889 : vector<16xf32>
    %exp3A_1893 = math.exp %neg3A_1892 : vector<16xf32>
    %get3A_1894 = arith.constant 3 : i32
    %get3A_1895 = arith.index_cast %get3A_1894 : i32 to index
    %get3A_1896 = arith.constant 64 : index
    %get3A_1897 = tpu.vector_load %arg12[%get3A_1895, %get3A_1896] {strides = array<i32>} : memref<4x128xf32, #tpu.memory_space<vmem>>, vector<1x16xf32>,
    %get3A_1898 = vector.shape_cast %get3A_1897 : vector<1x16xf32> to vector<16xf32>
    %neg3A_1899 = arith.constant 0.000000e+00 : f32
    %neg3A_1900 = vector.broadcast %neg3A_1899 : f32 to vector<16xf32>
    %neg3A_1901 = arith.subf %neg3A_1900, %get3A_1898 : vector<16xf32>
    %exp3A_1902 = math.exp %neg3A_1901 : vector<16xf32>
    %sub3A_1903 = arith.subf %exp3A_1893, %exp3A_1884 : vector<16xf32>
    %mul3A_1904 = arith.constant 1.700000e+00 : f32
    %mul3A_1905 = vector.broadcast %mul3A_1904 : f32 to vector<16xf32>
    %mul3A_1906 = arith.mulf %mul3A_1905, %sub3A_1903 : vector<16xf32>
    %add3A_1907 = arith.addf %broadcast_in_dim3A_375, %exp3A_1902 : vector<16xf32>
    %add3A_1908 = arith.addf %broadcast_in_dim3A_375, %exp3A_1884 : vector<16xf32>
    %mul3A_1909 = arith.mulf %add3A_1907, %add3A_1908 : vector<16xf32>
    %add3A_1910 = arith.addf %broadcast_in_dim3A_375, %exp3A_1893 : vector<16xf32>
    %mul3A_1911 = arith.mulf %mul3A_1909, %add3A_1910 : vector<16xf32>
    %div3A_1912 = arith.divf %mul3A_1906, %mul3A_1911 : vector<16xf32>
    %neg3A_1913 = arith.constant 0.000000e+00 : f32
    %neg3A_1914 = vector.broadcast %neg3A_1913 : f32 to vector<16xf32>
    %neg3A_1915 = arith.subf %neg3A_1914, %div3A_1912 : vector<16xf32>
    %exp3A_1916 = math.exp %neg3A_1915 : vector<16xf32>
    %add3A_1917 = arith.addf %broadcast_in_dim3A_375, %exp3A_1916 : vector<16xf32>
    %div3A_1918 = arith.divf %broadcast_in_dim3A_375, %add3A_1917 : vector<16xf32>
    %swap3A_1919 = arith.constant 448 : index
    %swap3A_1920 = tpu.vector_load %arg13[%swap3A_1919] {strides = array<i32>} : memref<512xf32, #tpu.memory_space<vmem>>, vector<16xf32>,
    %swap3A_1921 = vector.shape_cast %swap3A_1920 : vector<16xf32> to vector<16xf32>
    %swap3A_1922 = vector.shape_cast %div3A_1918 : vector<16xf32> to vector<16xf32>
    tpu.vector_store %arg13[%swap3A_1919], %swap3A_1922 {strides = array<i32>} : memref<512xf32, #tpu.memory_space<vmem>>, vector<16xf32>,
    %get3A_1923 = arith.constant 3 : i32
    %get3A_1924 = arith.index_cast %get3A_1923 : i32 to index
    %get3A_1925 = arith.constant 80 : index
    %get3A_1926 = tpu.vector_load %arg10[%get3A_1924, %get3A_1925] {strides = array<i32>} : memref<4x128xf32, #tpu.memory_space<vmem>>, vector<1x16xf32>,
    %get3A_1927 = vector.shape_cast %get3A_1926 : vector<1x16xf32> to vector<16xf32>
    %neg3A_1928 = arith.constant 0.000000e+00 : f32
    %neg3A_1929 = vector.broadcast %neg3A_1928 : f32 to vector<16xf32>
    %neg3A_1930 = arith.subf %neg3A_1929, %get3A_1927 : vector<16xf32>
    %exp3A_1931 = math.exp %neg3A_1930 : vector<16xf32>
    %get3A_1932 = arith.constant 3 : i32
    %get3A_1933 = arith.index_cast %get3A_1932 : i32 to index
    %get3A_1934 = arith.constant 80 : index
    %get3A_1935 = tpu.vector_load %arg11[%get3A_1933, %get3A_1934] {strides = array<i32>} : memref<4x128xf32, #tpu.memory_space<vmem>>, vector<1x16xf32>,
    %get3A_1936 = vector.shape_cast %get3A_1935 : vector<1x16xf32> to vector<16xf32>
    %neg3A_1937 = arith.constant 0.000000e+00 : f32
    %neg3A_1938 = vector.broadcast %neg3A_1937 : f32 to vector<16xf32>
    %neg3A_1939 = arith.subf %neg3A_1938, %get3A_1936 : vector<16xf32>
    %exp3A_1940 = math.exp %neg3A_1939 : vector<16xf32>
    %get3A_1941 = arith.constant 3 : i32
    %get3A_1942 = arith.index_cast %get3A_1941 : i32 to index
    %get3A_1943 = arith.constant 80 : index
    %get3A_1944 = tpu.vector_load %arg12[%get3A_1942, %get3A_1943] {strides = array<i32>} : memref<4x128xf32, #tpu.memory_space<vmem>>, vector<1x16xf32>,
    %get3A_1945 = vector.shape_cast %get3A_1944 : vector<1x16xf32> to vector<16xf32>
    %neg3A_1946 = arith.constant 0.000000e+00 : f32
    %neg3A_1947 = vector.broadcast %neg3A_1946 : f32 to vector<16xf32>
    %neg3A_1948 = arith.subf %neg3A_1947, %get3A_1945 : vector<16xf32>
    %exp3A_1949 = math.exp %neg3A_1948 : vector<16xf32>
    %sub3A_1950 = arith.subf %exp3A_1940, %exp3A_1931 : vector<16xf32>
    %mul3A_1951 = arith.constant 1.700000e+00 : f32
    %mul3A_1952 = vector.broadcast %mul3A_1951 : f32 to vector<16xf32>
    %mul3A_1953 = arith.mulf %mul3A_1952, %sub3A_1950 : vector<16xf32>
    %add3A_1954 = arith.addf %broadcast_in_dim3A_375, %exp3A_1949 : vector<16xf32>
    %add3A_1955 = arith.addf %broadcast_in_dim3A_375, %exp3A_1931 : vector<16xf32>
    %mul3A_1956 = arith.mulf %add3A_1954, %add3A_1955 : vector<16xf32>
    %add3A_1957 = arith.addf %broadcast_in_dim3A_375, %exp3A_1940 : vector<16xf32>
    %mul3A_1958 = arith.mulf %mul3A_1956, %add3A_1957 : vector<16xf32>
    %div3A_1959 = arith.divf %mul3A_1953, %mul3A_1958 : vector<16xf32>
    %neg3A_1960 = arith.constant 0.000000e+00 : f32
    %neg3A_1961 = vector.broadcast %neg3A_1960 : f32 to vector<16xf32>
    %neg3A_1962 = arith.subf %neg3A_1961, %div3A_1959 : vector<16xf32>
    %exp3A_1963 = math.exp %neg3A_1962 : vector<16xf32>
    %add3A_1964 = arith.addf %broadcast_in_dim3A_375, %exp3A_1963 : vector<16xf32>
    %div3A_1965 = arith.divf %broadcast_in_dim3A_375, %add3A_1964 : vector<16xf32>
    %swap3A_1966 = arith.constant 464 : index
    %swap3A_1967 = tpu.vector_load %arg13[%swap3A_1966] {strides = array<i32>} : memref<512xf32, #tpu.memory_space<vmem>>, vector<16xf32>,
    %swap3A_1968 = vector.shape_cast %swap3A_1967 : vector<16xf32> to vector<16xf32>
    %swap3A_1969 = vector.shape_cast %div3A_1965 : vector<16xf32> to vector<16xf32>
    tpu.vector_store %arg13[%swap3A_1966], %swap3A_1969 {strides = array<i32>} : memref<512xf32, #tpu.memory_space<vmem>>, vector<16xf32>,
    %get3A_1970 = arith.constant 3 : i32
    %get3A_1971 = arith.index_cast %get3A_1970 : i32 to index
    %get3A_1972 = arith.constant 96 : index
    %get3A_1973 = tpu.vector_load %arg10[%get3A_1971, %get3A_1972] {strides = array<i32>} : memref<4x128xf32, #tpu.memory_space<vmem>>, vector<1x16xf32>,
    %get3A_1974 = vector.shape_cast %get3A_1973 : vector<1x16xf32> to vector<16xf32>
    %neg3A_1975 = arith.constant 0.000000e+00 : f32
    %neg3A_1976 = vector.broadcast %neg3A_1975 : f32 to vector<16xf32>
    %neg3A_1977 = arith.subf %neg3A_1976, %get3A_1974 : vector<16xf32>
    %exp3A_1978 = math.exp %neg3A_1977 : vector<16xf32>
    %get3A_1979 = arith.constant 3 : i32
    %get3A_1980 = arith.index_cast %get3A_1979 : i32 to index
    %get3A_1981 = arith.constant 96 : index
    %get3A_1982 = tpu.vector_load %arg11[%get3A_1980, %get3A_1981] {strides = array<i32>} : memref<4x128xf32, #tpu.memory_space<vmem>>, vector<1x16xf32>,
    %get3A_1983 = vector.shape_cast %get3A_1982 : vector<1x16xf32> to vector<16xf32>
    %neg3A_1984 = arith.constant 0.000000e+00 : f32
    %neg3A_1985 = vector.broadcast %neg3A_1984 : f32 to vector<16xf32>
    %neg3A_1986 = arith.subf %neg3A_1985, %get3A_1983 : vector<16xf32>
    %exp3A_1987 = math.exp %neg3A_1986 : vector<16xf32>
    %get3A_1988 = arith.constant 3 : i32
    %get3A_1989 = arith.index_cast %get3A_1988 : i32 to index
    %get3A_1990 = arith.constant 96 : index
    %get3A_1991 = tpu.vector_load %arg12[%get3A_1989, %get3A_1990] {strides = array<i32>} : memref<4x128xf32, #tpu.memory_space<vmem>>, vector<1x16xf32>,
    %get3A_1992 = vector.shape_cast %get3A_1991 : vector<1x16xf32> to vector<16xf32>
    %neg3A_1993 = arith.constant 0.000000e+00 : f32
    %neg3A_1994 = vector.broadcast %neg3A_1993 : f32 to vector<16xf32>
    %neg3A_1995 = arith.subf %neg3A_1994, %get3A_1992 : vector<16xf32>
    %exp3A_1996 = math.exp %neg3A_1995 : vector<16xf32>
    %sub3A_1997 = arith.subf %exp3A_1987, %exp3A_1978 : vector<16xf32>
    %mul3A_1998 = arith.constant 1.700000e+00 : f32
    %mul3A_1999 = vector.broadcast %mul3A_1998 : f32 to vector<16xf32>
    %mul3A_2000 = arith.mulf %mul3A_1999, %sub3A_1997 : vector<16xf32>
    %add3A_2001 = arith.addf %broadcast_in_dim3A_375, %exp3A_1996 : vector<16xf32>
    %add3A_2002 = arith.addf %broadcast_in_dim3A_375, %exp3A_1978 : vector<16xf32>
    %mul3A_2003 = arith.mulf %add3A_2001, %add3A_2002 : vector<16xf32>
    %add3A_2004 = arith.addf %broadcast_in_dim3A_375, %exp3A_1987 : vector<16xf32>
    %mul3A_2005 = arith.mulf %mul3A_2003, %add3A_2004 : vector<16xf32>
    %div3A_2006 = arith.divf %mul3A_2000, %mul3A_2005 : vector<16xf32>
    %neg3A_2007 = arith.constant 0.000000e+00 : f32
    %neg3A_2008 = vector.broadcast %neg3A_2007 : f32 to vector<16xf32>
    %neg3A_2009 = arith.subf %neg3A_2008, %div3A_2006 : vector<16xf32>
    %exp3A_2010 = math.exp %neg3A_2009 : vector<16xf32>
    %add3A_2011 = arith.addf %broadcast_in_dim3A_375, %exp3A_2010 : vector<16xf32>
    %div3A_2012 = arith.divf %broadcast_in_dim3A_375, %add3A_2011 : vector<16xf32>
    %swap3A_2013 = arith.constant 480 : index
    %swap3A_2014 = tpu.vector_load %arg13[%swap3A_2013] {strides = array<i32>} : memref<512xf32, #tpu.memory_space<vmem>>, vector<16xf32>,
    %swap3A_2015 = vector.shape_cast %swap3A_2014 : vector<16xf32> to vector<16xf32>
    %swap3A_2016 = vector.shape_cast %div3A_2012 : vector<16xf32> to vector<16xf32>
    tpu.vector_store %arg13[%swap3A_2013], %swap3A_2016 {strides = array<i32>} : memref<512xf32, #tpu.memory_space<vmem>>, vector<16xf32>,
    %get3A_2017 = arith.constant 3 : i32
    %get3A_2018 = arith.index_cast %get3A_2017 : i32 to index
    %get3A_2019 = arith.constant 112 : index
    %get3A_2020 = tpu.vector_load %arg10[%get3A_2018, %get3A_2019] {strides = array<i32>} : memref<4x128xf32, #tpu.memory_space<vmem>>, vector<1x16xf32>,
    %get3A_2021 = vector.shape_cast %get3A_2020 : vector<1x16xf32> to vector<16xf32>
    %neg3A_2022 = arith.constant 0.000000e+00 : f32
    %neg3A_2023 = vector.broadcast %neg3A_2022 : f32 to vector<16xf32>
    %neg3A_2024 = arith.subf %neg3A_2023, %get3A_2021 : vector<16xf32>
    %exp3A_2025 = math.exp %neg3A_2024 : vector<16xf32>
    %get3A_2026 = arith.constant 3 : i32
    %get3A_2027 = arith.index_cast %get3A_2026 : i32 to index
    %get3A_2028 = arith.constant 112 : index
    %get3A_2029 = tpu.vector_load %arg11[%get3A_2027, %get3A_2028] {strides = array<i32>} : memref<4x128xf32, #tpu.memory_space<vmem>>, vector<1x16xf32>,
    %get3A_2030 = vector.shape_cast %get3A_2029 : vector<1x16xf32> to vector<16xf32>
    %neg3A_2031 = arith.constant 0.000000e+00 : f32
    %neg3A_2032 = vector.broadcast %neg3A_2031 : f32 to vector<16xf32>
    %neg3A_2033 = arith.subf %neg3A_2032, %get3A_2030 : vector<16xf32>
    %exp3A_2034 = math.exp %neg3A_2033 : vector<16xf32>
    %get3A_2035 = arith.constant 3 : i32
    %get3A_2036 = arith.index_cast %get3A_2035 : i32 to index
    %get3A_2037 = arith.constant 112 : index
    %get3A_2038 = tpu.vector_load %arg12[%get3A_2036, %get3A_2037] {strides = array<i32>} : memref<4x128xf32, #tpu.memory_space<vmem>>, vector<1x16xf32>,
    %get3A_2039 = vector.shape_cast %get3A_2038 : vector<1x16xf32> to vector<16xf32>
    %neg3A_2040 = arith.constant 0.000000e+00 : f32
    %neg3A_2041 = vector.broadcast %neg3A_2040 : f32 to vector<16xf32>
    %neg3A_2042 = arith.subf %neg3A_2041, %get3A_2039 : vector<16xf32>
    %exp3A_2043 = math.exp %neg3A_2042 : vector<16xf32>
    %sub3A_2044 = arith.subf %exp3A_2034, %exp3A_2025 : vector<16xf32>
    %mul3A_2045 = arith.constant 1.700000e+00 : f32
    %mul3A_2046 = vector.broadcast %mul3A_2045 : f32 to vector<16xf32>
    %mul3A_2047 = arith.mulf %mul3A_2046, %sub3A_2044 : vector<16xf32>
    %add3A_2048 = arith.addf %broadcast_in_dim3A_375, %exp3A_2043 : vector<16xf32>
    %add3A_2049 = arith.addf %broadcast_in_dim3A_375, %exp3A_2025 : vector<16xf32>
    %mul3A_2050 = arith.mulf %add3A_2048, %add3A_2049 : vector<16xf32>
    %add3A_2051 = arith.addf %broadcast_in_dim3A_375, %exp3A_2034 : vector<16xf32>
    %mul3A_2052 = arith.mulf %mul3A_2050, %add3A_2051 : vector<16xf32>
    %div3A_2053 = arith.divf %mul3A_2047, %mul3A_2052 : vector<16xf32>
    %neg3A_2054 = arith.constant 0.000000e+00 : f32
    %neg3A_2055 = vector.broadcast %neg3A_2054 : f32 to vector<16xf32>
    %neg3A_2056 = arith.subf %neg3A_2055, %div3A_2053 : vector<16xf32>
    %exp3A_2057 = math.exp %neg3A_2056 : vector<16xf32>
    %add3A_2058 = arith.addf %broadcast_in_dim3A_375, %exp3A_2057 : vector<16xf32>
    %div3A_2059 = arith.divf %broadcast_in_dim3A_375, %add3A_2058 : vector<16xf32>
    %swap3A_2060 = arith.constant 496 : index
    %swap3A_2061 = tpu.vector_load %arg13[%swap3A_2060] {strides = array<i32>} : memref<512xf32, #tpu.memory_space<vmem>>, vector<16xf32>,
    %swap3A_2062 = vector.shape_cast %swap3A_2061 : vector<16xf32> to vector<16xf32>
    %swap3A_2063 = vector.shape_cast %div3A_2059 : vector<16xf32> to vector<16xf32>
    tpu.vector_store %arg13[%swap3A_2060], %swap3A_2063 {strides = array<i32>} : memref<512xf32, #tpu.memory_space<vmem>>, vector<16xf32>,
    %add3A_2064 = arith.constant 384 : i32
    %add3A_2065 = arith.addi %mul3A_2, %add3A_2064 : i32
    %add3A_2066 = arith.constant 0 : i32
    %add3A_2067 = arith.addi %add3A_2065, %add3A_2066 : i32
    %dma_start3A_2068 = arith.constant 384 : i32
    %dma_start3A_2069 = tpu.memref_slice %arg13[%dma_start3A_2068] : memref<512xf32, #tpu.memory_space<vmem>> -> memref<128xf32, #tpu.memory_space<vmem>>
    %dma_start3A_2070 = tpu.memref_slice %arg7[%add3A_2067] : memref<16384xf32, #tpu.memory_space<hbm>> -> memref<128xf32, #tpu.memory_space<hbm>>
    %dma_start3A_2071 = tpu.memref_slice %arg7[%add3A_2067] : memref<16384xf32, #tpu.memory_space<hbm>> -> memref<128xf32, #tpu.memory_space<hbm>>
    %dma_start3A_2072 = arith.constant 384 : i32
    %dma_start3A_2073 = tpu.memref_slice %arg13[%dma_start3A_2072] : memref<512xf32, #tpu.memory_space<vmem>> -> memref<128xf32, #tpu.memory_space<vmem>>
    tpu.enqueue_dma source(%dma_start3A_2073 : memref<128xf32, #tpu.memory_space<vmem>>) target(%dma_start3A_2071 : memref<128xf32, #tpu.memory_space<hbm>>) target_semaphore(%arg14 : memref<!tpu.dma_semaphore, #tpu.memory_space<semaphore_mem>>)
    %dma_wait3A_2074 = arith.constant 0 : i32
    %dma_wait3A_2075 = tpu.memref_slice %arg13[%dma_wait3A_2074] : memref<512xf32, #tpu.memory_space<vmem>> -> memref<64xf32, #tpu.memory_space<vmem>>
    %dma_wait3A_2076 = tpu.memref_slice %arg7[%add3A_591] : memref<16384xf32, #tpu.memory_space<hbm>> -> memref<64xf32, #tpu.memory_space<hbm>>
    %dma_wait3A_2077 = tpu.memref_slice %arg7[%add3A_591] : memref<16384xf32, #tpu.memory_space<hbm>> -> memref<64xf32, #tpu.memory_space<hbm>>
    %dma_wait3A_2078 = arith.constant 0 : i32
    %dma_wait3A_2079 = tpu.memref_slice %arg13[%dma_wait3A_2078] : memref<512xf32, #tpu.memory_space<vmem>> -> memref<64xf32, #tpu.memory_space<vmem>>
    tpu.wait_dma2 semaphore(%arg14 : memref<!tpu.dma_semaphore, #tpu.memory_space<semaphore_mem>>) src(%dma_wait3A_2079 : memref<64xf32, #tpu.memory_space<vmem>>) dst(%dma_wait3A_2077 : memref<64xf32, #tpu.memory_space<hbm>>)
    %dma_wait3A_2080 = arith.constant 64 : i32
    %dma_wait3A_2081 = tpu.memref_slice %arg13[%dma_wait3A_2080] : memref<512xf32, #tpu.memory_space<vmem>> -> memref<64xf32, #tpu.memory_space<vmem>>
    %dma_wait3A_2082 = tpu.memref_slice %arg7[%add3A_819] : memref<16384xf32, #tpu.memory_space<hbm>> -> memref<64xf32, #tpu.memory_space<hbm>>
    %dma_wait3A_2083 = tpu.memref_slice %arg7[%add3A_819] : memref<16384xf32, #tpu.memory_space<hbm>> -> memref<64xf32, #tpu.memory_space<hbm>>
    %dma_wait3A_2084 = arith.constant 64 : i32
    %dma_wait3A_2085 = tpu.memref_slice %arg13[%dma_wait3A_2084] : memref<512xf32, #tpu.memory_space<vmem>> -> memref<64xf32, #tpu.memory_space<vmem>>
    tpu.wait_dma2 semaphore(%arg14 : memref<!tpu.dma_semaphore, #tpu.memory_space<semaphore_mem>>) src(%dma_wait3A_2085 : memref<64xf32, #tpu.memory_space<vmem>>) dst(%dma_wait3A_2083 : memref<64xf32, #tpu.memory_space<hbm>>)
    %dma_wait3A_2086 = arith.constant 128 : i32
    %dma_wait3A_2087 = tpu.memref_slice %arg13[%dma_wait3A_2086] : memref<512xf32, #tpu.memory_space<vmem>> -> memref<128xf32, #tpu.memory_space<vmem>>
    %dma_wait3A_2088 = tpu.memref_slice %arg7[%add3A_1235] : memref<16384xf32, #tpu.memory_space<hbm>> -> memref<128xf32, #tpu.memory_space<hbm>>
    %dma_wait3A_2089 = tpu.memref_slice %arg7[%add3A_1235] : memref<16384xf32, #tpu.memory_space<hbm>> -> memref<128xf32, #tpu.memory_space<hbm>>
    %dma_wait3A_2090 = arith.constant 128 : i32
    %dma_wait3A_2091 = tpu.memref_slice %arg13[%dma_wait3A_2090] : memref<512xf32, #tpu.memory_space<vmem>> -> memref<128xf32, #tpu.memory_space<vmem>>
    tpu.wait_dma2 semaphore(%arg14 : memref<!tpu.dma_semaphore, #tpu.memory_space<semaphore_mem>>) src(%dma_wait3A_2091 : memref<128xf32, #tpu.memory_space<vmem>>) dst(%dma_wait3A_2089 : memref<128xf32, #tpu.memory_space<hbm>>)
    %dma_wait3A_2092 = arith.constant 256 : i32
    %dma_wait3A_2093 = tpu.memref_slice %arg13[%dma_wait3A_2092] : memref<512xf32, #tpu.memory_space<vmem>> -> memref<128xf32, #tpu.memory_space<vmem>>
    %dma_wait3A_2094 = tpu.memref_slice %arg7[%add3A_1651] : memref<16384xf32, #tpu.memory_space<hbm>> -> memref<128xf32, #tpu.memory_space<hbm>>
    %dma_wait3A_2095 = tpu.memref_slice %arg7[%add3A_1651] : memref<16384xf32, #tpu.memory_space<hbm>> -> memref<128xf32, #tpu.memory_space<hbm>>
    %dma_wait3A_2096 = arith.constant 256 : i32
    %dma_wait3A_2097 = tpu.memref_slice %arg13[%dma_wait3A_2096] : memref<512xf32, #tpu.memory_space<vmem>> -> memref<128xf32, #tpu.memory_space<vmem>>
    tpu.wait_dma2 semaphore(%arg14 : memref<!tpu.dma_semaphore, #tpu.memory_space<semaphore_mem>>) src(%dma_wait3A_2097 : memref<128xf32, #tpu.memory_space<vmem>>) dst(%dma_wait3A_2095 : memref<128xf32, #tpu.memory_space<hbm>>)
    %dma_wait3A_2098 = arith.constant 384 : i32
    %dma_wait3A_2099 = tpu.memref_slice %arg13[%dma_wait3A_2098] : memref<512xf32, #tpu.memory_space<vmem>> -> memref<128xf32, #tpu.memory_space<vmem>>
    %dma_wait3A_2100 = tpu.memref_slice %arg7[%add3A_2067] : memref<16384xf32, #tpu.memory_space<hbm>> -> memref<128xf32, #tpu.memory_space<hbm>>
    %dma_wait3A_2101 = tpu.memref_slice %arg7[%add3A_2067] : memref<16384xf32, #tpu.memory_space<hbm>> -> memref<128xf32, #tpu.memory_space<hbm>>
    %dma_wait3A_2102 = arith.constant 384 : i32
    %dma_wait3A_2103 = tpu.memref_slice %arg13[%dma_wait3A_2102] : memref<512xf32, #tpu.memory_space<vmem>> -> memref<128xf32, #tpu.memory_space<vmem>>
    tpu.wait_dma2 semaphore(%arg14 : memref<!tpu.dma_semaphore, #tpu.memory_space<semaphore_mem>>) src(%dma_wait3A_2103 : memref<128xf32, #tpu.memory_space<vmem>>) dst(%dma_wait3A_2101 : memref<128xf32, #tpu.memory_space<hbm>>)
    return
  }
}

</mosaic_0001>

<sc_bundles>
// kernel: _irt_sc.3.cloned.1.call-start
scs
__scs_entry_jumppad:
0x0: {  	(pc) =	sbr.rel $0x88, $3  }
0x1: {  	(tag) =	ssettag $0x0;
	lr =	simm.s32 $0x1  }
0x2: {  	[smem:$0x3F9C] =	sst lr;
	_ =	strace $0xD0000000  }
0x3: {  	_ = 	snop  }
0x4: {  	_ = 	snop  }
0x5: {  	_ = 	snop  }
0x6: {  	_ = 	snop  }
0x7: {  	_ = 	snop  }
__scs_overlays_trampoline_lowered:
0x8: {  	[smem:$0x3FAB] =	sst s0  }
0x9: {  	[smem:$0x3FAC] =	sst s1  }
0xa: {  	[smem:$0x3FAD] =	sst s2  }
0xb: {  	[smem:$0x3FAE] =	sst s3  }
0xc: {  	[smem:$0x3FAF] =	sst s4  }
0xd: {  	[smem:$0x3FB0] =	sst s5  }
0xe: {  	[smem:$0x3FB1] =	sst s6  }
0xf: {  	[smem:$0x3FB2] =	sst s7  }
0x10: {  	[smem:$0x3FB3] =	sst s8  }
0x11: {  	[smem:$0x3FB4] =	sst s9;
	s0 =	simm.s32 @!p0 $0x0  }
0x12: {  	s1 =	sld [smem:$0x3F9A];
	s0 =	simm.s32 @p0 $0x1  }
0x13: {  	[smem:$0x3FB5] =	sst s0;
	s0 =	simm.s32 @!p1 $0x0  }
0x14: {  	s2 =	sld [smem:$0x3F99];
	s0 =	simm.s32 @p1 $0x1  }
0x15: {  	[smem:$0x3FB6] =	sst s0;
	s0 =	simm.s32 @!p2 $0x0  }
0x16: {  	s3 =	sld [smem:$0x3FDB];
	s0 =	simm.s32 @p2 $0x1  }
0x17: {  	s4 =	simm.s32 $0x1BF5;
	[smem:$0x3FB8] =	sst s0  }
0x18: {  	s0 =	sld [smem:$0x3F9B];
	_ =	swait.ge [sflag:s4], $0x0  }
0x19: {  	s7 =	sld [smem:$0x3F9C]  }
0x1a: {  	s8 =	sadd.s32 $0xFFFFE003, lr  }
0x1b: {  	s9 =	sadd.s32 $0xFFFFFEF7, lr;
	s5 =	simm.s32 $0xFFFFFFFF;
	p2 =	slt.u32 s8, $0xFFFFF086  }
0x1c: {  	p1 =	slt.u32 s9, $0xF7A;
	s5 =	simm.s32 @!p2 $0x0  }
0x1d: {  	s5 =	simm.s32 @p1 $0x1;
	p0 =	seq.s32 s7, s2  }
0x1e: {  	s7 =	smul.u32 @!p0 $0xF7A, s2;
	p2 =	seq.s32 @!p0 s5, $0x0  }
0x1f: {  	s9 =	smul.u32 $0xF7A, s1;
	s8 =	simm.s32 @!p0 $0x1BF5;
	p2 =	por !p2, p0  }
0x20: {  	[sflag:s8] =	ssyncset.s32 @!p0 $0xFFFFF086;
	s6 =	sadd.s32 @!p0 s3, s7;
	s7 =	simm.s32 @!p0 $0x108  }
0x21: {  	s3 =	sadd.s32 s3, s9;
	s6 =	sadd.s32 @!p0 $0x88, s6;
	s7 =	simm.s32 @p2 $0x1082  }
0x22: {  	[simem:s7], [sflag:s8] =	dma.local @!p0 [hbm:s6], $0xF7A  }
0x23: {  	s9 =	sor.u32 $0xD0000000, s2;
	s6 =	simm.s32 $0x108;
	_ =	swait.ge @!p0 [sflag:s8], $0x0  }
0x24: {  	s3 =	sadd.s32 $0x88, s3;
	s6 =	simm.s32 @!p1 $0x1082;
	[sflag:s4] =	ssyncset.s32 $0xFFFFF086  }
0x25: {  	[simem:s6], [sflag:s4] =	dma.local [hbm:s3], $0xF7A  }
0x26: {  	[smem:$0x3F9C] =	sst s1;
	(tag) =	ssettag s2;
	_ =	strace s9  }
0x27: {  	s1 =	sld [smem:$0x3FAC]  }
0x28: {  	s2 =	sld [smem:$0x3FAD]  }
0x29: {  	s4 =	sld [smem:$0x3FAF]  }
0x2a: {  	p0 =	seq.s32 s5, $0x0;
	s5 =	sld [smem:$0x3FB0]  }
0x2b: {  	s6 =	sld [smem:$0x3FB1]  }
0x2c: {  	s7 =	sld [smem:$0x3FB2]  }
0x2d: {  	s3 =	simm.s32 $0x108;
	s8 =	sld [smem:$0x3FB3]  }
0x2e: {  	s3 =	simm.s32 @!p0 $0x1082;
	s9 =	sld [smem:$0x3FB4]  }
0x2f: {  	lr =	sadd.s32 s0, s3;
	s0 =	sld [smem:$0x3FAB]  }
0x30: {  	s3 =	sld [smem:$0x3FAE]  }
0x31: {  	[smem:$0x3FB7] =	sst s10  }
0x32: {  	s10 =	sld [smem:$0x3FB5];
	_ =	sdelay $0x3  }
0x33: {  	p0 =	seq.s32 s10, $0x1;
	s10 =	sld [smem:$0x3FB7];
	_ =	sdelay $0x3  }
0x34: {  	[smem:$0x3FB7] =	sst s10  }
0x35: {  	s10 =	sld [smem:$0x3FB6];
	_ =	sdelay $0x3  }
0x36: {  	p1 =	seq.s32 s10, $0x1;
	s10 =	sld [smem:$0x3FB7];
	_ =	sdelay $0x3  }
0x37: {  	[smem:$0x3FB7] =	sst s10  }
0x38: {  	s10 =	sld [smem:$0x3FB8]  }
0x39: {  	_ = 	snop;
	(pc) =	sbr.ind lr, $3  }
0x3a: {  	_ = 	snop  }
0x3b: {  	_ = 	snop  }
0x3c: {  	p2 =	seq.s32 s10, $0x1;
	s10 =	sld [smem:$0x3FB7]  }
0x3d: {  	_ =	shalt  }
0x3e: {  	_ =	shalt  }
0x3f: {  	_ =	shalt  }
0x40: {  	_ =	shalt  }
0x41: {  	_ =	shalt  }
0x42: {  	_ =	shalt  }
0x43: {  	_ =	shalt  }
0x44: {  	_ =	shalt  }
0x45: {  	_ =	shalt  }
0x46: {  	_ =	shalt  }
0x47: {  	_ =	shalt  }
0x48: {  	_ =	shalt  }
0x49: {  	_ =	shalt  }
0x4a: {  	_ =	shalt  }
0x4b: {  	_ =	shalt  }
0x4c: {  	_ =	shalt  }
0x4d: {  	_ =	shalt  }
0x4e: {  	_ =	shalt  }
0x4f: {  	_ =	shalt  }
0x50: {  	_ =	shalt  }
0x51: {  	_ =	shalt  }
0x52: {  	_ =	shalt  }
0x53: {  	_ =	shalt  }
0x54: {  	_ =	shalt  }
0x55: {  	_ =	shalt  }
0x56: {  	_ =	shalt  }
0x57: {  	_ =	shalt  }
0x58: {  	_ =	shalt  }
0x59: {  	_ =	shalt  }
0x5a: {  	_ =	shalt  }
0x5b: {  	_ =	shalt  }
0x5c: {  	_ =	shalt  }
0x5d: {  	_ =	shalt  }
0x5e: {  	_ =	shalt  }
0x5f: {  	_ =	shalt  }
0x60: {  	_ =	shalt  }
0x61: {  	_ =	shalt  }
0x62: {  	_ =	shalt  }
0x63: {  	_ =	shalt  }
0x64: {  	_ =	shalt  }
0x65: {  	_ =	shalt  }
0x66: {  	_ =	shalt  }
0x67: {  	_ =	shalt  }
0x68: {  	_ =	shalt  }
0x69: {  	_ =	shalt  }
0x6a: {  	_ =	shalt  }
0x6b: {  	_ =	shalt  }
0x6c: {  	_ =	shalt  }
0x6d: {  	_ =	shalt  }
0x6e: {  	_ =	shalt  }
0x6f: {  	_ =	shalt  }
0x70: {  	_ =	shalt  }
0x71: {  	_ =	shalt  }
0x72: {  	_ =	shalt  }
0x73: {  	_ =	shalt  }
0x74: {  	_ =	shalt  }
0x75: {  	_ =	shalt  }
0x76: {  	_ =	shalt  }
0x77: {  	_ =	shalt  }
0x78: {  	_ =	shalt  }
0x79: {  	_ =	shalt  }
0x7a: {  	_ =	shalt  }
0x7b: {  	_ =	shalt  }
0x7c: {  	_ =	shalt  }
0x7d: {  	_ =	shalt  }
0x7e: {  	_ =	shalt  }
0x7f: {  	_ =	shalt  }
0x80: {  	_ =	shalt  }
0x81: {  	_ =	shalt  }
0x82: {  	_ =	shalt  }
0x83: {  	_ =	shalt  }
0x84: {  	_ =	shalt  }
0x85: {  	_ =	shalt  }
0x86: {  	_ =	shalt  }
0x87: {  	_ =	shalt  }
.Lfunc_end0:
.L_simem_size_0:
called_computation_lowered:
.L_overlay_start_0:
0x88: {  	s2 =	sld [smem:$0x3FD9]  }
0x89: {  	s3 =	sld [smem:$0x3FFE];
	_ =	sdelay $0x1  }
0x8a: {  	s1 =	srdreg.scid  }
0x8b: {  	s0 =	sand.u32 $0x1, s1  }
0x8c: {  	s18 =	sshll.u32 s0, $0xA;
	s2 =	sadd.s32 s3, s2  }
0x8d: {  	s2 =	sadd.s32 s2, s18  }
0x8e: {  	[smem:$0x3FC3] =	sst s2  }
0x8f: {  	_ = 	snop  }
0x90: {  	s2 =	sld [smem:$0x3FC9]  }
0x91: {  	s19 =	sld [smem:$0x3FC8]  }
0x92: {  	s4 =	sld [smem:$0x3FC7]  }
0x93: {  	s5 =	sld [smem:$0x3FC6]  }
0x94: {  	s6 =	sld [smem:$0x3FC5]  }
0x95: {  	s7 =	sld [smem:$0x3FD0];
	(tm) =	ssettm $0x1  }
0x96: {  	s8 =	sld [smem:$0x3FFB];
	_ =	sdelay $0x3  }
0x97: {  	_ =	strace s8  }
0x98: {  	s8 =	sld [smem:$0x3FFC];
	_ =	sdelay $0x3  }
0x99: {  	_ =	strace s8  }
0x9a: {  	s8 =	sld [smem:$0x3FFD];
	_ =	sdelay $0x3  }
0x9b: {  	_ =	strace s8  }
0x9c: {  	_ =	strace $0x8FFFFFFF  }
0x9d: {  	s20 =	sld [smem:$0x3FDB];
	_ =	sdelay $0x1  }
0x9e: {  	s9 =	simm.s32 $_scs_section_size  }
0x9f: {  	s10 =	simm.s32 $_size__tile_overlayer_lowered;
	s11 =	simm.s32 $_tile_overlayer_lowered  }
0xa0: {  	s23 =	simm.s32 $0x1BFF;
	s22 =	sshll.u32 s11, $0x1;
	s8 =	sadd.s32 s9, s20  }
0xa1: {  	s12 =	simm.s32 $0x0;
	s21 =	sshll.u32 s10, $0x1;
	s10 =	sadd.s32 s22, s8  }
0xa2: {  	[timem:s12], [sflag:s23] =	dma.local [hbm:s10], s21  }
0xa3: {  	_ =	swait.ge [sflag:s23], s21  }
0xa4: {  	s9 =	ssub.s32 $0x0, s21;
	[sflag:s23] =	ssyncset.done $0x0  }
0xa5: {  	[sflag:s23] =	ssyncadd.s32 s9;
	_ =	sdelay $0x1  }
0xa6: {  	s24 =	simm.s32 $0x1B8B  }
0xa7: {  	_ =	swait.ge [sflag:s24], $0x1  }
0xa8: {  	[sflag:s24] =	ssyncset.done $0x0  }
0xa9: {  	s25 =	simm.s32 $0x1B8E;
	[sflag:s24] =	ssyncadd.s32 $0xFFFFFFFF  }
0xaa: {  	s26 =	simm.s32 $execute0_lowered;
	[smem:$0x3FD2] =	sst s25  }
0xab: {  	s9 =	sshll.u32 s26, $0x1;
	_ =	strace $0x80000046;
	[dreg:$0x1] =	wrdreg $0xFFFFFFFF  }
0xac: {  	s28 =	simm.s32 $_size_execute0_lowered;
	s8 =	sadd.s32 s8, s9;
	[dreg:$0x0] =	wrdreg $0x0  }
0xad: {  	s9 =	sshll.u32 s28, $0x1;
	[dreg:$0x2] =	wrdreg s8  }
0xae: {  	[dreg:$0x3] =	wrdreg s9  }
0xaf: {  	[dreg:$0x4] =	wrdreg $0xC0  }
0xb0: {  	_ =	task [dreg:s12], $0x5FFFF  }
0xb1: {  	[dreg:$0x1] =	wrdreg $0xFFFFFFFF  }
0xb2: {  	[dreg:$0x0] =	wrdreg $0x60  }
0xb3: {  	[dreg:$0x2] =	wrdreg s2  }
0xb4: {  	[dreg:$0x3] =	wrdreg s19  }
0xb5: {  	[dreg:$0x4] =	wrdreg s4  }
0xb6: {  	[dreg:$0x5] =	wrdreg s5  }
0xb7: {  	[dreg:$0x6] =	wrdreg s6  }
0xb8: {  	[dreg:$0x7] =	wrdreg s7  }
0xb9: {  	[dreg:$0x8] =	wrdreg $0x9  }
0xba: {  	_ =	task.clear_ibuf [dreg:s12], $0x9FFFF;
	_ =	strace $0x90000046  }
0xbb: {  	s29 =	simm.s32 $0x9;
	_ =	strace $0x80000048  }
0xbc: {  	_ =	swait.ge [sflag:s29], $0x1  }
0xbd: {  	[sflag:s29] =	ssyncadd.s32 $0xFFFFFFFF  }
0xbe: {  	_ =	strace $0x90000048  }
0xbf: {  	_ =	sfence  }
0xc0: {  	s30 =	sld [smem:$0x0];
	_ =	sdelay $0x2  }
0xc1: {  	s31 =	sshll.u32 s1, $0xD;
	s1 =	sshrl.u32 s1, $0x2  }
0xc2: {  	s3 =	sand.u32 $0x4000, s31;
	s1 =	sadd.s32 s1, s30  }
0xc3: {  	s0 =	sor.u32 s3, s0;
	s1 =	sshll.u32 s1, $0x11  }
0xc4: {  	s0 =	sor.u32 s1, s0  }
0xc5: {  	s0 =	sadd.s32 $0x8F2B, s0  }
0xc6: {  	[sflag:s0] =	ssyncadd.remote.s32 $0x1  }
0xc7: {  	_ =	sfence.sel $0xFFFF  }
0xc8: {  	[dreg:$0x0] =	wrdreg $0xFFFFFFFF;
	(pc) =	sbr.abs _section_cstart, $3  }
0xc9: {  	[dreg:$0x1] =	wrdreg $0xFFFFFFFF  }
0xca: {  	_ =	task.clear_ibuf [dreg:s12], $0x2FFFF;
	_ =	strace $0x9FFFFFFF  }
0xcb: {  	(tm) =	ssettm $0x7FFFFFFF  }
tec
execute0_lowered:
.L_overlay_start_1:
0x0: {  	(tag) =	ssettag $0x1  }
0x1: {  	s0 =	rddreg [dreg:$0x0]  }
0x2: {  	s6 =	rddreg [dreg:$0x1]  }
0x3: {  	s1 =	rddreg [dreg:$0x2]  }
0x4: {  	s2 =	rddreg [dreg:$0x3]  }
0x5: {  	s4 =	rddreg [dreg:$0x4]  }
0x6: {  	s7 =	rddreg [dreg:$0x5];
	s5 =	srdreg.scid  }
0x7: {  	s3 =	stileid.u32;
	s14 =	simm.s32 $0x800;
	s15 =	simm.s32 $0x440  }
0x8: {  	s16 =	simm.s32 $0x640;
	s8 =	sand.u32 $0x1, s5;
	s5 =	simm.s32 $0x0  }
0x9: {  	s17 =	simm.s32 $0x840;
	s28 =	simm.s32 $0x9;
	[smem:$0x7FF] =	sst s5  }
0xa: {  	s29 =	simm.s32 $0xB00;
	_ =	strace $0x80000047;
	[dreg:$0x15] =	wrdreg s14  }
0xb: {  	s9 =	sshll.u32 s3, $0x7;
	s10 =	sshll.u32 s8, $0x6;
	[dreg:$0x16] =	wrdreg s15  }
0xc: {  	s30 =	simm.s32 $0xA;
	s9 =	sor.u32 s10, s9;
	[dreg:$0x17] =	wrdreg s16  }
0xd: {  	s31 =	simm.s32 $0xB80;
	[dreg:$0x18] =	wrdreg s17;
	s10 =	sadd.s32 s0, s9  }
0xe: {  	s18 =	sadd.s32 s6, s9;
	s11 =	sor.u32 $0x10, s9;
	[dreg:$0x7] =	wrdreg s10  }
0xf: {  	s8 =	ssub.s32 $0x2, s8;
	[dreg:$0x8] =	wrdreg s18;
	s19 =	sadd.s32 s0, s11  }
0x10: {  	s12 =	sor.u32 $0x20, s9;
	s20 =	sadd.s32 s6, s11;
	[dreg:$0x9] =	wrdreg s19  }
0x11: {  	s3 =	sshrl.u32 s8, $0x1;
	s21 =	sadd.s32 s0, s12;
	[dreg:$0xa] =	wrdreg s20  }
0x12: {  	s13 =	sor.u32 $0x30, s9;
	s22 =	sadd.s32 s6, s12;
	[dreg:$0xb] =	wrdreg s21  }
0x13: {  	s14 =	simm.s32 $0x380;
	s0 =	sadd.s32 s0, s13;
	[dreg:$0xc] =	wrdreg s22  }
0x14: {  	s15 =	simm.s32 $0x2;
	s23 =	sadd.s32 s6, s13;
	[dreg:$0xd] =	wrdreg s0  }
0x15: {  	s16 =	simm.s32 $0x40;
	s25 =	sadd.s32 s7, s11;
	[dreg:$0xe] =	wrdreg s23  }
0x16: {  	s17 =	simm.s32 $0x240;
	s26 =	sadd.s32 s7, s12;
	[dreg:$0x10] =	wrdreg s25  }
0x17: {  	s6 =	sadd.s32 s7, s9;
	s10 =	sadd.s32 s7, s13;
	[dreg:$0x11] =	wrdreg s26  }
0x18: {  	s11 =	ssub.s32 s8, s3;
	s12 =	simm.s32 $0x400;
	[dreg:$0x12] =	wrdreg s10  }
0x19: {  	s13 =	simm.s32 $0x600;
	s8 =	simm.s32 $0x200;
	[dreg:$0x13] =	wrdreg s12  }
0x1a: {  	s9 =	simm.s32 $0x80;
	s18 =	simm.s32 $0x480;
	[dreg:$0x14] =	wrdreg s13  }
0x1b: {  	s24 =	sadd.s32 $0x8, s6;
	s7 =	smax.u32 s11, $0x1;
	[dreg:$0x19] =	wrdreg s18  }
0x1c: {  	s10 =	simm.s32 $0x280;
	s19 =	simm.s32 $0x680;
	[dreg:$0xf] =	wrdreg s24  }
0x1d: {  	s11 =	simm.s32 $0x100;
	s20 =	simm.s32 $0x880;
	[dreg:$0x1a] =	wrdreg s19  }
0x1e: {  	s12 =	simm.s32 $0x300;
	s21 =	simm.s32 $0x500;
	[dreg:$0x1b] =	wrdreg s20  }
0x1f: {  	s13 =	simm.s32 $0x180;
	s22 =	simm.s32 $0x700;
	[dreg:$0x1c] =	wrdreg s21  }
0x20: {  	s23 =	simm.s32 $0x900;
	s18 =	simm.s32 $0x3;
	[dreg:$0x1d] =	wrdreg s22  }
0x21: {  	s25 =	simm.s32 $0x780;
	s26 =	simm.s32 $0x980;
	[dreg:$0x1e] =	wrdreg s23  }
0x22: {  	s0 =	simm.s32 $0x1;
	s24 =	simm.s32 $0x580;
	[smem:$0x7FC] =	sst s25  }
0x23: {  	s19 =	simm.s32 $0x4;
	s20 =	simm.s32 $0x5;
	[smem:$0x7FD] =	sst s26  }
0x24: {  	s21 =	simm.s32 $0x6;
	s23 =	simm.s32 $0x7;
	s25 =	simm.s32 $0x8  }
0x25: {  	s26 =	simm.s32 $0xA80;
	[dreg:$0x1f] =	wrdreg s24;
	s24 =	simm.s32 $0xA40  }
.LBB2_1:
0x26: {  	s3 =	rddreg [dreg:$0x7]  }
0x27: {  	[tilespmem:s5], [sflag:$0x2] =	stream.linear.gather [hbm4b:s3+s5], $0x80, $0x38;
	[tilespmem:$0xC00] =	vst v63  }
0x28: {  	s22 =	rddreg [dreg:$0x8]  }
0x29: {  	[tilespmem:s8], [sflag:$0x2] =	stream.linear.gather [hbm4b:s22+s5], $0x80, $0x38;
	[tilespmem:$0xC00] =	vst v63  }
0x2a: {  	s3 =	rddreg [dreg:$0x9]  }
0x2b: {  	[tilespmem:s9], [sflag:$0x3] =	stream.linear.gather [hbm4b:s3+s5], $0x80, $0x38;
	[tilespmem:$0xC00] =	vst v63  }
0x2c: {  	s22 =	rddreg [dreg:$0xa]  }
0x2d: {  	[tilespmem:s10], [sflag:$0x3] =	stream.linear.gather [hbm4b:s22+s5], $0x80, $0x38;
	[tilespmem:$0xC00] =	vst v63  }
0x2e: {  	s3 =	rddreg [dreg:$0xb]  }
0x2f: {  	[tilespmem:s11], [sflag:$0x4] =	stream.linear.gather [hbm4b:s3+s5], $0x80, $0x38;
	[tilespmem:$0xC00] =	vst v63  }
0x30: {  	s22 =	rddreg [dreg:$0xc]  }
0x31: {  	[tilespmem:s12], [sflag:$0x4] =	stream.linear.gather [hbm4b:s22+s5], $0x80, $0x38;
	[tilespmem:$0xC00] =	vst v63  }
0x32: {  	s3 =	rddreg [dreg:$0xd]  }
0x33: {  	[tilespmem:s13], [sflag:$0x5] =	stream.linear.gather [hbm4b:s3+s5], $0x80, $0x38;
	[tilespmem:$0xC00] =	vst v63  }
0x34: {  	s22 =	rddreg [dreg:$0xe]  }
0x35: {  	[tilespmem:s14], [sflag:$0x5] =	stream.linear.gather [hbm4b:s22+s5], $0x80, $0x38;
	[tilespmem:$0xC00] =	vst v63  }
0x36: {  	_ =	swait.ge [sflag:s15], $0x80  }
0x37: {  	[sflag:s15] =	ssyncset.done $0x0  }
0x38: {  	[sflag:s15] =	ssyncadd.s32 $0xFFFFFF80  }
0x39: {  	_ =	swait.ge [sflag:s15], $0x80  }
0x3a: {  	[sflag:s15] =	ssyncset.done $0x0  }
0x3b: {  	s3 =	rddreg [dreg:$0x13];
	[sflag:s15] =	ssyncadd.s32 $0xFFFFFF80  }
0x3c: {  	[tilespmem:s3], [sflag:$0x6] =	stream.indirect.gather [hbm4b:s1+s16], $0x1, s5, s16, $0xb8;
	[tilespmem:$0xC00] =	vst v63  }
0x3d: {  	s22 =	rddreg [dreg:$0x14]  }
0x3e: {  	[tilespmem:s22], [sflag:$0x6] =	stream.indirect.gather [hbm4b:s2+s16], $0x1, s8, s16, $0xb8;
	[tilespmem:$0xC00] =	vst v63  }
0x3f: {  	s3 =	rddreg [dreg:$0x15]  }
0x40: {  	[tilespmem:s3], [sflag:$0x6] =	stream.indirect.gather [hbm4b:s4+s16], $0x1, s8, s16, $0xb8;
	[tilespmem:$0xC00] =	vst v63  }
0x41: {  	s22 =	rddreg [dreg:$0x16]  }
0x42: {  	[tilespmem:s22], [sflag:$0x7] =	stream.indirect.gather [hbm4b:s1+s16], $0x1, s16, s16, $0xb8;
	[tilespmem:$0xC00] =	vst v63  }
0x43: {  	s3 =	rddreg [dreg:$0x17]  }
0x44: {  	[tilespmem:s3], [sflag:$0x7] =	stream.indirect.gather [hbm4b:s2+s16], $0x1, s17, s16, $0xb8;
	[tilespmem:$0xC00] =	vst v63  }
0x45: {  	s22 =	rddreg [dreg:$0x18]  }
0x46: {  	[tilespmem:s22], [sflag:$0x7] =	stream.indirect.gather [hbm4b:s4+s16], $0x1, s17, s16, $0xb8;
	[tilespmem:$0xC00] =	vst v63  }
0x47: {  	_ =	swait.ge [sflag:s18], $0x80  }
0x48: {  	[sflag:s18] =	ssyncset.done $0x0  }
0x49: {  	[sflag:s18] =	ssyncadd.s32 $0xFFFFFF80  }
0x4a: {  	_ =	swait.ge [sflag:s18], $0x80  }
0x4b: {  	[sflag:s18] =	ssyncset.done $0x0  }
0x4c: {  	s3 =	rddreg [dreg:$0x19];
	[sflag:s18] =	ssyncadd.s32 $0xFFFFFF80  }
0x4d: {  	[tilespmem:s3], [sflag:$0x8] =	stream.indirect.gather [hbm4b:s1+s9], $0x1, s9, s9, $0xb8;
	[tilespmem:$0xC00] =	vst v63  }
0x4e: {  	s22 =	rddreg [dreg:$0x1a]  }
0x4f: {  	[tilespmem:s22], [sflag:$0x8] =	stream.indirect.gather [hbm4b:s2+s9], $0x1, s10, s9, $0xb8;
	[tilespmem:$0xC00] =	vst v63  }
0x50: {  	s3 =	rddreg [dreg:$0x1b]  }
0x51: {  	[tilespmem:s3], [sflag:$0x8] =	stream.indirect.gather [hbm4b:s4+s9], $0x1, s10, s9, $0xb8;
	[tilespmem:$0xC00] =	vst v63  }
0x52: {  	_ =	swait.ge [sflag:s19], $0x80  }
0x53: {  	[sflag:s19] =	ssyncset.done $0x0  }
0x54: {  	[sflag:s19] =	ssyncadd.s32 $0xFFFFFF80  }
0x55: {  	_ =	swait.ge [sflag:s19], $0x80  }
0x56: {  	[sflag:s19] =	ssyncset.done $0x0  }
0x57: {  	s3 =	rddreg [dreg:$0x1c];
	[sflag:s19] =	ssyncadd.s32 $0xFFFFFF80  }
0x58: {  	[tilespmem:s3], [sflag:$0x9] =	stream.indirect.gather [hbm4b:s1+s9], $0x1, s11, s9, $0xb8;
	[tilespmem:$0xC00] =	vst v63  }
0x59: {  	s22 =	rddreg [dreg:$0x1d]  }
0x5a: {  	[tilespmem:s22], [sflag:$0x9] =	stream.indirect.gather [hbm4b:s2+s9], $0x1, s12, s9, $0xb8;
	[tilespmem:$0xC00] =	vst v63  }
0x5b: {  	s3 =	rddreg [dreg:$0x1e]  }
0x5c: {  	[tilespmem:s3], [sflag:$0x9] =	stream.indirect.gather [hbm4b:s4+s9], $0x1, s12, s9, $0xb8;
	[tilespmem:$0xC00] =	vst v63  }
0x5d: {  	_ =	swait.ge [sflag:s20], $0x80  }
0x5e: {  	[sflag:s20] =	ssyncset.done $0x0  }
0x5f: {  	[sflag:s20] =	ssyncadd.s32 $0xFFFFFF80  }
0x60: {  	_ =	swait.ge [sflag:s20], $0x80  }
0x61: {  	s3 =	rddreg [dreg:$0x1f];
	[sflag:s20] =	ssyncset.done $0x0  }
0x62: {  	s22 =	sld [smem:$0x7FC];
	[sflag:s20] =	ssyncadd.s32 $0xFFFFFF80  }
0x63: {  	[tilespmem:s3], [sflag:$0xA] =	stream.indirect.gather [hbm4b:s1+s9], $0x1, s13, s9, $0xb8;
	[tilespmem:$0xC00] =	vst v63  }
0x64: {  	s3 =	sld [smem:$0x7FD]  }
0x65: {  	[tilespmem:s22], [sflag:$0xA] =	stream.indirect.gather [hbm4b:s2+s9], $0x1, s14, s9, $0xb8;
	[tilespmem:$0xC00] =	vst v63  }
0x66: {  	_ = 	snop  }
0x67: {  	[tilespmem:s3], [sflag:$0xA] =	stream.indirect.gather [hbm4b:s4+s9], $0x1, s14, s9, $0xb8;
	[tilespmem:$0xC00] =	vst v63  }
0x68: {  	_ =	swait.ge [sflag:s21], $0x40  }
0x69: {  	[sflag:s21] =	ssyncset.done $0x0  }
0x6a: {  	[sflag:s21] =	ssyncadd.s32 $0xFFFFFFC0  }
0x6b: {  	_ =	swait.ge [sflag:s21], $0x40  }
0x6c: {  	[sflag:s21] =	ssyncset.done $0x0  }
0x6d: {  	[sflag:s21] =	ssyncadd.s32 $0xFFFFFFC0  }
0x6e: {  	_ =	swait.ge [sflag:s21], $0x40  }
0x6f: {  	[sflag:s21] =	ssyncset.done $0x0  }
0x70: {  	[sflag:s21] =	ssyncadd.s32 $0xFFFFFFC0  }
0x71: {  	v0 =	vld [tilespmem:$0x400]  }
0x72: {  	v1 =	vld [tilespmem:$0x600]  }
0x73: {  	v2 =	vld [tilespmem:$0x800];
	_ =	sdelay $0x2  }
0x74: {  	v0 =	vsub.f32 $0.0e+00, v0  }
0x75: {  	v1 =	vsub.f32 $0.0e+00, v1  }
0x76: {  	v2 =	vsub.f32 $0.0e+00, v2;
	v0 =	vmul.f32 $1.442695020e+00, v0  }
0x77: {  	v1 =	vmul.f32 $1.442695020e+00, v1  }
0x78: {  	v42 =	vmul.f32 $1.442695020e+00, v2;
	(erf) = vpow2.f32 v0  }
0x79: {  	(erf) = vpow2.f32 v1  }
0x7a: {  	(erf) = vpow2.f32 v42;
	_ =	sdelay $0x6  }
0x7b: {  	v43 =	vpop (erf)  }
0x7c: {  	v1 =	vpop (erf)  }
0x7d: {  	v44 =	vpop (erf)  }
0x7e: {  	v3 =	vadd.f32 $1.000000000e+00, v43;
	v2 =	vadd.f32 $1.000000000e+00, v44;
	_ =	sdelay $0x1  }
0x7f: {  	v45 =	vadd.f32 $1.000000000e+00, v1;
	v2 =	vmul.f32 v2, v3;
	_ =	sdelay $0x1  }
0x80: {  	v2 =	vmul.f32 v2, v45;
	_ =	sdelay $0x1  }
0x81: {  	(erf) = vrcp.f32 v2;
	_ =	sdelay $0x5  }
0x82: {  	v0 =	vsub.f32 v1, v43;
	_ =	sdelay $0x1  }
0x83: {  	v0 =	vmul.f32 $1.700000050e+00, v0  }
0x84: {  	v46 =	vpop (erf)  }
0x85: {  	v0 =	vmul.f32 v46, v0;
	_ =	sdelay $0x1  }
0x86: {  	v0 =	vsub.f32 $0.0e+00, v0;
	_ =	sdelay $0x1  }
0x87: {  	v0 =	vmul.f32 $1.442695020e+00, v0;
	_ =	sdelay $0x1  }
0x88: {  	(erf) = vpow2.f32 v0;
	_ =	sdelay $0x3  }
0x89: {  	v47 =	vld [tilespmem:$0x410]  }
0x8a: {  	v48 =	vld [tilespmem:$0x610]  }
0x8b: {  	v49 =	vld [tilespmem:$0x810];
	_ =	sdelay $0x2  }
0x8c: {  	v0 =	vsub.f32 $0.0e+00, v47;
	v50 =	vpop (erf)  }
0x8d: {  	v1 =	vsub.f32 $0.0e+00, v48;
	v3 =	vadd.f32 $1.000000000e+00, v50  }
0x8e: {  	v2 =	vsub.f32 $0.0e+00, v49;
	v0 =	vmul.f32 $1.442695020e+00, v0  }
0x8f: {  	v1 =	vmul.f32 $1.442695020e+00, v1;
	(erf) = vrcp.f32 v3  }
0x90: {  	v51 =	vmul.f32 $1.442695020e+00, v2;
	(erf) = vpow2.f32 v0  }
0x91: {  	(erf) = vpow2.f32 v1  }
0x92: {  	(erf) = vpow2.f32 v51;
	_ =	sdelay $0x5  }
0x93: {  	v52 =	vpop (erf)  }
0x94: {  	v53 =	vpop (erf)  }
0x95: {  	v54 =	vpop (erf)  }
0x96: {  	v55 =	vpop (erf)  }
0x97: {  	v4 =	vadd.f32 $1.000000000e+00, v53;
	v3 =	vadd.f32 $1.000000000e+00, v55;
	_ =	sdelay $0x1  }
0x98: {  	v56 =	vadd.f32 $1.000000000e+00, v54;
	v3 =	vmul.f32 v3, v4;
	_ =	sdelay $0x1  }
0x99: {  	v3 =	vmul.f32 v3, v56;
	_ =	sdelay $0x1  }
0x9a: {  	(erf) = vrcp.f32 v3;
	_ =	sdelay $0x5  }
0x9b: {  	v1 =	vsub.f32 v54, v53;
	_ =	sdelay $0x1  }
0x9c: {  	v1 =	vmul.f32 $1.700000050e+00, v1  }
0x9d: {  	v57 =	vpop (erf)  }
0x9e: {  	v1 =	vmul.f32 v57, v1;
	_ =	sdelay $0x1  }
0x9f: {  	v1 =	vsub.f32 $0.0e+00, v1;
	_ =	sdelay $0x1  }
0xa0: {  	v1 =	vmul.f32 $1.442695020e+00, v1;
	_ =	sdelay $0x1  }
0xa1: {  	(erf) = vpow2.f32 v1;
	_ =	sdelay $0x3  }
0xa2: {  	v58 =	vld [tilespmem:$0x420]  }
0xa3: {  	v59 =	vld [tilespmem:$0x620]  }
0xa4: {  	v60 =	vld [tilespmem:$0x820];
	_ =	sdelay $0x2  }
0xa5: {  	v1 =	vsub.f32 $0.0e+00, v58;
	v61 =	vpop (erf)  }
0xa6: {  	v2 =	vsub.f32 $0.0e+00, v59;
	v4 =	vadd.f32 $1.000000000e+00, v61  }
0xa7: {  	v3 =	vsub.f32 $0.0e+00, v60;
	v1 =	vmul.f32 $1.442695020e+00, v1  }
0xa8: {  	v2 =	vmul.f32 $1.442695020e+00, v2;
	(erf) = vrcp.f32 v4  }
0xa9: {  	v62 =	vmul.f32 $1.442695020e+00, v3;
	(erf) = vpow2.f32 v1  }
0xaa: {  	(erf) = vpow2.f32 v2  }
0xab: {  	(erf) = vpow2.f32 v62;
	_ =	sdelay $0x5  }
0xac: {  	v63 =	vpop (erf)  }
0xad: {  	v8 =	vpop (erf)  }
0xae: {  	v9 =	vpop (erf)  }
0xaf: {  	v10 =	vpop (erf)  }
0xb0: {  	v5 =	vadd.f32 $1.000000000e+00, v8;
	v4 =	vadd.f32 $1.000000000e+00, v10;
	_ =	sdelay $0x1  }
0xb1: {  	v11 =	vadd.f32 $1.000000000e+00, v9;
	v4 =	vmul.f32 v4, v5;
	_ =	sdelay $0x1  }
0xb2: {  	v4 =	vmul.f32 v4, v11;
	_ =	sdelay $0x1  }
0xb3: {  	(erf) = vrcp.f32 v4;
	_ =	sdelay $0x5  }
0xb4: {  	v2 =	vsub.f32 v9, v8;
	_ =	sdelay $0x1  }
0xb5: {  	v2 =	vmul.f32 $1.700000050e+00, v2  }
0xb6: {  	v12 =	vpop (erf)  }
0xb7: {  	v2 =	vmul.f32 v12, v2;
	_ =	sdelay $0x1  }
0xb8: {  	v2 =	vsub.f32 $0.0e+00, v2;
	_ =	sdelay $0x1  }
0xb9: {  	v2 =	vmul.f32 $1.442695020e+00, v2;
	_ =	sdelay $0x1  }
0xba: {  	(erf) = vpow2.f32 v2;
	_ =	sdelay $0x3  }
0xbb: {  	v13 =	vld [tilespmem:$0x430]  }
0xbc: {  	v14 =	vld [tilespmem:$0x630];
	_ =	sdelay $0x3  }
0xbd: {  	v2 =	vsub.f32 $0.0e+00, v13;
	v15 =	vpop (erf)  }
0xbe: {  	v3 =	vsub.f32 $0.0e+00, v14;
	v4 =	vadd.f32 $1.000000000e+00, v15  }
0xbf: {  	v2 =	vmul.f32 $1.442695020e+00, v2  }
0xc0: {  	v3 =	vmul.f32 $1.442695020e+00, v3;
	(erf) = vrcp.f32 v4  }
0xc1: {  	(erf) = vpow2.f32 v2  }
0xc2: {  	(erf) = vpow2.f32 v3  }
0xc3: {  	v16 =	vld [tilespmem:$0x830];
	_ =	sdelay $0x4  }
0xc4: {  	v2 =	vsub.f32 $0.0e+00, v16  }
0xc5: {  	[tilespmem:$0xA00] =	vst v52;
	v17 =	vpop (erf)  }
0xc6: {  	[tilespmem:$0xA10] =	vst v63;
	v2 =	vmul.f32 $1.442695020e+00, v2;
	v18 =	vpop (erf)  }
0xc7: {  	[tilespmem:$0xA20] =	vst v17;
	v19 =	vpop (erf)  }
0xc8: {  	(erf) = vpow2.f32 v2;
	_ =	sdelay $0x8  }
0xc9: {  	v2 =	vpop (erf)  }
0xca: {  	v20 =	vadd.f32 $1.000000000e+00, v18;
	v2 =	vadd.f32 $1.000000000e+00, v2;
	_ =	sdelay $0x1  }
0xcb: {  	v21 =	vadd.f32 $1.000000000e+00, v19;
	v2 =	vmul.f32 v2, v20;
	_ =	sdelay $0x1  }
0xcc: {  	v2 =	vmul.f32 v2, v21;
	_ =	sdelay $0x1  }
0xcd: {  	(erf) = vrcp.f32 v2;
	_ =	sdelay $0x5  }
0xce: {  	v0 =	vsub.f32 v19, v18;
	_ =	sdelay $0x1  }
0xcf: {  	v0 =	vmul.f32 $1.700000050e+00, v0  }
0xd0: {  	v22 =	vpop (erf)  }
0xd1: {  	v0 =	vmul.f32 v22, v0;
	_ =	sdelay $0x1  }
0xd2: {  	v0 =	vsub.f32 $0.0e+00, v0;
	_ =	sdelay $0x1  }
0xd3: {  	v0 =	vmul.f32 $1.442695020e+00, v0;
	_ =	sdelay $0x1  }
0xd4: {  	(erf) = vpow2.f32 v0;
	_ =	sdelay $0x8  }
0xd5: {  	v0 =	vpop (erf)  }
0xd6: {  	v0 =	vadd.f32 $1.000000000e+00, v0;
	_ =	sdelay $0x1  }
0xd7: {  	(erf) = vrcp.f32 v0;
	_ =	sdelay $0x8  }
0xd8: {  	v0 =	vpop (erf)  }
0xd9: {  	s22 =	simm.s32 $0xA00;
	[tilespmem:$0xA30] =	vst v0  }
0xda: {  	[hbm4b:s6+s5] =	stream.linear.scatter [tilespmem:s22], [sflag:$0x1], $0x40, $0x38;
	[tilespmem:$0xC00] =	vst v63  }
0xdb: {  	_ =	swait.ge [sflag:s23], $0x40  }
0xdc: {  	[sflag:s23] =	ssyncset.done $0x0  }
0xdd: {  	[sflag:s23] =	ssyncadd.s32 $0xFFFFFFC0  }
0xde: {  	_ =	swait.ge [sflag:s23], $0x40  }
0xdf: {  	[sflag:s23] =	ssyncset.done $0x0  }
0xe0: {  	[sflag:s23] =	ssyncadd.s32 $0xFFFFFFC0  }
0xe1: {  	_ =	swait.ge [sflag:s23], $0x40  }
0xe2: {  	[sflag:s23] =	ssyncset.done $0x0  }
0xe3: {  	[sflag:s23] =	ssyncadd.s32 $0xFFFFFFC0  }
0xe4: {  	v23 =	vld [tilespmem:$0x440]  }
0xe5: {  	v24 =	vld [tilespmem:$0x640]  }
0xe6: {  	v25 =	vld [tilespmem:$0x840];
	_ =	sdelay $0x2  }
0xe7: {  	v0 =	vsub.f32 $0.0e+00, v23  }
0xe8: {  	v1 =	vsub.f32 $0.0e+00, v24  }
0xe9: {  	v2 =	vsub.f32 $0.0e+00, v25;
	v0 =	vmul.f32 $1.442695020e+00, v0  }
0xea: {  	v1 =	vmul.f32 $1.442695020e+00, v1  }
0xeb: {  	v26 =	vmul.f32 $1.442695020e+00, v2;
	(erf) = vpow2.f32 v0  }
0xec: {  	(erf) = vpow2.f32 v1  }
0xed: {  	(erf) = vpow2.f32 v26;
	_ =	sdelay $0x6  }
0xee: {  	v27 =	vpop (erf)  }
0xef: {  	v1 =	vpop (erf)  }
0xf0: {  	v28 =	vpop (erf)  }
0xf1: {  	v29 =	vadd.f32 $1.000000000e+00, v27;
	v2 =	vadd.f32 $1.000000000e+00, v28;
	_ =	sdelay $0x1  }
0xf2: {  	v30 =	vadd.f32 $1.000000000e+00, v1;
	v2 =	vmul.f32 v2, v29;
	_ =	sdelay $0x1  }
0xf3: {  	v2 =	vmul.f32 v2, v30;
	_ =	sdelay $0x1  }
0xf4: {  	(erf) = vrcp.f32 v2;
	_ =	sdelay $0x5  }
0xf5: {  	v0 =	vsub.f32 v1, v27;
	_ =	sdelay $0x1  }
0xf6: {  	v0 =	vmul.f32 $1.700000050e+00, v0  }
0xf7: {  	v31 =	vpop (erf)  }
0xf8: {  	v0 =	vmul.f32 v31, v0;
	_ =	sdelay $0x1  }
0xf9: {  	v0 =	vsub.f32 $0.0e+00, v0;
	_ =	sdelay $0x1  }
0xfa: {  	v0 =	vmul.f32 $1.442695020e+00, v0;
	_ =	sdelay $0x1  }
0xfb: {  	(erf) = vpow2.f32 v0;
	_ =	sdelay $0x3  }
0xfc: {  	v32 =	vld [tilespmem:$0x450]  }
0xfd: {  	v33 =	vld [tilespmem:$0x650]  }
0xfe: {  	v34 =	vld [tilespmem:$0x850];
	_ =	sdelay $0x2  }
0xff: {  	v0 =	vsub.f32 $0.0e+00, v32;
	v35 =	vpop (erf)  }
0x100: {  	v1 =	vsub.f32 $0.0e+00, v33;
	v3 =	vadd.f32 $1.000000000e+00, v35  }
0x101: {  	v2 =	vsub.f32 $0.0e+00, v34;
	v0 =	vmul.f32 $1.442695020e+00, v0  }
0x102: {  	v1 =	vmul.f32 $1.442695020e+00, v1;
	(erf) = vrcp.f32 v3  }
0x103: {  	v36 =	vmul.f32 $1.442695020e+00, v2;
	(erf) = vpow2.f32 v0  }
0x104: {  	(erf) = vpow2.f32 v1  }
0x105: {  	(erf) = vpow2.f32 v36;
	_ =	sdelay $0x5  }
0x106: {  	v37 =	vpop (erf)  }
0x107: {  	v38 =	vpop (erf)  }
0x108: {  	v39 =	vpop (erf)  }
0x109: {  	v40 =	vpop (erf)  }
0x10a: {  	v41 =	vadd.f32 $1.000000000e+00, v38;
	v3 =	vadd.f32 $1.000000000e+00, v40;
	_ =	sdelay $0x1  }
0x10b: {  	v42 =	vadd.f32 $1.000000000e+00, v39;
	v3 =	vmul.f32 v3, v41;
	_ =	sdelay $0x1  }
0x10c: {  	v3 =	vmul.f32 v3, v42;
	_ =	sdelay $0x1  }
0x10d: {  	(erf) = vrcp.f32 v3;
	_ =	sdelay $0x5  }
0x10e: {  	v1 =	vsub.f32 v39, v38;
	_ =	sdelay $0x1  }
0x10f: {  	v1 =	vmul.f32 $1.700000050e+00, v1  }
0x110: {  	v43 =	vpop (erf)  }
0x111: {  	v1 =	vmul.f32 v43, v1;
	_ =	sdelay $0x1  }
0x112: {  	v1 =	vsub.f32 $0.0e+00, v1;
	_ =	sdelay $0x1  }
0x113: {  	v1 =	vmul.f32 $1.442695020e+00, v1;
	_ =	sdelay $0x1  }
0x114: {  	(erf) = vpow2.f32 v1;
	_ =	sdelay $0x3  }
0x115: {  	v44 =	vld [tilespmem:$0x460]  }
0x116: {  	v45 =	vld [tilespmem:$0x660]  }
0x117: {  	v46 =	vld [tilespmem:$0x860];
	_ =	sdelay $0x2  }
0x118: {  	v1 =	vsub.f32 $0.0e+00, v44;
	v47 =	vpop (erf)  }
0x119: {  	v2 =	vsub.f32 $0.0e+00, v45;
	v4 =	vadd.f32 $1.000000000e+00, v47  }
0x11a: {  	v3 =	vsub.f32 $0.0e+00, v46;
	v1 =	vmul.f32 $1.442695020e+00, v1  }
0x11b: {  	v2 =	vmul.f32 $1.442695020e+00, v2;
	(erf) = vrcp.f32 v4  }
0x11c: {  	v48 =	vmul.f32 $1.442695020e+00, v3;
	(erf) = vpow2.f32 v1  }
0x11d: {  	(erf) = vpow2.f32 v2  }
0x11e: {  	(erf) = vpow2.f32 v48;
	_ =	sdelay $0x5  }
0x11f: {  	v49 =	vpop (erf)  }
0x120: {  	v50 =	vpop (erf)  }
0x121: {  	v51 =	vpop (erf)  }
0x122: {  	v52 =	vpop (erf)  }
0x123: {  	v53 =	vadd.f32 $1.000000000e+00, v50;
	v4 =	vadd.f32 $1.000000000e+00, v52;
	_ =	sdelay $0x1  }
0x124: {  	v54 =	vadd.f32 $1.000000000e+00, v51;
	v4 =	vmul.f32 v4, v53;
	_ =	sdelay $0x1  }
0x125: {  	v4 =	vmul.f32 v4, v54;
	_ =	sdelay $0x1  }
0x126: {  	(erf) = vrcp.f32 v4;
	_ =	sdelay $0x5  }
0x127: {  	v2 =	vsub.f32 v51, v50;
	_ =	sdelay $0x1  }
0x128: {  	v2 =	vmul.f32 $1.700000050e+00, v2  }
0x129: {  	v55 =	vpop (erf)  }
0x12a: {  	v2 =	vmul.f32 v55, v2;
	_ =	sdelay $0x1  }
0x12b: {  	v2 =	vsub.f32 $0.0e+00, v2;
	_ =	sdelay $0x1  }
0x12c: {  	v2 =	vmul.f32 $1.442695020e+00, v2;
	_ =	sdelay $0x1  }
0x12d: {  	(erf) = vpow2.f32 v2;
	_ =	sdelay $0x3  }
0x12e: {  	v56 =	vld [tilespmem:$0x470]  }
0x12f: {  	v57 =	vld [tilespmem:$0x670]  }
0x130: {  	v58 =	vld [tilespmem:$0x870];
	_ =	sdelay $0x2  }
0x131: {  	v2 =	vsub.f32 $0.0e+00, v56;
	v59 =	vpop (erf)  }
0x132: {  	v3 =	vsub.f32 $0.0e+00, v57;
	v5 =	vadd.f32 $1.000000000e+00, v59  }
0x133: {  	v4 =	vsub.f32 $0.0e+00, v58;
	v2 =	vmul.f32 $1.442695020e+00, v2  }
0x134: {  	v3 =	vmul.f32 $1.442695020e+00, v3;
	(erf) = vrcp.f32 v5  }
0x135: {  	v60 =	vmul.f32 $1.442695020e+00, v4;
	(erf) = vpow2.f32 v2  }
0x136: {  	(erf) = vpow2.f32 v3  }
0x137: {  	(erf) = vpow2.f32 v60;
	_ =	sdelay $0x5  }
0x138: {  	v61 =	vpop (erf)  }
0x139: {  	v62 =	vpop (erf)  }
0x13a: {  	v63 =	vpop (erf)  }
0x13b: {  	v8 =	vpop (erf)  }
0x13c: {  	v6 =	vadd.f32 $1.000000000e+00, v62;
	v5 =	vadd.f32 $1.000000000e+00, v8;
	_ =	sdelay $0x1  }
0x13d: {  	v9 =	vadd.f32 $1.000000000e+00, v63;
	v5 =	vmul.f32 v5, v6;
	_ =	sdelay $0x1  }
0x13e: {  	v5 =	vmul.f32 v5, v9;
	_ =	sdelay $0x1  }
0x13f: {  	(erf) = vrcp.f32 v5;
	_ =	sdelay $0x5  }
0x140: {  	v3 =	vsub.f32 v63, v62;
	_ =	sdelay $0x1  }
0x141: {  	v3 =	vmul.f32 $1.700000050e+00, v3  }
0x142: {  	v10 =	vpop (erf)  }
0x143: {  	v3 =	vmul.f32 v10, v3;
	_ =	sdelay $0x1  }
0x144: {  	v3 =	vsub.f32 $0.0e+00, v3;
	_ =	sdelay $0x1  }
0x145: {  	v3 =	vmul.f32 $1.442695020e+00, v3;
	_ =	sdelay $0x1  }
0x146: {  	(erf) = vpow2.f32 v3;
	_ =	sdelay $0x8  }
0x147: {  	v3 =	vpop (erf)  }
0x148: {  	v3 =	vadd.f32 $1.000000000e+00, v3;
	_ =	sdelay $0x1  }
0x149: {  	(erf) = vrcp.f32 v3;
	_ =	sdelay $0x6  }
0x14a: {  	[tilespmem:$0xA40] =	vst v37  }
0x14b: {  	[tilespmem:$0xA50] =	vst v49  }
0x14c: {  	[tilespmem:$0xA60] =	vst v61;
	v11 =	vpop (erf)  }
0x14d: {  	s22 =	rddreg [dreg:$0xf];
	[tilespmem:$0xA70] =	vst v11  }
0x14e: {  	[hbm4b:s22+s5] =	stream.linear.scatter [tilespmem:s24], [sflag:$0x1], $0x40, $0x38;
	[tilespmem:$0xC00] =	vst v63  }
0x14f: {  	_ =	swait.ge [sflag:s25], $0x80  }
0x150: {  	[sflag:s25] =	ssyncset.done $0x0  }
0x151: {  	[sflag:s25] =	ssyncadd.s32 $0xFFFFFF80  }
0x152: {  	_ =	swait.ge [sflag:s25], $0x80  }
0x153: {  	[sflag:s25] =	ssyncset.done $0x0  }
0x154: {  	[sflag:s25] =	ssyncadd.s32 $0xFFFFFF80  }
0x155: {  	_ =	swait.ge [sflag:s25], $0x80  }
0x156: {  	[sflag:s25] =	ssyncset.done $0x0  }
0x157: {  	[sflag:s25] =	ssyncadd.s32 $0xFFFFFF80  }
0x158: {  	v12 =	vld [tilespmem:$0x480]  }
0x159: {  	v13 =	vld [tilespmem:$0x680]  }
0x15a: {  	v14 =	vld [tilespmem:$0x880];
	_ =	sdelay $0x2  }
0x15b: {  	v0 =	vsub.f32 $0.0e+00, v12  }
0x15c: {  	v1 =	vsub.f32 $0.0e+00, v13  }
0x15d: {  	v2 =	vsub.f32 $0.0e+00, v14;
	v0 =	vmul.f32 $1.442695020e+00, v0  }
0x15e: {  	v1 =	vmul.f32 $1.442695020e+00, v1  }
0x15f: {  	v15 =	vmul.f32 $1.442695020e+00, v2;
	(erf) = vpow2.f32 v0  }
0x160: {  	(erf) = vpow2.f32 v1  }
0x161: {  	(erf) = vpow2.f32 v15;
	_ =	sdelay $0x6  }
0x162: {  	v16 =	vpop (erf)  }
0x163: {  	v1 =	vpop (erf)  }
0x164: {  	v17 =	vpop (erf)  }
0x165: {  	v18 =	vadd.f32 $1.000000000e+00, v16;
	v2 =	vadd.f32 $1.000000000e+00, v17;
	_ =	sdelay $0x1  }
0x166: {  	v19 =	vadd.f32 $1.000000000e+00, v1;
	v2 =	vmul.f32 v2, v18;
	_ =	sdelay $0x1  }
0x167: {  	v2 =	vmul.f32 v2, v19;
	_ =	sdelay $0x1  }
0x168: {  	(erf) = vrcp.f32 v2;
	_ =	sdelay $0x5  }
0x169: {  	v0 =	vsub.f32 v1, v16;
	_ =	sdelay $0x1  }
0x16a: {  	v0 =	vmul.f32 $1.700000050e+00, v0  }
0x16b: {  	v20 =	vpop (erf)  }
0x16c: {  	v0 =	vmul.f32 v20, v0;
	_ =	sdelay $0x1  }
0x16d: {  	v0 =	vsub.f32 $0.0e+00, v0;
	_ =	sdelay $0x1  }
0x16e: {  	v0 =	vmul.f32 $1.442695020e+00, v0;
	_ =	sdelay $0x1  }
0x16f: {  	(erf) = vpow2.f32 v0;
	_ =	sdelay $0x3  }
0x170: {  	v21 =	vld [tilespmem:$0x490]  }
0x171: {  	v22 =	vld [tilespmem:$0x690]  }
0x172: {  	v23 =	vld [tilespmem:$0x890];
	_ =	sdelay $0x2  }
0x173: {  	v0 =	vsub.f32 $0.0e+00, v21;
	v24 =	vpop (erf)  }
0x174: {  	v1 =	vsub.f32 $0.0e+00, v22;
	v3 =	vadd.f32 $1.000000000e+00, v24  }
0x175: {  	v2 =	vsub.f32 $0.0e+00, v23;
	v0 =	vmul.f32 $1.442695020e+00, v0  }
0x176: {  	v1 =	vmul.f32 $1.442695020e+00, v1;
	(erf) = vrcp.f32 v3  }
0x177: {  	v25 =	vmul.f32 $1.442695020e+00, v2;
	(erf) = vpow2.f32 v0  }
0x178: {  	(erf) = vpow2.f32 v1  }
0x179: {  	(erf) = vpow2.f32 v25;
	_ =	sdelay $0x5  }
0x17a: {  	v0 =	vpop (erf)  }
0x17b: {  	v26 =	vpop (erf)  }
0x17c: {  	v27 =	vpop (erf)  }
0x17d: {  	v28 =	vpop (erf)  }
0x17e: {  	v29 =	vadd.f32 $1.000000000e+00, v26;
	v3 =	vadd.f32 $1.000000000e+00, v28;
	_ =	sdelay $0x1  }
0x17f: {  	v30 =	vadd.f32 $1.000000000e+00, v27;
	v3 =	vmul.f32 v3, v29;
	_ =	sdelay $0x1  }
0x180: {  	v3 =	vmul.f32 v3, v30;
	_ =	sdelay $0x1  }
0x181: {  	(erf) = vrcp.f32 v3;
	_ =	sdelay $0x5  }
0x182: {  	v1 =	vsub.f32 v27, v26;
	_ =	sdelay $0x1  }
0x183: {  	v1 =	vmul.f32 $1.700000050e+00, v1  }
0x184: {  	v31 =	vpop (erf)  }
0x185: {  	v1 =	vmul.f32 v31, v1;
	_ =	sdelay $0x1  }
0x186: {  	v1 =	vsub.f32 $0.0e+00, v1;
	_ =	sdelay $0x1  }
0x187: {  	v1 =	vmul.f32 $1.442695020e+00, v1;
	_ =	sdelay $0x1  }
0x188: {  	(erf) = vpow2.f32 v1;
	_ =	sdelay $0x3  }
0x189: {  	v32 =	vld [tilespmem:$0x4A0]  }
0x18a: {  	v33 =	vld [tilespmem:$0x6A0]  }
0x18b: {  	v34 =	vld [tilespmem:$0x8A0];
	_ =	sdelay $0x2  }
0x18c: {  	v1 =	vsub.f32 $0.0e+00, v32;
	v35 =	vpop (erf)  }
0x18d: {  	v2 =	vsub.f32 $0.0e+00, v33;
	v4 =	vadd.f32 $1.000000000e+00, v35  }
0x18e: {  	v3 =	vsub.f32 $0.0e+00, v34;
	v1 =	vmul.f32 $1.442695020e+00, v1  }
0x18f: {  	v2 =	vmul.f32 $1.442695020e+00, v2;
	(erf) = vrcp.f32 v4  }
0x190: {  	v36 =	vmul.f32 $1.442695020e+00, v3;
	(erf) = vpow2.f32 v1  }
0x191: {  	(erf) = vpow2.f32 v2  }
0x192: {  	(erf) = vpow2.f32 v36;
	_ =	sdelay $0x5  }
0x193: {  	v1 =	vpop (erf)  }
0x194: {  	v37 =	vpop (erf)  }
0x195: {  	v38 =	vpop (erf)  }
0x196: {  	v39 =	vpop (erf)  }
0x197: {  	v40 =	vadd.f32 $1.000000000e+00, v37;
	v4 =	vadd.f32 $1.000000000e+00, v39;
	_ =	sdelay $0x1  }
0x198: {  	v41 =	vadd.f32 $1.000000000e+00, v38;
	v4 =	vmul.f32 v4, v40;
	_ =	sdelay $0x1  }
0x199: {  	v4 =	vmul.f32 v4, v41;
	_ =	sdelay $0x1  }
0x19a: {  	(erf) = vrcp.f32 v4;
	_ =	sdelay $0x5  }
0x19b: {  	v2 =	vsub.f32 v38, v37;
	_ =	sdelay $0x1  }
0x19c: {  	v2 =	vmul.f32 $1.700000050e+00, v2  }
0x19d: {  	v42 =	vpop (erf)  }
0x19e: {  	v2 =	vmul.f32 v42, v2;
	_ =	sdelay $0x1  }
0x19f: {  	v2 =	vsub.f32 $0.0e+00, v2;
	_ =	sdelay $0x1  }
0x1a0: {  	v2 =	vmul.f32 $1.442695020e+00, v2;
	_ =	sdelay $0x1  }
0x1a1: {  	(erf) = vpow2.f32 v2;
	_ =	sdelay $0x3  }
0x1a2: {  	v43 =	vld [tilespmem:$0x4B0]  }
0x1a3: {  	v44 =	vld [tilespmem:$0x6B0]  }
0x1a4: {  	v45 =	vld [tilespmem:$0x8B0];
	_ =	sdelay $0x2  }
0x1a5: {  	v2 =	vsub.f32 $0.0e+00, v43;
	v46 =	vpop (erf)  }
0x1a6: {  	v3 =	vsub.f32 $0.0e+00, v44;
	v5 =	vadd.f32 $1.000000000e+00, v46  }
0x1a7: {  	v4 =	vsub.f32 $0.0e+00, v45;
	v2 =	vmul.f32 $1.442695020e+00, v2  }
0x1a8: {  	v3 =	vmul.f32 $1.442695020e+00, v3;
	(erf) = vrcp.f32 v5  }
0x1a9: {  	v47 =	vmul.f32 $1.442695020e+00, v4;
	(erf) = vpow2.f32 v2  }
0x1aa: {  	(erf) = vpow2.f32 v3  }
0x1ab: {  	(erf) = vpow2.f32 v47;
	_ =	sdelay $0x5  }
0x1ac: {  	v48 =	vpop (erf)  }
0x1ad: {  	v49 =	vpop (erf)  }
0x1ae: {  	v50 =	vpop (erf)  }
0x1af: {  	v51 =	vpop (erf)  }
0x1b0: {  	v52 =	vadd.f32 $1.000000000e+00, v49;
	v5 =	vadd.f32 $1.000000000e+00, v51;
	_ =	sdelay $0x1  }
0x1b1: {  	v53 =	vadd.f32 $1.000000000e+00, v50;
	v5 =	vmul.f32 v5, v52;
	_ =	sdelay $0x1  }
0x1b2: {  	v5 =	vmul.f32 v5, v53;
	_ =	sdelay $0x1  }
0x1b3: {  	(erf) = vrcp.f32 v5;
	_ =	sdelay $0x5  }
0x1b4: {  	v3 =	vsub.f32 v50, v49;
	_ =	sdelay $0x1  }
0x1b5: {  	v3 =	vmul.f32 $1.700000050e+00, v3  }
0x1b6: {  	v54 =	vpop (erf)  }
0x1b7: {  	v3 =	vmul.f32 v54, v3;
	_ =	sdelay $0x1  }
0x1b8: {  	v3 =	vsub.f32 $0.0e+00, v3;
	_ =	sdelay $0x1  }
0x1b9: {  	v3 =	vmul.f32 $1.442695020e+00, v3;
	_ =	sdelay $0x1  }
0x1ba: {  	(erf) = vpow2.f32 v3;
	_ =	sdelay $0x3  }
0x1bb: {  	v55 =	vld [tilespmem:$0x4C0]  }
0x1bc: {  	v56 =	vld [tilespmem:$0x6C0]  }
0x1bd: {  	v57 =	vld [tilespmem:$0x8C0];
	_ =	sdelay $0x2  }
0x1be: {  	v3 =	vsub.f32 $0.0e+00, v55;
	v58 =	vpop (erf)  }
0x1bf: {  	v4 =	vsub.f32 $0.0e+00, v56;
	v6 =	vadd.f32 $1.000000000e+00, v58  }
0x1c0: {  	v5 =	vsub.f32 $0.0e+00, v57;
	v3 =	vmul.f32 $1.442695020e+00, v3  }
0x1c1: {  	v4 =	vmul.f32 $1.442695020e+00, v4;
	(erf) = vrcp.f32 v6  }
0x1c2: {  	v59 =	vmul.f32 $1.442695020e+00, v5;
	(erf) = vpow2.f32 v3  }
0x1c3: {  	(erf) = vpow2.f32 v4  }
0x1c4: {  	(erf) = vpow2.f32 v59;
	_ =	sdelay $0x5  }
0x1c5: {  	v60 =	vpop (erf)  }
0x1c6: {  	v61 =	vpop (erf)  }
0x1c7: {  	v62 =	vpop (erf)  }
0x1c8: {  	v63 =	vpop (erf)  }
0x1c9: {  	v7 =	vadd.f32 $1.000000000e+00, v61;
	v6 =	vadd.f32 $1.000000000e+00, v63;
	_ =	sdelay $0x1  }
0x1ca: {  	v9 =	vadd.f32 $1.000000000e+00, v62;
	v6 =	vmul.f32 v6, v7;
	_ =	sdelay $0x1  }
0x1cb: {  	v6 =	vmul.f32 v6, v9;
	_ =	sdelay $0x1  }
0x1cc: {  	(erf) = vrcp.f32 v6;
	_ =	sdelay $0x5  }
0x1cd: {  	v4 =	vsub.f32 v62, v61;
	_ =	sdelay $0x1  }
0x1ce: {  	v4 =	vmul.f32 $1.700000050e+00, v4  }
0x1cf: {  	v10 =	vpop (erf)  }
0x1d0: {  	v4 =	vmul.f32 v10, v4;
	_ =	sdelay $0x1  }
0x1d1: {  	v4 =	vsub.f32 $0.0e+00, v4;
	_ =	sdelay $0x1  }
0x1d2: {  	v4 =	vmul.f32 $1.442695020e+00, v4;
	_ =	sdelay $0x1  }
0x1d3: {  	(erf) = vpow2.f32 v4;
	_ =	sdelay $0x3  }
0x1d4: {  	v11 =	vld [tilespmem:$0x4D0]  }
0x1d5: {  	v12 =	vld [tilespmem:$0x6D0]  }
0x1d6: {  	v13 =	vld [tilespmem:$0x8D0];
	_ =	sdelay $0x2  }
0x1d7: {  	v4 =	vsub.f32 $0.0e+00, v11;
	v14 =	vpop (erf)  }
0x1d8: {  	v5 =	vsub.f32 $0.0e+00, v12;
	v7 =	vadd.f32 $1.000000000e+00, v14  }
0x1d9: {  	v6 =	vsub.f32 $0.0e+00, v13;
	v4 =	vmul.f32 $1.442695020e+00, v4  }
0x1da: {  	v5 =	vmul.f32 $1.442695020e+00, v5;
	(erf) = vrcp.f32 v7  }
0x1db: {  	v15 =	vmul.f32 $1.442695020e+00, v6;
	(erf) = vpow2.f32 v4  }
0x1dc: {  	(erf) = vpow2.f32 v5  }
0x1dd: {  	(erf) = vpow2.f32 v15;
	_ =	sdelay $0x5  }
0x1de: {  	v16 =	vpop (erf)  }
0x1df: {  	v17 =	vpop (erf)  }
0x1e0: {  	v18 =	vpop (erf)  }
0x1e1: {  	v19 =	vpop (erf)  }
0x1e2: {  	v8 =	vadd.f32 $1.000000000e+00, v17;
	v7 =	vadd.f32 $1.000000000e+00, v19;
	_ =	sdelay $0x1  }
0x1e3: {  	v20 =	vadd.f32 $1.000000000e+00, v18;
	v7 =	vmul.f32 v7, v8;
	_ =	sdelay $0x1  }
0x1e4: {  	v7 =	vmul.f32 v7, v20;
	_ =	sdelay $0x1  }
0x1e5: {  	(erf) = vrcp.f32 v7;
	_ =	sdelay $0x5  }
0x1e6: {  	v5 =	vsub.f32 v18, v17;
	_ =	sdelay $0x1  }
0x1e7: {  	v5 =	vmul.f32 $1.700000050e+00, v5  }
0x1e8: {  	v21 =	vpop (erf)  }
0x1e9: {  	v5 =	vmul.f32 v21, v5;
	_ =	sdelay $0x1  }
0x1ea: {  	v5 =	vsub.f32 $0.0e+00, v5;
	_ =	sdelay $0x1  }
0x1eb: {  	v5 =	vmul.f32 $1.442695020e+00, v5;
	_ =	sdelay $0x1  }
0x1ec: {  	(erf) = vpow2.f32 v5;
	_ =	sdelay $0x3  }
0x1ed: {  	v22 =	vld [tilespmem:$0x4E0]  }
0x1ee: {  	v23 =	vld [tilespmem:$0x6E0]  }
0x1ef: {  	v24 =	vld [tilespmem:$0x8E0];
	_ =	sdelay $0x2  }
0x1f0: {  	v5 =	vsub.f32 $0.0e+00, v22;
	v25 =	vpop (erf)  }
0x1f1: {  	v6 =	vsub.f32 $0.0e+00, v23;
	v8 =	vadd.f32 $1.000000000e+00, v25  }
0x1f2: {  	v7 =	vsub.f32 $0.0e+00, v24;
	v5 =	vmul.f32 $1.442695020e+00, v5  }
0x1f3: {  	v6 =	vmul.f32 $1.442695020e+00, v6;
	(erf) = vrcp.f32 v8  }
0x1f4: {  	v26 =	vmul.f32 $1.442695020e+00, v7;
	(erf) = vpow2.f32 v5  }
0x1f5: {  	(erf) = vpow2.f32 v6  }
0x1f6: {  	(erf) = vpow2.f32 v26;
	_ =	sdelay $0x5  }
0x1f7: {  	v27 =	vpop (erf)  }
0x1f8: {  	v28 =	vpop (erf)  }
0x1f9: {  	v29 =	vpop (erf)  }
0x1fa: {  	v30 =	vpop (erf)  }
0x1fb: {  	v9 =	vadd.f32 $1.000000000e+00, v28;
	v8 =	vadd.f32 $1.000000000e+00, v30;
	_ =	sdelay $0x1  }
0x1fc: {  	v31 =	vadd.f32 $1.000000000e+00, v29;
	v8 =	vmul.f32 v8, v9;
	_ =	sdelay $0x1  }
0x1fd: {  	v8 =	vmul.f32 v8, v31;
	_ =	sdelay $0x1  }
0x1fe: {  	(erf) = vrcp.f32 v8;
	_ =	sdelay $0x5  }
0x1ff: {  	v6 =	vsub.f32 v29, v28;
	_ =	sdelay $0x1  }
0x200: {  	v6 =	vmul.f32 $1.700000050e+00, v6  }
0x201: {  	v32 =	vpop (erf)  }
0x202: {  	v6 =	vmul.f32 v32, v6;
	_ =	sdelay $0x1  }
0x203: {  	v6 =	vsub.f32 $0.0e+00, v6;
	_ =	sdelay $0x1  }
0x204: {  	v6 =	vmul.f32 $1.442695020e+00, v6;
	_ =	sdelay $0x1  }
0x205: {  	(erf) = vpow2.f32 v6;
	_ =	sdelay $0x3  }
0x206: {  	v33 =	vld [tilespmem:$0x4F0]  }
0x207: {  	v34 =	vld [tilespmem:$0x6F0]  }
0x208: {  	v35 =	vld [tilespmem:$0x8F0];
	_ =	sdelay $0x2  }
0x209: {  	v6 =	vsub.f32 $0.0e+00, v33;
	v36 =	vpop (erf)  }
0x20a: {  	v7 =	vsub.f32 $0.0e+00, v34;
	v9 =	vadd.f32 $1.000000000e+00, v36  }
0x20b: {  	v8 =	vsub.f32 $0.0e+00, v35;
	v6 =	vmul.f32 $1.442695020e+00, v6  }
0x20c: {  	v7 =	vmul.f32 $1.442695020e+00, v7;
	(erf) = vrcp.f32 v9  }
0x20d: {  	v37 =	vmul.f32 $1.442695020e+00, v8;
	(erf) = vpow2.f32 v6  }
0x20e: {  	(erf) = vpow2.f32 v7  }
0x20f: {  	(erf) = vpow2.f32 v37;
	_ =	sdelay $0x5  }
0x210: {  	v38 =	vpop (erf)  }
0x211: {  	v39 =	vpop (erf)  }
0x212: {  	v40 =	vpop (erf)  }
0x213: {  	v41 =	vpop (erf)  }
0x214: {  	v10 =	vadd.f32 $1.000000000e+00, v39;
	v9 =	vadd.f32 $1.000000000e+00, v41;
	_ =	sdelay $0x1  }
0x215: {  	v42 =	vadd.f32 $1.000000000e+00, v40;
	v9 =	vmul.f32 v9, v10;
	_ =	sdelay $0x1  }
0x216: {  	v9 =	vmul.f32 v9, v42;
	_ =	sdelay $0x1  }
0x217: {  	(erf) = vrcp.f32 v9;
	_ =	sdelay $0x5  }
0x218: {  	v7 =	vsub.f32 v40, v39;
	_ =	sdelay $0x1  }
0x219: {  	v7 =	vmul.f32 $1.700000050e+00, v7  }
0x21a: {  	v43 =	vpop (erf)  }
0x21b: {  	v7 =	vmul.f32 v43, v7;
	_ =	sdelay $0x1  }
0x21c: {  	v7 =	vsub.f32 $0.0e+00, v7;
	_ =	sdelay $0x1  }
0x21d: {  	v7 =	vmul.f32 $1.442695020e+00, v7;
	_ =	sdelay $0x1  }
0x21e: {  	(erf) = vpow2.f32 v7;
	_ =	sdelay $0x8  }
0x21f: {  	v7 =	vpop (erf)  }
0x220: {  	v7 =	vadd.f32 $1.000000000e+00, v7;
	_ =	sdelay $0x1  }
0x221: {  	(erf) = vrcp.f32 v7;
	_ =	sdelay $0x2  }
0x222: {  	[tilespmem:$0xA80] =	vst v0  }
0x223: {  	[tilespmem:$0xA90] =	vst v1  }
0x224: {  	[tilespmem:$0xAA0] =	vst v48  }
0x225: {  	[tilespmem:$0xAB0] =	vst v60  }
0x226: {  	[tilespmem:$0xAC0] =	vst v16  }
0x227: {  	[tilespmem:$0xAD0] =	vst v27  }
0x228: {  	[tilespmem:$0xAE0] =	vst v38;
	v44 =	vpop (erf)  }
0x229: {  	s22 =	rddreg [dreg:$0x10];
	[tilespmem:$0xAF0] =	vst v44  }
0x22a: {  	[hbm4b:s22+s5] =	stream.linear.scatter [tilespmem:s26], [sflag:$0x1], $0x80, $0x38;
	[tilespmem:$0xC00] =	vst v63  }
0x22b: {  	_ =	swait.ge [sflag:s28], $0x80  }
0x22c: {  	[sflag:s28] =	ssyncset.done $0x0  }
0x22d: {  	[sflag:s28] =	ssyncadd.s32 $0xFFFFFF80  }
0x22e: {  	_ =	swait.ge [sflag:s28], $0x80  }
0x22f: {  	[sflag:s28] =	ssyncset.done $0x0  }
0x230: {  	[sflag:s28] =	ssyncadd.s32 $0xFFFFFF80  }
0x231: {  	_ =	swait.ge [sflag:s28], $0x80  }
0x232: {  	[sflag:s28] =	ssyncset.done $0x0  }
0x233: {  	[sflag:s28] =	ssyncadd.s32 $0xFFFFFF80  }
0x234: {  	v45 =	vld [tilespmem:$0x500]  }
0x235: {  	v46 =	vld [tilespmem:$0x700]  }
0x236: {  	v47 =	vld [tilespmem:$0x900];
	_ =	sdelay $0x2  }
0x237: {  	v0 =	vsub.f32 $0.0e+00, v45  }
0x238: {  	v1 =	vsub.f32 $0.0e+00, v46  }
0x239: {  	v2 =	vsub.f32 $0.0e+00, v47;
	v0 =	vmul.f32 $1.442695020e+00, v0  }
0x23a: {  	v1 =	vmul.f32 $1.442695020e+00, v1  }
0x23b: {  	v48 =	vmul.f32 $1.442695020e+00, v2;
	(erf) = vpow2.f32 v0  }
0x23c: {  	(erf) = vpow2.f32 v1  }
0x23d: {  	(erf) = vpow2.f32 v48;
	_ =	sdelay $0x6  }
0x23e: {  	v49 =	vpop (erf)  }
0x23f: {  	v1 =	vpop (erf)  }
0x240: {  	v50 =	vpop (erf)  }
0x241: {  	v51 =	vadd.f32 $1.000000000e+00, v49;
	v2 =	vadd.f32 $1.000000000e+00, v50;
	_ =	sdelay $0x1  }
0x242: {  	v52 =	vadd.f32 $1.000000000e+00, v1;
	v2 =	vmul.f32 v2, v51;
	_ =	sdelay $0x1  }
0x243: {  	v2 =	vmul.f32 v2, v52;
	_ =	sdelay $0x1  }
0x244: {  	(erf) = vrcp.f32 v2;
	_ =	sdelay $0x5  }
0x245: {  	v0 =	vsub.f32 v1, v49;
	_ =	sdelay $0x1  }
0x246: {  	v0 =	vmul.f32 $1.700000050e+00, v0  }
0x247: {  	v53 =	vpop (erf)  }
0x248: {  	v0 =	vmul.f32 v53, v0;
	_ =	sdelay $0x1  }
0x249: {  	v0 =	vsub.f32 $0.0e+00, v0;
	_ =	sdelay $0x1  }
0x24a: {  	v0 =	vmul.f32 $1.442695020e+00, v0;
	_ =	sdelay $0x1  }
0x24b: {  	(erf) = vpow2.f32 v0;
	_ =	sdelay $0x3  }
0x24c: {  	v54 =	vld [tilespmem:$0x510]  }
0x24d: {  	v55 =	vld [tilespmem:$0x710]  }
0x24e: {  	v56 =	vld [tilespmem:$0x910];
	_ =	sdelay $0x2  }
0x24f: {  	v0 =	vsub.f32 $0.0e+00, v54;
	v57 =	vpop (erf)  }
0x250: {  	v1 =	vsub.f32 $0.0e+00, v55;
	v3 =	vadd.f32 $1.000000000e+00, v57  }
0x251: {  	v2 =	vsub.f32 $0.0e+00, v56;
	v0 =	vmul.f32 $1.442695020e+00, v0  }
0x252: {  	v1 =	vmul.f32 $1.442695020e+00, v1;
	(erf) = vrcp.f32 v3  }
0x253: {  	v58 =	vmul.f32 $1.442695020e+00, v2;
	(erf) = vpow2.f32 v0  }
0x254: {  	(erf) = vpow2.f32 v1  }
0x255: {  	(erf) = vpow2.f32 v58;
	_ =	sdelay $0x5  }
0x256: {  	v0 =	vpop (erf)  }
0x257: {  	v59 =	vpop (erf)  }
0x258: {  	v60 =	vpop (erf)  }
0x259: {  	v61 =	vpop (erf)  }
0x25a: {  	v62 =	vadd.f32 $1.000000000e+00, v59;
	v3 =	vadd.f32 $1.000000000e+00, v61;
	_ =	sdelay $0x1  }
0x25b: {  	v63 =	vadd.f32 $1.000000000e+00, v60;
	v3 =	vmul.f32 v3, v62;
	_ =	sdelay $0x1  }
0x25c: {  	v3 =	vmul.f32 v3, v63;
	_ =	sdelay $0x1  }
0x25d: {  	(erf) = vrcp.f32 v3;
	_ =	sdelay $0x5  }
0x25e: {  	v1 =	vsub.f32 v60, v59;
	_ =	sdelay $0x1  }
0x25f: {  	v1 =	vmul.f32 $1.700000050e+00, v1  }
0x260: {  	v7 =	vpop (erf)  }
0x261: {  	v1 =	vmul.f32 v7, v1;
	_ =	sdelay $0x1  }
0x262: {  	v1 =	vsub.f32 $0.0e+00, v1;
	_ =	sdelay $0x1  }
0x263: {  	v1 =	vmul.f32 $1.442695020e+00, v1;
	_ =	sdelay $0x1  }
0x264: {  	(erf) = vpow2.f32 v1;
	_ =	sdelay $0x3  }
0x265: {  	v8 =	vld [tilespmem:$0x520]  }
0x266: {  	v9 =	vld [tilespmem:$0x720]  }
0x267: {  	v10 =	vld [tilespmem:$0x920];
	_ =	sdelay $0x2  }
0x268: {  	v1 =	vsub.f32 $0.0e+00, v8;
	v11 =	vpop (erf)  }
0x269: {  	v2 =	vsub.f32 $0.0e+00, v9;
	v4 =	vadd.f32 $1.000000000e+00, v11  }
0x26a: {  	v3 =	vsub.f32 $0.0e+00, v10;
	v1 =	vmul.f32 $1.442695020e+00, v1  }
0x26b: {  	v2 =	vmul.f32 $1.442695020e+00, v2;
	(erf) = vrcp.f32 v4  }
0x26c: {  	v12 =	vmul.f32 $1.442695020e+00, v3;
	(erf) = vpow2.f32 v1  }
0x26d: {  	(erf) = vpow2.f32 v2  }
0x26e: {  	(erf) = vpow2.f32 v12;
	_ =	sdelay $0x5  }
0x26f: {  	v1 =	vpop (erf)  }
0x270: {  	v13 =	vpop (erf)  }
0x271: {  	v14 =	vpop (erf)  }
0x272: {  	v15 =	vpop (erf)  }
0x273: {  	v16 =	vadd.f32 $1.000000000e+00, v13;
	v4 =	vadd.f32 $1.000000000e+00, v15;
	_ =	sdelay $0x1  }
0x274: {  	v17 =	vadd.f32 $1.000000000e+00, v14;
	v4 =	vmul.f32 v4, v16;
	_ =	sdelay $0x1  }
0x275: {  	v4 =	vmul.f32 v4, v17;
	_ =	sdelay $0x1  }
0x276: {  	(erf) = vrcp.f32 v4;
	_ =	sdelay $0x5  }
0x277: {  	v2 =	vsub.f32 v14, v13;
	_ =	sdelay $0x1  }
0x278: {  	v2 =	vmul.f32 $1.700000050e+00, v2  }
0x279: {  	v18 =	vpop (erf)  }
0x27a: {  	v2 =	vmul.f32 v18, v2;
	_ =	sdelay $0x1  }
0x27b: {  	v2 =	vsub.f32 $0.0e+00, v2;
	_ =	sdelay $0x1  }
0x27c: {  	v2 =	vmul.f32 $1.442695020e+00, v2;
	_ =	sdelay $0x1  }
0x27d: {  	(erf) = vpow2.f32 v2;
	_ =	sdelay $0x3  }
0x27e: {  	v19 =	vld [tilespmem:$0x530]  }
0x27f: {  	v20 =	vld [tilespmem:$0x730]  }
0x280: {  	v21 =	vld [tilespmem:$0x930];
	_ =	sdelay $0x2  }
0x281: {  	v2 =	vsub.f32 $0.0e+00, v19;
	v22 =	vpop (erf)  }
0x282: {  	v3 =	vsub.f32 $0.0e+00, v20;
	v5 =	vadd.f32 $1.000000000e+00, v22  }
0x283: {  	v4 =	vsub.f32 $0.0e+00, v21;
	v2 =	vmul.f32 $1.442695020e+00, v2  }
0x284: {  	v3 =	vmul.f32 $1.442695020e+00, v3;
	(erf) = vrcp.f32 v5  }
0x285: {  	v23 =	vmul.f32 $1.442695020e+00, v4;
	(erf) = vpow2.f32 v2  }
0x286: {  	(erf) = vpow2.f32 v3  }
0x287: {  	(erf) = vpow2.f32 v23;
	_ =	sdelay $0x5  }
0x288: {  	v2 =	vpop (erf)  }
0x289: {  	v24 =	vpop (erf)  }
0x28a: {  	v25 =	vpop (erf)  }
0x28b: {  	v26 =	vpop (erf)  }
0x28c: {  	v27 =	vadd.f32 $1.000000000e+00, v24;
	v5 =	vadd.f32 $1.000000000e+00, v26;
	_ =	sdelay $0x1  }
0x28d: {  	v28 =	vadd.f32 $1.000000000e+00, v25;
	v5 =	vmul.f32 v5, v27;
	_ =	sdelay $0x1  }
0x28e: {  	v5 =	vmul.f32 v5, v28;
	_ =	sdelay $0x1  }
0x28f: {  	(erf) = vrcp.f32 v5;
	_ =	sdelay $0x5  }
0x290: {  	v3 =	vsub.f32 v25, v24;
	_ =	sdelay $0x1  }
0x291: {  	v3 =	vmul.f32 $1.700000050e+00, v3  }
0x292: {  	v29 =	vpop (erf)  }
0x293: {  	v3 =	vmul.f32 v29, v3;
	_ =	sdelay $0x1  }
0x294: {  	v3 =	vsub.f32 $0.0e+00, v3;
	_ =	sdelay $0x1  }
0x295: {  	v3 =	vmul.f32 $1.442695020e+00, v3;
	_ =	sdelay $0x1  }
0x296: {  	(erf) = vpow2.f32 v3;
	_ =	sdelay $0x3  }
0x297: {  	v30 =	vld [tilespmem:$0x540]  }
0x298: {  	v31 =	vld [tilespmem:$0x740]  }
0x299: {  	v32 =	vld [tilespmem:$0x940];
	_ =	sdelay $0x2  }
0x29a: {  	v3 =	vsub.f32 $0.0e+00, v30;
	v33 =	vpop (erf)  }
0x29b: {  	v4 =	vsub.f32 $0.0e+00, v31;
	v6 =	vadd.f32 $1.000000000e+00, v33  }
0x29c: {  	v5 =	vsub.f32 $0.0e+00, v32;
	v3 =	vmul.f32 $1.442695020e+00, v3  }
0x29d: {  	v4 =	vmul.f32 $1.442695020e+00, v4;
	(erf) = vrcp.f32 v6  }
0x29e: {  	v34 =	vmul.f32 $1.442695020e+00, v5;
	(erf) = vpow2.f32 v3  }
0x29f: {  	(erf) = vpow2.f32 v4  }
0x2a0: {  	(erf) = vpow2.f32 v34;
	_ =	sdelay $0x5  }
0x2a1: {  	v35 =	vpop (erf)  }
0x2a2: {  	v36 =	vpop (erf)  }
0x2a3: {  	v37 =	vpop (erf)  }
0x2a4: {  	v38 =	vpop (erf)  }
0x2a5: {  	v39 =	vadd.f32 $1.000000000e+00, v36;
	v6 =	vadd.f32 $1.000000000e+00, v38;
	_ =	sdelay $0x1  }
0x2a6: {  	v40 =	vadd.f32 $1.000000000e+00, v37;
	v6 =	vmul.f32 v6, v39;
	_ =	sdelay $0x1  }
0x2a7: {  	v6 =	vmul.f32 v6, v40;
	_ =	sdelay $0x1  }
0x2a8: {  	(erf) = vrcp.f32 v6;
	_ =	sdelay $0x5  }
0x2a9: {  	v4 =	vsub.f32 v37, v36;
	_ =	sdelay $0x1  }
0x2aa: {  	v4 =	vmul.f32 $1.700000050e+00, v4  }
0x2ab: {  	v41 =	vpop (erf)  }
0x2ac: {  	v4 =	vmul.f32 v41, v4;
	_ =	sdelay $0x1  }
0x2ad: {  	v4 =	vsub.f32 $0.0e+00, v4;
	_ =	sdelay $0x1  }
0x2ae: {  	v4 =	vmul.f32 $1.442695020e+00, v4;
	_ =	sdelay $0x1  }
0x2af: {  	(erf) = vpow2.f32 v4;
	_ =	sdelay $0x3  }
0x2b0: {  	v42 =	vld [tilespmem:$0x550]  }
0x2b1: {  	v43 =	vld [tilespmem:$0x750]  }
0x2b2: {  	v44 =	vld [tilespmem:$0x950];
	_ =	sdelay $0x2  }
0x2b3: {  	v4 =	vsub.f32 $0.0e+00, v42;
	v45 =	vpop (erf)  }
0x2b4: {  	v5 =	vsub.f32 $0.0e+00, v43;
	v7 =	vadd.f32 $1.000000000e+00, v45  }
0x2b5: {  	v6 =	vsub.f32 $0.0e+00, v44;
	v4 =	vmul.f32 $1.442695020e+00, v4  }
0x2b6: {  	v5 =	vmul.f32 $1.442695020e+00, v5;
	(erf) = vrcp.f32 v7  }
0x2b7: {  	v46 =	vmul.f32 $1.442695020e+00, v6;
	(erf) = vpow2.f32 v4  }
0x2b8: {  	(erf) = vpow2.f32 v5  }
0x2b9: {  	(erf) = vpow2.f32 v46;
	_ =	sdelay $0x5  }
0x2ba: {  	v47 =	vpop (erf)  }
0x2bb: {  	v48 =	vpop (erf)  }
0x2bc: {  	v49 =	vpop (erf)  }
0x2bd: {  	v50 =	vpop (erf)  }
0x2be: {  	v51 =	vadd.f32 $1.000000000e+00, v48;
	v7 =	vadd.f32 $1.000000000e+00, v50;
	_ =	sdelay $0x1  }
0x2bf: {  	v52 =	vadd.f32 $1.000000000e+00, v49;
	v7 =	vmul.f32 v7, v51;
	_ =	sdelay $0x1  }
0x2c0: {  	v7 =	vmul.f32 v7, v52;
	_ =	sdelay $0x1  }
0x2c1: {  	(erf) = vrcp.f32 v7;
	_ =	sdelay $0x5  }
0x2c2: {  	v5 =	vsub.f32 v49, v48;
	_ =	sdelay $0x1  }
0x2c3: {  	v5 =	vmul.f32 $1.700000050e+00, v5  }
0x2c4: {  	v53 =	vpop (erf)  }
0x2c5: {  	v5 =	vmul.f32 v53, v5;
	_ =	sdelay $0x1  }
0x2c6: {  	v5 =	vsub.f32 $0.0e+00, v5;
	_ =	sdelay $0x1  }
0x2c7: {  	v5 =	vmul.f32 $1.442695020e+00, v5;
	_ =	sdelay $0x1  }
0x2c8: {  	(erf) = vpow2.f32 v5;
	_ =	sdelay $0x3  }
0x2c9: {  	v54 =	vld [tilespmem:$0x560]  }
0x2ca: {  	v55 =	vld [tilespmem:$0x760]  }
0x2cb: {  	v56 =	vld [tilespmem:$0x960];
	_ =	sdelay $0x2  }
0x2cc: {  	v5 =	vsub.f32 $0.0e+00, v54;
	v57 =	vpop (erf)  }
0x2cd: {  	v6 =	vsub.f32 $0.0e+00, v55;
	v8 =	vadd.f32 $1.000000000e+00, v57  }
0x2ce: {  	v7 =	vsub.f32 $0.0e+00, v56;
	v5 =	vmul.f32 $1.442695020e+00, v5  }
0x2cf: {  	v6 =	vmul.f32 $1.442695020e+00, v6;
	(erf) = vrcp.f32 v8  }
0x2d0: {  	v58 =	vmul.f32 $1.442695020e+00, v7;
	(erf) = vpow2.f32 v5  }
0x2d1: {  	(erf) = vpow2.f32 v6  }
0x2d2: {  	(erf) = vpow2.f32 v58;
	_ =	sdelay $0x5  }
0x2d3: {  	v59 =	vpop (erf)  }
0x2d4: {  	v60 =	vpop (erf)  }
0x2d5: {  	v61 =	vpop (erf)  }
0x2d6: {  	v62 =	vpop (erf)  }
0x2d7: {  	v63 =	vadd.f32 $1.000000000e+00, v60;
	v8 =	vadd.f32 $1.000000000e+00, v62;
	_ =	sdelay $0x1  }
0x2d8: {  	v12 =	vadd.f32 $1.000000000e+00, v61;
	v8 =	vmul.f32 v8, v63;
	_ =	sdelay $0x1  }
0x2d9: {  	v8 =	vmul.f32 v8, v12;
	_ =	sdelay $0x1  }
0x2da: {  	(erf) = vrcp.f32 v8;
	_ =	sdelay $0x5  }
0x2db: {  	v6 =	vsub.f32 v61, v60;
	_ =	sdelay $0x1  }
0x2dc: {  	v6 =	vmul.f32 $1.700000050e+00, v6  }
0x2dd: {  	v13 =	vpop (erf)  }
0x2de: {  	v6 =	vmul.f32 v13, v6;
	_ =	sdelay $0x1  }
0x2df: {  	v6 =	vsub.f32 $0.0e+00, v6;
	_ =	sdelay $0x1  }
0x2e0: {  	v6 =	vmul.f32 $1.442695020e+00, v6;
	_ =	sdelay $0x1  }
0x2e1: {  	(erf) = vpow2.f32 v6;
	_ =	sdelay $0x3  }
0x2e2: {  	v14 =	vld [tilespmem:$0x570]  }
0x2e3: {  	v15 =	vld [tilespmem:$0x770]  }
0x2e4: {  	v16 =	vld [tilespmem:$0x970];
	_ =	sdelay $0x2  }
0x2e5: {  	v6 =	vsub.f32 $0.0e+00, v14;
	v17 =	vpop (erf)  }
0x2e6: {  	v7 =	vsub.f32 $0.0e+00, v15;
	v9 =	vadd.f32 $1.000000000e+00, v17  }
0x2e7: {  	v8 =	vsub.f32 $0.0e+00, v16;
	v6 =	vmul.f32 $1.442695020e+00, v6  }
0x2e8: {  	v7 =	vmul.f32 $1.442695020e+00, v7;
	(erf) = vrcp.f32 v9  }
0x2e9: {  	v18 =	vmul.f32 $1.442695020e+00, v8;
	(erf) = vpow2.f32 v6  }
0x2ea: {  	(erf) = vpow2.f32 v7  }
0x2eb: {  	(erf) = vpow2.f32 v18;
	_ =	sdelay $0x5  }
0x2ec: {  	v19 =	vpop (erf)  }
0x2ed: {  	v20 =	vpop (erf)  }
0x2ee: {  	v21 =	vpop (erf)  }
0x2ef: {  	v22 =	vpop (erf)  }
0x2f0: {  	v23 =	vadd.f32 $1.000000000e+00, v20;
	v9 =	vadd.f32 $1.000000000e+00, v22;
	_ =	sdelay $0x1  }
0x2f1: {  	v24 =	vadd.f32 $1.000000000e+00, v21;
	v9 =	vmul.f32 v9, v23;
	_ =	sdelay $0x1  }
0x2f2: {  	v9 =	vmul.f32 v9, v24;
	_ =	sdelay $0x1  }
0x2f3: {  	(erf) = vrcp.f32 v9;
	_ =	sdelay $0x5  }
0x2f4: {  	v7 =	vsub.f32 v21, v20;
	_ =	sdelay $0x1  }
0x2f5: {  	v7 =	vmul.f32 $1.700000050e+00, v7  }
0x2f6: {  	v25 =	vpop (erf)  }
0x2f7: {  	v7 =	vmul.f32 v25, v7;
	_ =	sdelay $0x1  }
0x2f8: {  	v7 =	vsub.f32 $0.0e+00, v7;
	_ =	sdelay $0x1  }
0x2f9: {  	v7 =	vmul.f32 $1.442695020e+00, v7;
	_ =	sdelay $0x1  }
0x2fa: {  	(erf) = vpow2.f32 v7;
	_ =	sdelay $0x8  }
0x2fb: {  	v7 =	vpop (erf)  }
0x2fc: {  	v7 =	vadd.f32 $1.000000000e+00, v7;
	_ =	sdelay $0x1  }
0x2fd: {  	(erf) = vrcp.f32 v7;
	_ =	sdelay $0x2  }
0x2fe: {  	[tilespmem:$0xB00] =	vst v0  }
0x2ff: {  	[tilespmem:$0xB10] =	vst v1  }
0x300: {  	[tilespmem:$0xB20] =	vst v2  }
0x301: {  	[tilespmem:$0xB30] =	vst v35  }
0x302: {  	[tilespmem:$0xB40] =	vst v47  }
0x303: {  	[tilespmem:$0xB50] =	vst v59  }
0x304: {  	[tilespmem:$0xB60] =	vst v19;
	v26 =	vpop (erf)  }
0x305: {  	s22 =	rddreg [dreg:$0x11];
	[tilespmem:$0xB70] =	vst v26  }
0x306: {  	[hbm4b:s22+s5] =	stream.linear.scatter [tilespmem:s29], [sflag:$0x1], $0x80, $0x38;
	[tilespmem:$0xC00] =	vst v63  }
0x307: {  	_ =	swait.ge [sflag:s30], $0x80  }
0x308: {  	[sflag:s30] =	ssyncset.done $0x0  }
0x309: {  	[sflag:s30] =	ssyncadd.s32 $0xFFFFFF80  }
0x30a: {  	_ =	swait.ge [sflag:s30], $0x80  }
0x30b: {  	[sflag:s30] =	ssyncset.done $0x0  }
0x30c: {  	[sflag:s30] =	ssyncadd.s32 $0xFFFFFF80  }
0x30d: {  	_ =	swait.ge [sflag:s30], $0x80  }
0x30e: {  	[sflag:s30] =	ssyncset.done $0x0  }
0x30f: {  	[sflag:s30] =	ssyncadd.s32 $0xFFFFFF80  }
0x310: {  	v27 =	vld [tilespmem:$0x580]  }
0x311: {  	v28 =	vld [tilespmem:$0x780]  }
0x312: {  	v29 =	vld [tilespmem:$0x980];
	_ =	sdelay $0x2  }
0x313: {  	v0 =	vsub.f32 $0.0e+00, v27  }
0x314: {  	v1 =	vsub.f32 $0.0e+00, v28  }
0x315: {  	v2 =	vsub.f32 $0.0e+00, v29;
	v0 =	vmul.f32 $1.442695020e+00, v0  }
0x316: {  	v1 =	vmul.f32 $1.442695020e+00, v1  }
0x317: {  	v30 =	vmul.f32 $1.442695020e+00, v2;
	(erf) = vpow2.f32 v0  }
0x318: {  	(erf) = vpow2.f32 v1  }
0x319: {  	(erf) = vpow2.f32 v30;
	_ =	sdelay $0x6  }
0x31a: {  	v31 =	vpop (erf)  }
0x31b: {  	v1 =	vpop (erf)  }
0x31c: {  	v32 =	vpop (erf)  }
0x31d: {  	v33 =	vadd.f32 $1.000000000e+00, v31;
	v2 =	vadd.f32 $1.000000000e+00, v32;
	_ =	sdelay $0x1  }
0x31e: {  	v34 =	vadd.f32 $1.000000000e+00, v1;
	v2 =	vmul.f32 v2, v33;
	_ =	sdelay $0x1  }
0x31f: {  	v2 =	vmul.f32 v2, v34;
	_ =	sdelay $0x1  }
0x320: {  	(erf) = vrcp.f32 v2;
	_ =	sdelay $0x5  }
0x321: {  	v0 =	vsub.f32 v1, v31;
	_ =	sdelay $0x1  }
0x322: {  	v0 =	vmul.f32 $1.700000050e+00, v0  }
0x323: {  	v35 =	vpop (erf)  }
0x324: {  	v0 =	vmul.f32 v35, v0;
	_ =	sdelay $0x1  }
0x325: {  	v0 =	vsub.f32 $0.0e+00, v0;
	_ =	sdelay $0x1  }
0x326: {  	v0 =	vmul.f32 $1.442695020e+00, v0;
	_ =	sdelay $0x1  }
0x327: {  	(erf) = vpow2.f32 v0;
	_ =	sdelay $0x3  }
0x328: {  	v36 =	vld [tilespmem:$0x590]  }
0x329: {  	v37 =	vld [tilespmem:$0x790]  }
0x32a: {  	v38 =	vld [tilespmem:$0x990];
	_ =	sdelay $0x2  }
0x32b: {  	v0 =	vsub.f32 $0.0e+00, v36;
	v39 =	vpop (erf)  }
0x32c: {  	v1 =	vsub.f32 $0.0e+00, v37;
	v3 =	vadd.f32 $1.000000000e+00, v39  }
0x32d: {  	v2 =	vsub.f32 $0.0e+00, v38;
	v0 =	vmul.f32 $1.442695020e+00, v0  }
0x32e: {  	v1 =	vmul.f32 $1.442695020e+00, v1;
	(erf) = vrcp.f32 v3  }
0x32f: {  	v40 =	vmul.f32 $1.442695020e+00, v2;
	(erf) = vpow2.f32 v0  }
0x330: {  	(erf) = vpow2.f32 v1  }
0x331: {  	(erf) = vpow2.f32 v40;
	_ =	sdelay $0x5  }
0x332: {  	v0 =	vpop (erf)  }
0x333: {  	v41 =	vpop (erf)  }
0x334: {  	v42 =	vpop (erf)  }
0x335: {  	v43 =	vpop (erf)  }
0x336: {  	v44 =	vadd.f32 $1.000000000e+00, v41;
	v3 =	vadd.f32 $1.000000000e+00, v43;
	_ =	sdelay $0x1  }
0x337: {  	v45 =	vadd.f32 $1.000000000e+00, v42;
	v3 =	vmul.f32 v3, v44;
	_ =	sdelay $0x1  }
0x338: {  	v3 =	vmul.f32 v3, v45;
	_ =	sdelay $0x1  }
0x339: {  	(erf) = vrcp.f32 v3;
	_ =	sdelay $0x5  }
0x33a: {  	v1 =	vsub.f32 v42, v41;
	_ =	sdelay $0x1  }
0x33b: {  	v1 =	vmul.f32 $1.700000050e+00, v1  }
0x33c: {  	v46 =	vpop (erf)  }
0x33d: {  	v1 =	vmul.f32 v46, v1;
	_ =	sdelay $0x1  }
0x33e: {  	v1 =	vsub.f32 $0.0e+00, v1;
	_ =	sdelay $0x1  }
0x33f: {  	v1 =	vmul.f32 $1.442695020e+00, v1;
	_ =	sdelay $0x1  }
0x340: {  	(erf) = vpow2.f32 v1;
	_ =	sdelay $0x3  }
0x341: {  	v47 =	vld [tilespmem:$0x5A0]  }
0x342: {  	v48 =	vld [tilespmem:$0x7A0]  }
0x343: {  	v49 =	vld [tilespmem:$0x9A0];
	_ =	sdelay $0x2  }
0x344: {  	v1 =	vsub.f32 $0.0e+00, v47;
	v50 =	vpop (erf)  }
0x345: {  	v2 =	vsub.f32 $0.0e+00, v48;
	v4 =	vadd.f32 $1.000000000e+00, v50  }
0x346: {  	v3 =	vsub.f32 $0.0e+00, v49;
	v1 =	vmul.f32 $1.442695020e+00, v1  }
0x347: {  	v2 =	vmul.f32 $1.442695020e+00, v2;
	(erf) = vrcp.f32 v4  }
0x348: {  	v51 =	vmul.f32 $1.442695020e+00, v3;
	(erf) = vpow2.f32 v1  }
0x349: {  	(erf) = vpow2.f32 v2  }
0x34a: {  	(erf) = vpow2.f32 v51;
	_ =	sdelay $0x5  }
0x34b: {  	v1 =	vpop (erf)  }
0x34c: {  	v52 =	vpop (erf)  }
0x34d: {  	v53 =	vpop (erf)  }
0x34e: {  	v54 =	vpop (erf)  }
0x34f: {  	v55 =	vadd.f32 $1.000000000e+00, v52;
	v4 =	vadd.f32 $1.000000000e+00, v54;
	_ =	sdelay $0x1  }
0x350: {  	v56 =	vadd.f32 $1.000000000e+00, v53;
	v4 =	vmul.f32 v4, v55;
	_ =	sdelay $0x1  }
0x351: {  	v4 =	vmul.f32 v4, v56;
	_ =	sdelay $0x1  }
0x352: {  	(erf) = vrcp.f32 v4;
	_ =	sdelay $0x5  }
0x353: {  	v2 =	vsub.f32 v53, v52;
	_ =	sdelay $0x1  }
0x354: {  	v2 =	vmul.f32 $1.700000050e+00, v2  }
0x355: {  	v57 =	vpop (erf)  }
0x356: {  	v2 =	vmul.f32 v57, v2;
	_ =	sdelay $0x1  }
0x357: {  	v2 =	vsub.f32 $0.0e+00, v2;
	_ =	sdelay $0x1  }
0x358: {  	v2 =	vmul.f32 $1.442695020e+00, v2;
	_ =	sdelay $0x1  }
0x359: {  	(erf) = vpow2.f32 v2;
	_ =	sdelay $0x3  }
0x35a: {  	v58 =	vld [tilespmem:$0x5B0]  }
0x35b: {  	v59 =	vld [tilespmem:$0x7B0]  }
0x35c: {  	v60 =	vld [tilespmem:$0x9B0];
	_ =	sdelay $0x2  }
0x35d: {  	v2 =	vsub.f32 $0.0e+00, v58;
	v61 =	vpop (erf)  }
0x35e: {  	v3 =	vsub.f32 $0.0e+00, v59;
	v5 =	vadd.f32 $1.000000000e+00, v61  }
0x35f: {  	v4 =	vsub.f32 $0.0e+00, v60;
	v2 =	vmul.f32 $1.442695020e+00, v2  }
0x360: {  	v3 =	vmul.f32 $1.442695020e+00, v3;
	(erf) = vrcp.f32 v5  }
0x361: {  	v62 =	vmul.f32 $1.442695020e+00, v4;
	(erf) = vpow2.f32 v2  }
0x362: {  	(erf) = vpow2.f32 v3  }
0x363: {  	(erf) = vpow2.f32 v62;
	_ =	sdelay $0x5  }
0x364: {  	v63 =	vpop (erf)  }
0x365: {  	v9 =	vpop (erf)  }
0x366: {  	v10 =	vpop (erf)  }
0x367: {  	v11 =	vpop (erf)  }
0x368: {  	v12 =	vadd.f32 $1.000000000e+00, v9;
	v5 =	vadd.f32 $1.000000000e+00, v11;
	_ =	sdelay $0x1  }
0x369: {  	v13 =	vadd.f32 $1.000000000e+00, v10;
	v5 =	vmul.f32 v5, v12;
	_ =	sdelay $0x1  }
0x36a: {  	v5 =	vmul.f32 v5, v13;
	_ =	sdelay $0x1  }
0x36b: {  	(erf) = vrcp.f32 v5;
	_ =	sdelay $0x5  }
0x36c: {  	v3 =	vsub.f32 v10, v9;
	_ =	sdelay $0x1  }
0x36d: {  	v3 =	vmul.f32 $1.700000050e+00, v3  }
0x36e: {  	v14 =	vpop (erf)  }
0x36f: {  	v3 =	vmul.f32 v14, v3;
	_ =	sdelay $0x1  }
0x370: {  	v3 =	vsub.f32 $0.0e+00, v3;
	_ =	sdelay $0x1  }
0x371: {  	v3 =	vmul.f32 $1.442695020e+00, v3;
	_ =	sdelay $0x1  }
0x372: {  	(erf) = vpow2.f32 v3;
	_ =	sdelay $0x3  }
0x373: {  	v15 =	vld [tilespmem:$0x5C0]  }
0x374: {  	v16 =	vld [tilespmem:$0x7C0]  }
0x375: {  	v17 =	vld [tilespmem:$0x9C0];
	_ =	sdelay $0x2  }
0x376: {  	v3 =	vsub.f32 $0.0e+00, v15;
	v18 =	vpop (erf)  }
0x377: {  	v4 =	vsub.f32 $0.0e+00, v16;
	v6 =	vadd.f32 $1.000000000e+00, v18  }
0x378: {  	v5 =	vsub.f32 $0.0e+00, v17;
	v3 =	vmul.f32 $1.442695020e+00, v3  }
0x379: {  	v4 =	vmul.f32 $1.442695020e+00, v4;
	(erf) = vrcp.f32 v6  }
0x37a: {  	v19 =	vmul.f32 $1.442695020e+00, v5;
	(erf) = vpow2.f32 v3  }
0x37b: {  	(erf) = vpow2.f32 v4  }
0x37c: {  	(erf) = vpow2.f32 v19;
	_ =	sdelay $0x5  }
0x37d: {  	v20 =	vpop (erf)  }
0x37e: {  	v21 =	vpop (erf)  }
0x37f: {  	v22 =	vpop (erf)  }
0x380: {  	v23 =	vpop (erf)  }
0x381: {  	v24 =	vadd.f32 $1.000000000e+00, v21;
	v6 =	vadd.f32 $1.000000000e+00, v23;
	_ =	sdelay $0x1  }
0x382: {  	v25 =	vadd.f32 $1.000000000e+00, v22;
	v6 =	vmul.f32 v6, v24;
	_ =	sdelay $0x1  }
0x383: {  	v6 =	vmul.f32 v6, v25;
	_ =	sdelay $0x1  }
0x384: {  	(erf) = vrcp.f32 v6;
	_ =	sdelay $0x5  }
0x385: {  	v4 =	vsub.f32 v22, v21;
	_ =	sdelay $0x1  }
0x386: {  	v4 =	vmul.f32 $1.700000050e+00, v4  }
0x387: {  	v26 =	vpop (erf)  }
0x388: {  	v4 =	vmul.f32 v26, v4;
	_ =	sdelay $0x1  }
0x389: {  	v4 =	vsub.f32 $0.0e+00, v4;
	_ =	sdelay $0x1  }
0x38a: {  	v4 =	vmul.f32 $1.442695020e+00, v4;
	_ =	sdelay $0x1  }
0x38b: {  	(erf) = vpow2.f32 v4;
	_ =	sdelay $0x3  }
0x38c: {  	v27 =	vld [tilespmem:$0x5D0]  }
0x38d: {  	v28 =	vld [tilespmem:$0x7D0]  }
0x38e: {  	v29 =	vld [tilespmem:$0x9D0];
	_ =	sdelay $0x2  }
0x38f: {  	v4 =	vsub.f32 $0.0e+00, v27;
	v30 =	vpop (erf)  }
0x390: {  	v5 =	vsub.f32 $0.0e+00, v28;
	v7 =	vadd.f32 $1.000000000e+00, v30  }
0x391: {  	v6 =	vsub.f32 $0.0e+00, v29;
	v4 =	vmul.f32 $1.442695020e+00, v4  }
0x392: {  	v5 =	vmul.f32 $1.442695020e+00, v5;
	(erf) = vrcp.f32 v7  }
0x393: {  	v31 =	vmul.f32 $1.442695020e+00, v6;
	(erf) = vpow2.f32 v4  }
0x394: {  	(erf) = vpow2.f32 v5  }
0x395: {  	(erf) = vpow2.f32 v31;
	_ =	sdelay $0x5  }
0x396: {  	v32 =	vpop (erf)  }
0x397: {  	v33 =	vpop (erf)  }
0x398: {  	v34 =	vpop (erf)  }
0x399: {  	v35 =	vpop (erf)  }
0x39a: {  	v36 =	vadd.f32 $1.000000000e+00, v33;
	v7 =	vadd.f32 $1.000000000e+00, v35;
	_ =	sdelay $0x1  }
0x39b: {  	v37 =	vadd.f32 $1.000000000e+00, v34;
	v7 =	vmul.f32 v7, v36;
	_ =	sdelay $0x1  }
0x39c: {  	v7 =	vmul.f32 v7, v37;
	_ =	sdelay $0x1  }
0x39d: {  	(erf) = vrcp.f32 v7;
	_ =	sdelay $0x5  }
0x39e: {  	v5 =	vsub.f32 v34, v33;
	_ =	sdelay $0x1  }
0x39f: {  	v5 =	vmul.f32 $1.700000050e+00, v5  }
0x3a0: {  	v38 =	vpop (erf)  }
0x3a1: {  	v5 =	vmul.f32 v38, v5;
	_ =	sdelay $0x1  }
0x3a2: {  	v5 =	vsub.f32 $0.0e+00, v5;
	_ =	sdelay $0x1  }
0x3a3: {  	v5 =	vmul.f32 $1.442695020e+00, v5;
	_ =	sdelay $0x1  }
0x3a4: {  	(erf) = vpow2.f32 v5;
	_ =	sdelay $0x3  }
0x3a5: {  	v39 =	vld [tilespmem:$0x5E0]  }
0x3a6: {  	v40 =	vld [tilespmem:$0x7E0]  }
0x3a7: {  	v41 =	vld [tilespmem:$0x9E0];
	_ =	sdelay $0x2  }
0x3a8: {  	v5 =	vsub.f32 $0.0e+00, v39;
	v42 =	vpop (erf)  }
0x3a9: {  	v6 =	vsub.f32 $0.0e+00, v40;
	v8 =	vadd.f32 $1.000000000e+00, v42  }
0x3aa: {  	v7 =	vsub.f32 $0.0e+00, v41;
	v5 =	vmul.f32 $1.442695020e+00, v5  }
0x3ab: {  	v6 =	vmul.f32 $1.442695020e+00, v6;
	(erf) = vrcp.f32 v8  }
0x3ac: {  	v43 =	vmul.f32 $1.442695020e+00, v7;
	(erf) = vpow2.f32 v5  }
0x3ad: {  	(erf) = vpow2.f32 v6  }
0x3ae: {  	(erf) = vpow2.f32 v43;
	_ =	sdelay $0x5  }
0x3af: {  	v44 =	vpop (erf)  }
0x3b0: {  	v45 =	vpop (erf)  }
0x3b1: {  	v46 =	vpop (erf)  }
0x3b2: {  	v47 =	vpop (erf)  }
0x3b3: {  	v48 =	vadd.f32 $1.000000000e+00, v45;
	v8 =	vadd.f32 $1.000000000e+00, v47;
	_ =	sdelay $0x1  }
0x3b4: {  	v49 =	vadd.f32 $1.000000000e+00, v46;
	v8 =	vmul.f32 v8, v48;
	_ =	sdelay $0x1  }
0x3b5: {  	v8 =	vmul.f32 v8, v49;
	_ =	sdelay $0x1  }
0x3b6: {  	(erf) = vrcp.f32 v8;
	_ =	sdelay $0x5  }
0x3b7: {  	v6 =	vsub.f32 v46, v45;
	_ =	sdelay $0x1  }
0x3b8: {  	v6 =	vmul.f32 $1.700000050e+00, v6  }
0x3b9: {  	v50 =	vpop (erf)  }
0x3ba: {  	v6 =	vmul.f32 v50, v6;
	_ =	sdelay $0x1  }
0x3bb: {  	v6 =	vsub.f32 $0.0e+00, v6;
	_ =	sdelay $0x1  }
0x3bc: {  	v6 =	vmul.f32 $1.442695020e+00, v6;
	_ =	sdelay $0x1  }
0x3bd: {  	(erf) = vpow2.f32 v6;
	_ =	sdelay $0x3  }
0x3be: {  	v51 =	vld [tilespmem:$0x5F0]  }
0x3bf: {  	v52 =	vld [tilespmem:$0x7F0]  }
0x3c0: {  	v53 =	vld [tilespmem:$0x9F0];
	_ =	sdelay $0x2  }
0x3c1: {  	v6 =	vsub.f32 $0.0e+00, v51;
	v54 =	vpop (erf)  }
0x3c2: {  	v7 =	vsub.f32 $0.0e+00, v52;
	v9 =	vadd.f32 $1.000000000e+00, v54  }
0x3c3: {  	v8 =	vsub.f32 $0.0e+00, v53;
	v6 =	vmul.f32 $1.442695020e+00, v6  }
0x3c4: {  	v7 =	vmul.f32 $1.442695020e+00, v7;
	(erf) = vrcp.f32 v9  }
0x3c5: {  	v55 =	vmul.f32 $1.442695020e+00, v8;
	(erf) = vpow2.f32 v6  }
0x3c6: {  	(erf) = vpow2.f32 v7  }
0x3c7: {  	(erf) = vpow2.f32 v55;
	_ =	sdelay $0x5  }
0x3c8: {  	v56 =	vpop (erf)  }
0x3c9: {  	v57 =	vpop (erf)  }
0x3ca: {  	v58 =	vpop (erf)  }
0x3cb: {  	v59 =	vpop (erf)  }
0x3cc: {  	v60 =	vadd.f32 $1.000000000e+00, v57;
	v9 =	vadd.f32 $1.000000000e+00, v59;
	_ =	sdelay $0x1  }
0x3cd: {  	v61 =	vadd.f32 $1.000000000e+00, v58;
	v9 =	vmul.f32 v9, v60;
	_ =	sdelay $0x1  }
0x3ce: {  	v9 =	vmul.f32 v9, v61;
	_ =	sdelay $0x1  }
0x3cf: {  	(erf) = vrcp.f32 v9;
	_ =	sdelay $0x5  }
0x3d0: {  	v7 =	vsub.f32 v58, v57;
	_ =	sdelay $0x1  }
0x3d1: {  	v7 =	vmul.f32 $1.700000050e+00, v7  }
0x3d2: {  	v62 =	vpop (erf)  }
0x3d3: {  	v7 =	vmul.f32 v62, v7;
	_ =	sdelay $0x1  }
0x3d4: {  	v7 =	vsub.f32 $0.0e+00, v7;
	_ =	sdelay $0x1  }
0x3d5: {  	v7 =	vmul.f32 $1.442695020e+00, v7;
	_ =	sdelay $0x1  }
0x3d6: {  	(erf) = vpow2.f32 v7;
	_ =	sdelay $0x8  }
0x3d7: {  	v7 =	vpop (erf)  }
0x3d8: {  	v7 =	vadd.f32 $1.000000000e+00, v7;
	_ =	sdelay $0x1  }
0x3d9: {  	(erf) = vrcp.f32 v7;
	_ =	sdelay $0x2  }
0x3da: {  	[tilespmem:$0xB80] =	vst v0  }
0x3db: {  	[tilespmem:$0xB90] =	vst v1  }
0x3dc: {  	[tilespmem:$0xBA0] =	vst v63  }
0x3dd: {  	[tilespmem:$0xBB0] =	vst v20  }
0x3de: {  	[tilespmem:$0xBC0] =	vst v32  }
0x3df: {  	[tilespmem:$0xBD0] =	vst v44  }
0x3e0: {  	[tilespmem:$0xBE0] =	vst v56;
	v63 =	vpop (erf)  }
0x3e1: {  	s22 =	rddreg [dreg:$0x12];
	[tilespmem:$0xBF0] =	vst v63  }
0x3e2: {  	[hbm4b:s22+s5] =	stream.linear.scatter [tilespmem:s31], [sflag:$0x1], $0x80, $0x38;
	[tilespmem:$0xC00] =	vst v63  }
0x3e3: {  	_ =	swait.ge [sflag:s0], $0x40  }
0x3e4: {  	[sflag:s0] =	ssyncset.done $0x0  }
0x3e5: {  	[sflag:s0] =	ssyncadd.s32 $0xFFFFFFC0  }
0x3e6: {  	_ =	swait.ge [sflag:s0], $0x40  }
0x3e7: {  	[sflag:s0] =	ssyncset.done $0x0  }
0x3e8: {  	[sflag:s0] =	ssyncadd.s32 $0xFFFFFFC0  }
0x3e9: {  	_ =	swait.ge [sflag:s0], $0x80  }
0x3ea: {  	[sflag:s0] =	ssyncset.done $0x0  }
0x3eb: {  	[sflag:s0] =	ssyncadd.s32 $0xFFFFFF80  }
0x3ec: {  	p0 =	sne.s32 s7, $0x1;
	_ =	swait.ge [sflag:s0], $0x80  }
.Ltmp0:
0x3ed: {  	[sflag:s0] =	ssyncset.done $0x0;
	(pc) =	sbr.rel @p0 .LBB2_1-.Ltmp0, $4  }
0x3ee: {  	[sflag:s0] =	ssyncadd.s32 $0xFFFFFF80  }
0x3ef: {  	_ =	swait.ge [sflag:s0], $0x80  }
0x3f0: {  	[sflag:s0] =	ssyncset.done $0x0  }
0x3f1: {  	s7 =	sadd.s32 $0xFFFFFFFF, s7;
	[sflag:s0] =	ssyncadd.s32 $0xFFFFFF80  }
0x3f2: {  	_ =	sfence.sel $0x180000  }
0x3f3: {  	[bflag:$0x0] =	sbarrier.arrive $0xFFFF  }
0x3f4: {  	_ =	strace $0x90000047  }
0x3f5: {  	s0 =	stileid.u32;
	[bflag:$0x2] =	sbarrier.arrive $0xFFFF  }
0x3f6: {  	p0 =	sne.s32 s0, $0x0;
	s0 =	rddreg [dreg:$0x6]  }
0x3f7: {  	s0 =	sadd.s32 @!p0 $0x100000, s0  }
0x3f8: {  	[sflag:s0] =	ssyncadd.tile.s32 @!p0 $0x1;
	_ =	shalt  }
.Lfunc_end2:
_tile_overlayer_lowered:
.L_overlay_start_2:
0x3f9: {  	(tag) =	ssettag $0x2  }
0x3fa: {  	s0 =	rddreg [dreg:$0x0];
	s2 =	stileid.u32  }
0x3fb: {  	s1 =	rddreg [dreg:$0x1];
	p0 =	sne.s32 s2, $0x0  }
0x3fc: {  	s3 =	rddreg [dreg:$0x2];
	[bflag:$0x3] =	sbarrier.arrive $0xFFFF;
	s2 =	simm.s32 @!p0 $0x1C0B  }
0x3fd: {  	[timem:s3], [sflag:s2] =	dma.local @!p0 [hbm:s0], s1  }
0x3fe: {  	s0 =	simm.s32 @!p0 $0xB  }
0x3ff: {  	_ =	swait.ge @!p0 [sflag:s0], s1  }
0x400: {  	s1 =	ssub.s32 @!p0 $0x0, s1;
	[sflag:s0] =	ssyncset.done @!p0 $0x0  }
0x401: {  	[sflag:s0] =	ssyncadd.s32 @!p0 s1  }
0x402: {  	[bflag:$0x3] =	sbarrier.arrive $0xFFFF  }
0x403: {  	_ =	shalt  }

</sc_bundles>
